<compile_context>
chip_gen: v7x
topology: tpu7x:2x2x1
jax: 0.10.2.dev20260603
libtpu: 0.0.44.dev20260713+nightly
codegen_flags: <defaults>
</compile_context>

<pallas_src>
import functools

import jax
import jax.numpy as jnp
from jax import lax
from jax.experimental import pallas as pl
from jax.experimental.pallas import tpu as pltpu
from jax.experimental.pallas import tpu_sc as plsc

NC, NS, L = 2, 16, 16
NW = NC * NS
S_DIM = 1000000
A_DIM = 32
B = 16384
LR = 0.01

MAIN_BLKS = 7812
MAIN = MAIN_BLKS * 128
TAIL = S_DIM - MAIN
SA_BLK = 22
WA = SA_BLK * 128
TRIPS_A = 12
SB_BLK = 18
WB = SB_BLK * 128
TRIPS_B = 14
NBLK = B // L
CAP = B

_mesh = plsc.VectorSubcoreMesh(
    core_axis_name="c", subcore_axis_name="s", num_cores=NC, num_subcores=NS)
_params = pltpu.CompilerParams(needs_layout_passes=False)


def _iota16():
    return lax.iota(jnp.int32, L)


def _wid():
    return lax.axis_index("s") * NC + lax.axis_index("c")


def _scalar(v16):
    return lax.reduce_max(v16, (0,))


def _region(w):
    lo_b = (w * MAIN_BLKS) // NW
    hi_b = ((w + 1) * MAIN_BLKS) // NW
    return lo_b, hi_b


def _chunk_bounds(c, lo_b, hi_b, s_blk, trips):
    n = hi_b - lo_b
    st_b = lo_b + jnp.minimum(c * s_blk, n - s_blk)
    nx_b = jnp.where(c + 1 >= trips, hi_b,
                     lo_b + jnp.minimum((c + 1) * s_blk, n - s_blk))
    return st_b * 128, st_b * 128, nx_b * 128


def _dedup_tot(fidx, val, valid, ksr, csr, vsr):
    big = jnp.where(valid, fidx, jnp.int32(0x7FFFFFFF))
    v = jnp.where(valid, val, 0.0)
    ks, vs = plsc.sort_key_val(big, v)
    io = _iota16()
    ksr[pl.ds(0, L)] = ks
    prev = plsc.load_gather(ksr, [jnp.maximum(io - 1, 0)])
    nxt = plsc.load_gather(ksr, [jnp.minimum(io + 1, L - 1)])
    rs = (io == 0) | (ks != prev)
    re = (io == L - 1) | (ks != nxt)
    cs = plsc.cumsum(vs)
    csr[pl.ds(0, L)] = cs
    vsr[pl.ds(0, L)] = vs
    bs = plsc.cummax(jnp.where(rs, io, 0))
    base = plsc.load_gather(csr, [bs]) - plsc.load_gather(vsr, [bs])
    tot = cs - base
    ok = re & (ks != jnp.int32(0x7FFFFFFF))
    return ks, tot, ok


@functools.partial(
    pl.kernel,
    out_type=jax.ShapeDtypeStruct((NC * B,), jnp.float32),
    mesh=_mesh,
    scratch_types=[
        pltpu.VMEM_SHARED((B,), jnp.float32),
        pltpu.VMEM((A_DIM, WA), jnp.float32),
        pltpu.VMEM((B,), jnp.int32),
        pltpu.VMEM((CAP,), jnp.int32),
        pltpu.VMEM((4, 128), jnp.int32),
        pltpu.VMEM((4, 128), jnp.float32),
        pltpu.VMEM((TAIL * A_DIM,), jnp.float32),
        pltpu.VMEM((1024,), jnp.float32),
        pltpu.VMEM((L,), jnp.int32),
        pltpu.VMEM((L,), jnp.float32),
        pltpu.SemaphoreType.DMA,
    ],
    compiler_params=_params,
)
def _passA(ns_h, qtail_h, qT, qn_out,
           qn_sh, buf, nsv, own_ns, sidx, sval, tailv, zbuf, tidx, tval, sem):
    w = _wid()
    cid = lax.axis_index("c")
    sid = lax.axis_index("s")
    pltpu.sync_copy(ns_h, nsv)

    lo_b, hi_b = _region(w)
    lo_s, hi_s = lo_b * 128, hi_b * 128

    def build(b, cur):
        o = b * L
        ns = nsv[pl.ds(o, L)]
        mn = (ns >= lo_s) & (ns < hi_s)
        plsc.store_compressed(own_ns.at[pl.ds(cur, L)], o + _iota16(),
                              mask=mn)
        return cur + _scalar(plsc.all_reduce_population_count(mn))
    cnt_ns = lax.fori_loop(0, NBLK, build, 0)

    def z(b, _):
        zbuf[pl.ds(b * L, L)] = jnp.zeros((L,), jnp.float32)
        return 0
    lax.fori_loop(0, 1024 // L, z, 0)
    pltpu.sync_copy(zbuf, qn_sh.at[pl.ds(sid * 1024, 1024)])
    plsc.subcore_barrier()

    zero16 = jnp.zeros((L,), jnp.float32)
    zero16i = jnp.zeros((L,), jnp.int32)
    tn32 = ((cnt_ns + (32 * L - 1)) // (32 * L)) * 32

    def chunk(c, _):
        s0, can_lo, can_hi = _chunk_bounds(c, lo_b, hi_b, SA_BLK, TRIPS_A)
        pltpu.sync_copy(qT.at[pl.ds(0, A_DIM), pl.ds(s0, WA)], buf)

        def nblk_body(b, _):
            g = (b % 32) // 8
            r = (b % 8) * L
            ids = jnp.where((b * L + _iota16()) < cnt_ns,
                            own_ns[pl.ds(b * L, L)], 0)
            ns = plsc.load_gather(nsv, [ids])
            msk = ((b * L + _iota16()) < cnt_ns) \
                & (ns >= can_lo) & (ns < can_hi)

            def active(_):
                col = jnp.where(msk, ns - s0, 0)
                m = plsc.load_gather(buf, [zero16i, col])
                for a in range(1, A_DIM):
                    m = jnp.maximum(m, plsc.load_gather(
                        buf, [jnp.full((L,), a, jnp.int32), col]))
                sidx[g, pl.ds(r, L)] = jnp.where(msk, ids, 0)
                sval[g, pl.ds(r, L)] = jnp.where(msk, m, 0.0)
                return 0

            def idle(_):
                sidx[g, pl.ds(r, L)] = zero16i
                sval[g, pl.ds(r, L)] = zero16
                return 0

            lax.cond(jnp.any(msk), active, idle, 0)

            @pl.when(b % 32 == 31)
            def _():
                cps = [pltpu.async_copy(sval.at[j], qn_sh.at[sidx.at[j]],
                                        sem, add=True) for j in range(4)]
                for cp in cps:
                    cp.wait()
            return 0

        lax.fori_loop(0, tn32, nblk_body, 0)
        return 0

    lax.fori_loop(0, TRIPS_A, chunk, 0)

    @pl.when(w == 0)
    def _tail():
        pltpu.sync_copy(qtail_h, tailv)

        def blk(b, _):
            o = b * L
            ids = o + _iota16()
            ns = nsv[pl.ds(o, L)]
            mn = ns >= MAIN

            def do_ns(_):
                col = jnp.where(mn, (ns - MAIN) * A_DIM, 0)
                m = plsc.load_gather(tailv, [col])
                for a in range(1, A_DIM):
                    m = jnp.maximum(m, plsc.load_gather(tailv, [col + a]))
                tidx[pl.ds(0, L)] = jnp.where(mn, ids, 0)
                tval[pl.ds(0, L)] = jnp.where(mn, m, 0.0)
                pltpu.sync_copy(tval, qn_sh.at[tidx], add=True)
                return 0
            lax.cond(jnp.any(mn), do_ns, lambda _: 0, 0)
            return 0

        lax.fori_loop(0, NBLK, blk, 0)

    plsc.subcore_barrier()
    pltpu.sync_copy(qn_sh.at[pl.ds(sid * 1024, 1024)],
                    qn_out.at[pl.ds(cid * B + sid * 1024, 1024)])


PB = B // NW


@functools.partial(
    pl.kernel,
    out_type=(jax.ShapeDtypeStruct((B,), jnp.int32),
              jax.ShapeDtypeStruct((B,), jnp.float32)),
    mesh=_mesh,
    scratch_types=[
        pltpu.VMEM((PB,), jnp.int32),
        pltpu.VMEM((PB,), jnp.int32),
        pltpu.VMEM((PB,), jnp.float32),
        pltpu.VMEM((PB,), jnp.float32),
        pltpu.VMEM((PB,), jnp.float32),
        pltpu.VMEM((PB,), jnp.int32),
        pltpu.VMEM((PB,), jnp.float32),
    ],
    compiler_params=_params,
)
def _passB1(st_h, ac_h, rw_h, qn2_h, key_out, tdt_out,
            stv, acv, rwv, qna, qnb, kv, tv):
    w = _wid()
    base = w * PB
    pltpu.sync_copy(st_h.at[pl.ds(base, PB)], stv)
    pltpu.sync_copy(ac_h.at[pl.ds(base, PB)], acv)
    pltpu.sync_copy(rw_h.at[pl.ds(base, PB)], rwv)
    pltpu.sync_copy(qn2_h.at[pl.ds(base, PB)], qna)
    pltpu.sync_copy(qn2_h.at[pl.ds(B + base, PB)], qnb)

    def blk(b, _):
        o = b * L
        qn = qna[pl.ds(o, L)] + qnb[pl.ds(o, L)]
        tv[pl.ds(o, L)] = rwv[pl.ds(o, L)] + qn
        kv[pl.ds(o, L)] = stv[pl.ds(o, L)] * A_DIM + acv[pl.ds(o, L)]
        return 0
    lax.fori_loop(0, PB // L, blk, 0)

    pltpu.sync_copy(kv, key_out.at[pl.ds(base, PB)])
    pltpu.sync_copy(tv, tdt_out.at[pl.ds(base, PB)])


@functools.partial(
    pl.kernel,
    out_type=(jax.ShapeDtypeStruct((A_DIM, S_DIM), jnp.float32),
              jax.ShapeDtypeStruct((TAIL * A_DIM,), jnp.float32)),
    mesh=_mesh,
    scratch_types=[
        pltpu.VMEM((A_DIM, WB), jnp.float32),
        pltpu.VMEM((B,), jnp.int32),
        pltpu.VMEM((B,), jnp.float32),
        pltpu.VMEM((CAP,), jnp.int32),
        pltpu.VMEM((TAIL * A_DIM,), jnp.float32),
        pltpu.VMEM((L,), jnp.int32),
        pltpu.VMEM((L,), jnp.float32),
        pltpu.VMEM((L,), jnp.float32),
    ],
    compiler_params=_params,
)
def _passB2(qT, qtail_h, key_h, tdt_h, outT, tail_out, buf, keyv, tdtv,
            own_st, tailv, ksr, csr, vsr):
    w = _wid()
    pltpu.sync_copy(key_h, keyv)
    pltpu.sync_copy(tdt_h, tdtv)

    lo_b, hi_b = _region(w)
    klo0, khi0 = lo_b * 128 * A_DIM, hi_b * 128 * A_DIM

    def build(b, cur):
        o = b * L
        key = keyv[pl.ds(o, L)]
        msk = (key >= klo0) & (key < khi0)
        plsc.store_compressed(own_st.at[pl.ds(cur, L)], o + _iota16(),
                              mask=msk)
        return cur + _scalar(plsc.all_reduce_population_count(msk))
    cnt = lax.fori_loop(0, NBLK, build, 0)
    nblk = (cnt + L - 1) // L

    def chunk(c, _):
        s0, can_lo, can_hi = _chunk_bounds(c, lo_b, hi_b, SB_BLK, TRIPS_B)
        pltpu.sync_copy(qT.at[pl.ds(0, A_DIM), pl.ds(s0, WB)], buf)
        klo, khi = can_lo * A_DIM, can_hi * A_DIM

        def read_blk(b, _):
            pos = b * L + _iota16()
            live = pos < cnt
            ids = jnp.where(live, own_st[pl.ds(b * L, L)], 0)
            key = plsc.load_gather(keyv, [ids])
            msk = live & (key >= klo) & (key < khi)

            def active(_):
                st = lax.shift_right_logical(key, 5)
                ac = key & (A_DIM - 1)
                col = jnp.where(msk, st - s0, 0)
                qsa = plsc.load_gather(buf, [ac, col])
                tdt = plsc.load_gather(tdtv, [ids])
                plsc.store_scatter(tdtv, [ids], LR * (tdt - qsa), mask=msk)
                return 0
            lax.cond(jnp.any(msk), active, lambda _: 0, 0)
            return 0

        lax.fori_loop(0, nblk, read_blk, 0)

        def wr_blk(b, _):
            pos = b * L + _iota16()
            live = pos < cnt
            ids = jnp.where(live, own_st[pl.ds(b * L, L)], 0)
            key = plsc.load_gather(keyv, [ids])
            msk = live & (key >= klo) & (key < khi)

            def active(_):
                d = plsc.load_gather(tdtv, [ids])
                st = lax.shift_right_logical(key, 5)
                ac = key & (A_DIM - 1)
                fidx = ac * WB + (st - s0)
                ks, tot, ok = _dedup_tot(fidx, d, msk, ksr, csr, vsr)
                q, r = ks // WB, ks % WB
                plsc.addupdate_scatter(
                    buf, [jnp.where(ok, q, 0), jnp.where(ok, r, 0)],
                    tot, mask=ok)
                return 0
            lax.cond(jnp.any(msk), active, lambda _: 0, 0)
            return 0

        lax.fori_loop(0, nblk, wr_blk, 0)
        pltpu.sync_copy(buf, outT.at[pl.ds(0, A_DIM), pl.ds(s0, WB)])
        return 0

    lax.fori_loop(0, TRIPS_B, chunk, 0)

    @pl.when(w == 0)
    def _tail():
        pltpu.sync_copy(qtail_h, tailv)

        def read_blk(b, _):
            o = b * L
            key = keyv[pl.ds(o, L)]
            msk = key >= MAIN * A_DIM

            def active(_):
                idx = jnp.where(msk, key - MAIN * A_DIM, 0)
                qsa = plsc.load_gather(tailv, [idx])
                tdt = tdtv[pl.ds(o, L)]
                tdtv[pl.ds(o, L)] = jnp.where(msk, LR * (tdt - qsa), tdt)
                return 0
            lax.cond(jnp.any(msk), active, lambda _: 0, 0)
            return 0

        lax.fori_loop(0, NBLK, read_blk, 0)

        def wr_blk(b, _):
            key = keyv[pl.ds(b * L, L)]
            msk = key >= MAIN * A_DIM

            def active(_):
                d = tdtv[pl.ds(b * L, L)]
                fidx = key - MAIN * A_DIM
                ks, tot, ok = _dedup_tot(fidx, d, msk, ksr, csr, vsr)
                plsc.addupdate_scatter(tailv, [jnp.where(ok, ks, 0)], tot,
                                       mask=ok)
                return 0
            lax.cond(jnp.any(msk), active, lambda _: 0, 0)
            return 0

        lax.fori_loop(0, NBLK, wr_blk, 0)
        pltpu.sync_copy(tailv, tail_out)


def kernel(state, action, reward, next_state, instruction, q_table):
    del instruction
    st = state.astype(jnp.int32)
    ac = action.astype(jnp.int32)
    ns = next_state.astype(jnp.int32)
    qT = q_table.T
    qtail = q_table[MAIN:, :].reshape(-1)
    qn2 = _passA(ns, qtail, qT)
    keys, tdt = _passB1(st, ac, reward, qn2)
    outT, tail_out = _passB2(qT, qtail, keys, tdt)
    out = lax.dynamic_update_slice(outT.T, tail_out.reshape(TAIL, A_DIM),
                                   (MAIN, 0))
    return out

# --- scband reference (transcript-rebuilt; emitter-appended) ---
"""Pipeline reference for scband-qlearning-module-77352361001007 (READ-ONLY COPY).

The authoritative reference and input builder live on the scoring server;
editing this copy changes nothing except your own understanding.
"""

import jax, jax.numpy as jnp
import numpy as np

STATE_DIM = 1000000
ACTION_DIM = 32
BATCH = 16384
LR = 0.01

def setup_inputs(seed: int = 0) -> dict:
    key = jax.random.key(seed)
    k1, k2, k3, k4, k5 = jax.random.split(key, 5)
    state = jax.random.randint(k1, (BATCH,), 0, STATE_DIM, dtype=jnp.int64) if jax.config.jax_enable_x64 else jax.random.randint(k1, (BATCH,), 0, STATE_DIM, dtype=jnp.int32)
    action = jax.random.randint(k2, (BATCH,), 0, ACTION_DIM, dtype=state.dtype)
    reward = jax.random.normal(k3, (BATCH,), dtype=jnp.float32)
    next_state = jax.random.randint(k4, (BATCH,), 0, STATE_DIM, dtype=state.dtype)
    instruction = jax.random.randint(k5, (BATCH,), 0, 100, dtype=state.dtype)
    # learned/persistent state: the Q-table (initialized to zeros in the torch module;
    # use small random values here so argmax / TD math is non-degenerate)
    q_table = jax.random.normal(jax.random.fold_in(key, 7), (STATE_DIM, ACTION_DIM), dtype=jnp.float32) * 0.01
    return {"state": state, "action": action, "reward": reward, "next_state": next_state, "instruction": instruction, "q_table": q_table}

def reference(state, action, reward, next_state, instruction, q_table):
    # Vectorized Q-learning TD update over a batch of transitions.
    # gather rows for next_state: [B, A]
    next_rows = jnp.take(q_table, next_state, axis=0)
    # best next action per transition (argmax over actions)
    best_next_action = jnp.argmax(next_rows, axis=-1)
    # Q(s', a*) : [B]
    q_next = jnp.take_along_axis(next_rows, best_next_action[:, None], axis=1)[:, 0]
    td_target = reward + q_next
    # Q(s, a) : [B]
    q_sa = q_table[state, action]
    td_error = td_target - q_sa
    # scatter-add the scaled TD error back into the Q-table
    new_q_table = q_table.at[state, action].add(LR * td_error)
    return new_q_table

if __name__ == "__main__":
    import jax
    _d = setup_inputs()
    print(jax.jit(kernel)(*tuple(_d.values())))

</pallas_src>

<mosaic_0001>
#map = affine_map<(d0, d1) -> (0)>
#map1 = affine_map<(d0, d1) -> (0, 0)>
module attributes {stable_mosaic.version = 14 : i64} {
  func.func @_passA(%arg0: i32, %arg1: i32, %arg2: memref<16384xi32, #tpu.memory_space<hbm>>, %arg3: memref<2048xf32, #tpu.memory_space<hbm>>, %arg4: memref<32x1000000xf32, #tpu.memory_space<hbm>>, %arg5: memref<32768xf32, #tpu.memory_space<hbm>>, %arg6: memref<16384xf32, #tpu.memory_space<vmem_shared>>, %arg7: memref<32x2816xf32, #tpu.memory_space<vmem>>, %arg8: memref<16384xi32, #tpu.memory_space<vmem>>, %arg9: memref<16384xi32, #tpu.memory_space<vmem>>, %arg10: memref<4x128xi32, #tpu.memory_space<vmem>>, %arg11: memref<4x128xf32, #tpu.memory_space<vmem>>, %arg12: memref<2048xf32, #tpu.memory_space<vmem>>, %arg13: memref<1024xf32, #tpu.memory_space<vmem>>, %arg14: memref<16xi32, #tpu.memory_space<vmem>>, %arg15: memref<16xf32, #tpu.memory_space<vmem>>, %arg16: memref<!tpu.dma_semaphore, #tpu.memory_space<semaphore_mem>>) attributes {dimension_semantics = [#tpu.dimension_semantics<core_parallel>, #tpu.dimension_semantics<subcore_parallel>], iteration_bounds = array<i64: 2, 16>, scalar_prefetch = 0 : i64, scratch_operands = 11 : i64, tpu.core_type = #tpu.core_type<sc_vector_subcore>, window_params = [{transform_indices = #map}, {transform_indices = #map}, {transform_indices = #map1}, {transform_indices = #map}]} {
    %mul3A = arith.constant 2 : i32
    %mul3A_0 = arith.muli %arg1, %mul3A : i32
    %add3A = arith.addi %mul3A_0, %arg0 : i32
    "tpu.region"() ({
      %run_scoped3A = tpu.sem_alloc : memref<!tpu.dma_semaphore, #tpu.memory_space<semaphore_mem>>
      tpu.enqueue_dma source(%arg2 : memref<16384xi32, #tpu.memory_space<hbm>>) target(%arg8 : memref<16384xi32, #tpu.memory_space<vmem>>) target_semaphore(%run_scoped3A : memref<!tpu.dma_semaphore, #tpu.memory_space<semaphore_mem>>)
      tpu.wait_dma2 semaphore(%run_scoped3A : memref<!tpu.dma_semaphore, #tpu.memory_space<semaphore_mem>>) src(%arg2 : memref<16384xi32, #tpu.memory_space<hbm>>) dst(%arg8 : memref<16384xi32, #tpu.memory_space<vmem>>)
      tpu.yield
    }) : () -> ()
    %mul3A_1 = arith.constant 7812 : i32
    %mul3A_2 = arith.muli %add3A, %mul3A_1 : i32
    %jit3A = arith.constant 32 : i32
    %div3A = arith.divsi %mul3A_2, %jit3A : i32
    %sign3A = arith.constant 0 : i32
    %sign3A_3 = arith.cmpi sgt, %mul3A_2, %sign3A : i32
    %sign3A_4 = arith.extui %sign3A_3 : i1 to i32
    %sign3A_5 = arith.constant 0 : i32
    %sign3A_6 = arith.cmpi slt, %mul3A_2, %sign3A_5 : i32
    %sign3A_7 = arith.extui %sign3A_6 : i1 to i32
    %sign3A_8 = arith.subi %sign3A_4, %sign3A_7 : i32
    %sign3A_9 = arith.constant 0 : i32
    %sign3A_10 = arith.cmpi sgt, %jit3A, %sign3A_9 : i32
    %sign3A_11 = arith.extui %sign3A_10 : i1 to i32
    %sign3A_12 = arith.constant 0 : i32
    %sign3A_13 = arith.cmpi slt, %jit3A, %sign3A_12 : i32
    %sign3A_14 = arith.extui %sign3A_13 : i1 to i32
    %sign3A_15 = arith.subi %sign3A_11, %sign3A_14 : i32
    %ne3A = arith.cmpi ne, %sign3A_8, %sign3A_15 : i32
    %rem3A = arith.remsi %mul3A_2, %jit3A : i32
    %ne3A_16 = arith.constant 0 : i32
    %ne3A_17 = arith.cmpi ne, %rem3A, %ne3A_16 : i32
    %and3A = arith.andi %ne3A, %ne3A_17 : i1
    %sub3A = arith.constant 1 : i32
    %sub3A_18 = arith.subi %div3A, %sub3A : i32
    %select_n3A = arith.select %and3A, %sub3A_18, %div3A : i32
    %add3A_19 = arith.constant 1 : i32
    %add3A_20 = arith.addi %add3A, %add3A_19 : i32
    %mul3A_21 = arith.constant 7812 : i32
    %mul3A_22 = arith.muli %add3A_20, %mul3A_21 : i32
    %jit3A_23 = arith.constant 32 : i32
    %div3A_24 = arith.divsi %mul3A_22, %jit3A_23 : i32
    %sign3A_25 = arith.constant 0 : i32
    %sign3A_26 = arith.cmpi sgt, %mul3A_22, %sign3A_25 : i32
    %sign3A_27 = arith.extui %sign3A_26 : i1 to i32
    %sign3A_28 = arith.constant 0 : i32
    %sign3A_29 = arith.cmpi slt, %mul3A_22, %sign3A_28 : i32
    %sign3A_30 = arith.extui %sign3A_29 : i1 to i32
    %sign3A_31 = arith.subi %sign3A_27, %sign3A_30 : i32
    %sign3A_32 = arith.constant 0 : i32
    %sign3A_33 = arith.cmpi sgt, %jit3A_23, %sign3A_32 : i32
    %sign3A_34 = arith.extui %sign3A_33 : i1 to i32
    %sign3A_35 = arith.constant 0 : i32
    %sign3A_36 = arith.cmpi slt, %jit3A_23, %sign3A_35 : i32
    %sign3A_37 = arith.extui %sign3A_36 : i1 to i32
    %sign3A_38 = arith.subi %sign3A_34, %sign3A_37 : i32
    %ne3A_39 = arith.cmpi ne, %sign3A_31, %sign3A_38 : i32
    %rem3A_40 = arith.remsi %mul3A_22, %jit3A_23 : i32
    %ne3A_41 = arith.constant 0 : i32
    %ne3A_42 = arith.cmpi ne, %rem3A_40, %ne3A_41 : i32
    %and3A_43 = arith.andi %ne3A_39, %ne3A_42 : i1
    %sub3A_44 = arith.constant 1 : i32
    %sub3A_45 = arith.subi %div3A_24, %sub3A_44 : i32
    %select_n3A_46 = arith.select %and3A_43, %sub3A_45, %div3A_24 : i32
    %mul3A_47 = arith.constant 128 : i32
    %mul3A_48 = arith.muli %select_n3A, %mul3A_47 : i32
    %mul3A_49 = arith.constant 128 : i32
    %mul3A_50 = arith.muli %select_n3A_46, %mul3A_49 : i32
    %scan3A = arith.constant 0 : i32
    %scan3A_51 = arith.constant 0 : i32
    %scan3A_52 = arith.constant 1024 : i32
    %scan3A_53 = arith.addi %scan3A_51, %scan3A_52 : i32
    %scan3A_54 = arith.constant 1 : i32
    %scan3A_55 = scf.for %scan3A_114 = %scan3A_51 to %scan3A_53 step %scan3A_54 iter_args(%scan3A_115 = %scan3A) -> (i32)  : i32 {
      %mul3A_116 = arith.constant 16 : i32
      %mul3A_117 = arith.muli %scan3A_114, %mul3A_116 : i32
      %get3A = arith.index_cast %mul3A_117 : i32 to index
      %get3A_118 = tpu.vector_load %arg8[%get3A] {strides = array<i32>} : memref<16384xi32, #tpu.memory_space<vmem>>, vector<16xi32>,
      %ge3A = vector.broadcast %mul3A_48 : i32 to vector<16xi32>
      %ge3A_119 = arith.cmpi sge, %get3A_118, %ge3A : vector<16xi32>
      %lt3A = vector.broadcast %mul3A_50 : i32 to vector<16xi32>
      %lt3A_120 = arith.cmpi slt, %get3A_118, %lt3A : vector<16xi32>
      %and3A_121 = arith.andi %ge3A_119, %lt3A_120 : vector<16xi1>
      %iota3A = tpu.iota {dimensions = array<i32: 0>} : vector<16xi32>
      %add3A_122 = vector.broadcast %mul3A_117 : i32 to vector<16xi32>
      %add3A_123 = arith.addi %add3A_122, %iota3A : vector<16xi32>
      %swap3A = arith.index_cast %scan3A_115 : i32 to index
      %swap3A_124 = tpu.vector_load %arg9[%swap3A] masked %and3A_121 {strides = array<i32>} : memref<16384xi32, #tpu.memory_space<vmem>>, vector<16xi32>, vector<16xi1>
      tpu.vector_store %arg9[%swap3A], %add3A_123 masked %and3A_121 {strides = array<i32>} : memref<16384xi32, #tpu.memory_space<vmem>>, vector<16xi32>, vector<16xi1>
      %all_reduce_population_count3A = tpu.all_reduce %and3A_121 {dim = 0 : i64, kind = #tpu.reduction_kind<sum>} : vector<16xi1> -> vector<16xi32>
      %reduce_max3A = arith.constant true
      %reduce_max3A_125 = vector.broadcast %reduce_max3A : i1 to vector<16xi1>
      %reduce_max3A_126 = arith.constant -2147483648 : i32
      %reduce_max3A_127 = vector.broadcast %reduce_max3A_126 : i32 to vector<16xi32>
      %reduce_max3A_128 = arith.xori %all_reduce_population_count3A, %reduce_max3A_127 : vector<16xi32>
      %reduce_max3A_129 = tpu.scan <max>, %reduce_max3A_128 masked %reduce_max3A_125 : vector<16xi32>, vector<16xi1> -> vector<16xi32>
      %reduce_max3A_130 = arith.xori %reduce_max3A_129, %reduce_max3A_127 : vector<16xi32>
      %reduce_max3A_131 = vector.extract %reduce_max3A_130[15] : i32 from vector<16xi32>
      %add3A_132 = arith.addi %scan3A_115, %reduce_max3A_131 : i32
      scf.yield %add3A_132 : i32
    }
    %scan3A_56 = arith.constant 1024 : i32
    %scan3A_57 = arith.constant 0 : i32
    %scan3A_58 = arith.constant 0 : i32
    %scan3A_59 = arith.constant 64 : i32
    %scan3A_60 = arith.addi %scan3A_58, %scan3A_59 : i32
    %scan3A_61 = arith.constant 1 : i32
    %scan3A_62 = scf.for %scan3A_114 = %scan3A_58 to %scan3A_60 step %scan3A_61 iter_args(%scan3A_115 = %scan3A_57) -> (i32)  : i32 {
      %broadcast_in_dim3A_116 = arith.constant 0.000000e+00 : f32
      %broadcast_in_dim3A_117 = vector.broadcast %broadcast_in_dim3A_116 : f32 to vector<16xf32>
      %mul3A_118 = arith.constant 16 : i32
      %mul3A_119 = arith.muli %scan3A_114, %mul3A_118 : i32
      %swap3A = arith.index_cast %mul3A_119 : i32 to index
      %swap3A_120 = tpu.vector_load %arg13[%swap3A] {strides = array<i32>} : memref<1024xf32, #tpu.memory_space<vmem>>, vector<16xf32>,
      tpu.vector_store %arg13[%swap3A], %broadcast_in_dim3A_117 {strides = array<i32>} : memref<1024xf32, #tpu.memory_space<vmem>>, vector<16xf32>,
      %scan3A_121 = arith.constant 0 : i32
      scf.yield %scan3A_121 : i32
    }
    %scan3A_63 = arith.constant 64 : i32
    %mul3A_64 = arith.constant 1024 : i32
    %mul3A_65 = arith.muli %arg1, %mul3A_64 : i32
    "tpu.region"() ({
      %run_scoped3A = tpu.sem_alloc : memref<!tpu.dma_semaphore, #tpu.memory_space<semaphore_mem>>
      %dma_start3A = tpu.memref_slice %arg6[%mul3A_65] : memref<16384xf32, #tpu.memory_space<vmem_shared>> -> memref<1024xf32, #tpu.memory_space<vmem_shared>>
      %dma_start3A_114 = tpu.memref_slice %arg6[%mul3A_65] : memref<16384xf32, #tpu.memory_space<vmem_shared>> -> memref<1024xf32, #tpu.memory_space<vmem_shared>>
      tpu.enqueue_dma source(%arg13 : memref<1024xf32, #tpu.memory_space<vmem>>) target(%dma_start3A_114 : memref<1024xf32, #tpu.memory_space<vmem_shared>>) target_semaphore(%run_scoped3A : memref<!tpu.dma_semaphore, #tpu.memory_space<semaphore_mem>>)
      %dma_wait3A = tpu.memref_slice %arg6[%mul3A_65] : memref<16384xf32, #tpu.memory_space<vmem_shared>> -> memref<1024xf32, #tpu.memory_space<vmem_shared>>
      %dma_wait3A_115 = tpu.memref_slice %arg6[%mul3A_65] : memref<16384xf32, #tpu.memory_space<vmem_shared>> -> memref<1024xf32, #tpu.memory_space<vmem_shared>>
      tpu.wait_dma2 semaphore(%run_scoped3A : memref<!tpu.dma_semaphore, #tpu.memory_space<semaphore_mem>>) src(%arg13 : memref<1024xf32, #tpu.memory_space<vmem>>) dst(%dma_wait3A_115 : memref<1024xf32, #tpu.memory_space<vmem_shared>>)
      tpu.yield
    }) : () -> ()
    %barrier3A = arith.constant 0 : index
    tpu.barrier barrier_id(%barrier3A)
    %broadcast_in_dim3A = arith.constant 0.000000e+00 : f32
    %broadcast_in_dim3A_66 = vector.broadcast %broadcast_in_dim3A : f32 to vector<16xf32>
    %broadcast_in_dim3A_67 = arith.constant 0 : i32
    %broadcast_in_dim3A_68 = vector.broadcast %broadcast_in_dim3A_67 : i32 to vector<16xi32>
    %add3A_69 = arith.constant 511 : i32
    %add3A_70 = arith.addi %scan3A_55, %add3A_69 : i32
    %jit3A_71 = arith.constant 512 : i32
    %div3A_72 = arith.divsi %add3A_70, %jit3A_71 : i32
    %sign3A_73 = arith.constant 0 : i32
    %sign3A_74 = arith.cmpi sgt, %add3A_70, %sign3A_73 : i32
    %sign3A_75 = arith.extui %sign3A_74 : i1 to i32
    %sign3A_76 = arith.constant 0 : i32
    %sign3A_77 = arith.cmpi slt, %add3A_70, %sign3A_76 : i32
    %sign3A_78 = arith.extui %sign3A_77 : i1 to i32
    %sign3A_79 = arith.subi %sign3A_75, %sign3A_78 : i32
    %sign3A_80 = arith.constant 0 : i32
    %sign3A_81 = arith.cmpi sgt, %jit3A_71, %sign3A_80 : i32
    %sign3A_82 = arith.extui %sign3A_81 : i1 to i32
    %sign3A_83 = arith.constant 0 : i32
    %sign3A_84 = arith.cmpi slt, %jit3A_71, %sign3A_83 : i32
    %sign3A_85 = arith.extui %sign3A_84 : i1 to i32
    %sign3A_86 = arith.subi %sign3A_82, %sign3A_85 : i32
    %ne3A_87 = arith.cmpi ne, %sign3A_79, %sign3A_86 : i32
    %rem3A_88 = arith.remsi %add3A_70, %jit3A_71 : i32
    %ne3A_89 = arith.constant 0 : i32
    %ne3A_90 = arith.cmpi ne, %rem3A_88, %ne3A_89 : i32
    %and3A_91 = arith.andi %ne3A_87, %ne3A_90 : i1
    %sub3A_92 = arith.constant 1 : i32
    %sub3A_93 = arith.subi %div3A_72, %sub3A_92 : i32
    %select_n3A_94 = arith.select %and3A_91, %sub3A_93, %div3A_72 : i32
    %mul3A_95 = arith.constant 32 : i32
    %mul3A_96 = arith.muli %select_n3A_94, %mul3A_95 : i32
    %scan3A_97 = arith.constant 0 : i32
    %scan3A_98 = arith.constant 0 : i32
    %scan3A_99 = arith.constant 12 : i32
    %scan3A_100 = arith.addi %scan3A_98, %scan3A_99 : i32
    %scan3A_101 = arith.constant 1 : i32
    %scan3A_102 = scf.for %scan3A_114 = %scan3A_98 to %scan3A_100 step %scan3A_101 iter_args(%scan3A_115 = %scan3A_97) -> (i32)  : i32 {
      %sub3A_116 = arith.subi %select_n3A_46, %select_n3A : i32
      %mul3A_117 = arith.constant 22 : i32
      %mul3A_118 = arith.muli %scan3A_114, %mul3A_117 : i32
      %sub3A_119 = arith.constant 22 : i32
      %sub3A_120 = arith.subi %sub3A_116, %sub3A_119 : i32
      %min3A = arith.minsi %mul3A_118, %sub3A_120 : i32
      %add3A_121 = arith.addi %select_n3A, %min3A : i32
      %add3A_122 = arith.constant 1 : i32
      %add3A_123 = arith.addi %scan3A_114, %add3A_122 : i32
      %ge3A = arith.constant 12 : i32
      %ge3A_124 = arith.cmpi sge, %add3A_123, %ge3A : i32
      %add3A_125 = arith.constant 1 : i32
      %add3A_126 = arith.addi %scan3A_114, %add3A_125 : i32
      %mul3A_127 = arith.constant 22 : i32
      %mul3A_128 = arith.muli %add3A_126, %mul3A_127 : i32
      %sub3A_129 = arith.constant 22 : i32
      %sub3A_130 = arith.subi %sub3A_116, %sub3A_129 : i32
      %min3A_131 = arith.minsi %mul3A_128, %sub3A_130 : i32
      %add3A_132 = arith.addi %select_n3A, %min3A_131 : i32
      %select_n3A_133 = arith.select %ge3A_124, %select_n3A_46, %add3A_132 : i32
      %mul3A_134 = arith.constant 128 : i32
      %mul3A_135 = arith.muli %add3A_121, %mul3A_134 : i32
      %mul3A_136 = arith.constant 128 : i32
      %mul3A_137 = arith.muli %add3A_121, %mul3A_136 : i32
      %mul3A_138 = arith.constant 128 : i32
      %mul3A_139 = arith.muli %select_n3A_133, %mul3A_138 : i32
      "tpu.region"() ({
        %run_scoped3A = tpu.sem_alloc : memref<!tpu.dma_semaphore, #tpu.memory_space<semaphore_mem>>
        %dma_start3A = arith.constant 0 : i32
        %dma_start3A_152 = tpu.memref_slice %arg4[%dma_start3A, %mul3A_135] : memref<32x1000000xf32, #tpu.memory_space<hbm>> -> memref<32x2816xf32, #tpu.memory_space<hbm>>
        %dma_start3A_153 = arith.constant 0 : i32
        %dma_start3A_154 = tpu.memref_slice %arg4[%dma_start3A_153, %mul3A_135] : memref<32x1000000xf32, #tpu.memory_space<hbm>> -> memref<32x2816xf32, #tpu.memory_space<hbm>>
        tpu.enqueue_dma source(%dma_start3A_154 : memref<32x2816xf32, #tpu.memory_space<hbm>>) target(%arg7 : memref<32x2816xf32, #tpu.memory_space<vmem>>) target_semaphore(%run_scoped3A : memref<!tpu.dma_semaphore, #tpu.memory_space<semaphore_mem>>)
        %dma_wait3A = arith.constant 0 : i32
        %dma_wait3A_155 = tpu.memref_slice %arg4[%dma_wait3A, %mul3A_135] : memref<32x1000000xf32, #tpu.memory_space<hbm>> -> memref<32x2816xf32, #tpu.memory_space<hbm>>
        %dma_wait3A_156 = arith.constant 0 : i32
        %dma_wait3A_157 = tpu.memref_slice %arg4[%dma_wait3A_156, %mul3A_135] : memref<32x1000000xf32, #tpu.memory_space<hbm>> -> memref<32x2816xf32, #tpu.memory_space<hbm>>
        tpu.wait_dma2 semaphore(%run_scoped3A : memref<!tpu.dma_semaphore, #tpu.memory_space<semaphore_mem>>) src(%dma_wait3A_157 : memref<32x2816xf32, #tpu.memory_space<hbm>>) dst(%arg7 : memref<32x2816xf32, #tpu.memory_space<vmem>>)
        tpu.yield
      }) : () -> ()
      %while3A = arith.constant 0 : i32
      %while3A_140 = arith.constant 0 : i32
      %while3A_141 = arith.subi %mul3A_96, %while3A : i32
      %while3A_142 = arith.addi %while3A, %while3A_141 : i32
      %while3A_143 = arith.constant 1 : i32
      %while3A_144 = arith.divsi %while3A_141, %while3A_143 : i32
      %while3A_145 = arith.muli %while3A_144, %while3A_143 : i32
      %while3A_146 = arith.addi %while3A, %while3A_145 : i32
      %while3A_147 = arith.constant 1 : i32
      %while3A_148 = scf.for %while3A_152 = %while3A to %while3A_146 step %while3A_147 iter_args(%while3A_153 = %while3A_140) -> (i32)  : i32 {
        %jit3A_154 = arith.constant 32 : i32
        %eq3A_155 = arith.constant 0 : i32
        %eq3A_156 = arith.cmpi eq, %jit3A_154, %eq3A_155 : i32
        %jit3A_157 = arith.constant 1 : i32
        %select_n3A_158 = arith.select %eq3A_156, %jit3A_157, %jit3A_154 : i32
        %rem3A_159 = arith.remsi %while3A_152, %select_n3A_158 : i32
        %ne3A_160 = arith.constant 0 : i32
        %ne3A_161 = arith.cmpi ne, %rem3A_159, %ne3A_160 : i32
        %lt3A = arith.constant 0 : i32
        %lt3A_162 = arith.cmpi slt, %rem3A_159, %lt3A : i32
        %lt3A_163 = arith.constant 0 : i32
        %lt3A_164 = arith.cmpi slt, %select_n3A_158, %lt3A_163 : i32
        %ne3A_165 = arith.xori %lt3A_162, %lt3A_164 : i1
        %and3A_166 = arith.andi %ne3A_165, %ne3A_161 : i1
        %add3A_167 = arith.addi %rem3A_159, %select_n3A_158 : i32
        %select_n3A_168 = arith.select %and3A_166, %add3A_167, %rem3A_159 : i32
        %jit3A_169 = arith.constant 8 : i32
        %div3A_170 = arith.divsi %select_n3A_168, %jit3A_169 : i32
        %sign3A_171 = arith.constant 0 : i32
        %sign3A_172 = arith.cmpi sgt, %select_n3A_168, %sign3A_171 : i32
        %sign3A_173 = arith.extui %sign3A_172 : i1 to i32
        %sign3A_174 = arith.constant 0 : i32
        %sign3A_175 = arith.cmpi slt, %select_n3A_168, %sign3A_174 : i32
        %sign3A_176 = arith.extui %sign3A_175 : i1 to i32
        %sign3A_177 = arith.subi %sign3A_173, %sign3A_176 : i32
        %sign3A_178 = arith.constant 0 : i32
        %sign3A_179 = arith.cmpi sgt, %jit3A_169, %sign3A_178 : i32
        %sign3A_180 = arith.extui %sign3A_179 : i1 to i32
        %sign3A_181 = arith.constant 0 : i32
        %sign3A_182 = arith.cmpi slt, %jit3A_169, %sign3A_181 : i32
        %sign3A_183 = arith.extui %sign3A_182 : i1 to i32
        %sign3A_184 = arith.subi %sign3A_180, %sign3A_183 : i32
        %ne3A_185 = arith.cmpi ne, %sign3A_177, %sign3A_184 : i32
        %rem3A_186 = arith.remsi %select_n3A_168, %jit3A_169 : i32
        %ne3A_187 = arith.constant 0 : i32
        %ne3A_188 = arith.cmpi ne, %rem3A_186, %ne3A_187 : i32
        %and3A_189 = arith.andi %ne3A_185, %ne3A_188 : i1
        %sub3A_190 = arith.constant 1 : i32
        %sub3A_191 = arith.subi %div3A_170, %sub3A_190 : i32
        %select_n3A_192 = arith.select %and3A_189, %sub3A_191, %div3A_170 : i32
        %jit3A_193 = arith.constant 8 : i32
        %eq3A_194 = arith.constant 0 : i32
        %eq3A_195 = arith.cmpi eq, %jit3A_193, %eq3A_194 : i32
        %jit3A_196 = arith.constant 1 : i32
        %select_n3A_197 = arith.select %eq3A_195, %jit3A_196, %jit3A_193 : i32
        %rem3A_198 = arith.remsi %while3A_152, %select_n3A_197 : i32
        %ne3A_199 = arith.constant 0 : i32
        %ne3A_200 = arith.cmpi ne, %rem3A_198, %ne3A_199 : i32
        %lt3A_201 = arith.constant 0 : i32
        %lt3A_202 = arith.cmpi slt, %rem3A_198, %lt3A_201 : i32
        %lt3A_203 = arith.constant 0 : i32
        %lt3A_204 = arith.cmpi slt, %select_n3A_197, %lt3A_203 : i32
        %ne3A_205 = arith.xori %lt3A_202, %lt3A_204 : i1
        %and3A_206 = arith.andi %ne3A_205, %ne3A_200 : i1
        %add3A_207 = arith.addi %rem3A_198, %select_n3A_197 : i32
        %select_n3A_208 = arith.select %and3A_206, %add3A_207, %rem3A_198 : i32
        %mul3A_209 = arith.constant 16 : i32
        %mul3A_210 = arith.muli %select_n3A_208, %mul3A_209 : i32
        %mul3A_211 = arith.constant 16 : i32
        %mul3A_212 = arith.muli %while3A_152, %mul3A_211 : i32
        %iota3A = tpu.iota {dimensions = array<i32: 0>} : vector<16xi32>
        %add3A_213 = vector.broadcast %mul3A_212 : i32 to vector<16xi32>
        %add3A_214 = arith.addi %add3A_213, %iota3A : vector<16xi32>
        %lt3A_215 = vector.broadcast %scan3A_55 : i32 to vector<16xi32>
        %lt3A_216 = arith.cmpi slt, %add3A_214, %lt3A_215 : vector<16xi32>
        %mul3A_217 = arith.constant 16 : i32
        %mul3A_218 = arith.muli %while3A_152, %mul3A_217 : i32
        %get3A = arith.index_cast %mul3A_218 : i32 to index
        %get3A_219 = tpu.vector_load %arg9[%get3A] {strides = array<i32>} : memref<16384xi32, #tpu.memory_space<vmem>>, vector<16xi32>,
        %jit3A_220 = arith.constant 0 : i32
        %broadcast_in_dim3A_221 = vector.broadcast %jit3A_220 : i32 to vector<16xi32>
        %select_n3A_222 = arith.select %lt3A_216, %get3A_219, %broadcast_in_dim3A_221 : vector<16xi1>, vector<16xi32>
        %gather3A = tpu.vector_load_idx %arg8[%select_n3A_222] : memref<16384xi32, #tpu.memory_space<vmem>>[vector<16xi32>], vector<16xi32>,
        %mul3A_223 = arith.constant 16 : i32
        %mul3A_224 = arith.muli %while3A_152, %mul3A_223 : i32
        %iota3A_225 = tpu.iota {dimensions = array<i32: 0>} : vector<16xi32>
        %add3A_226 = vector.broadcast %mul3A_224 : i32 to vector<16xi32>
        %add3A_227 = arith.addi %add3A_226, %iota3A_225 : vector<16xi32>
        %lt3A_228 = vector.broadcast %scan3A_55 : i32 to vector<16xi32>
        %lt3A_229 = arith.cmpi slt, %add3A_227, %lt3A_228 : vector<16xi32>
        %ge3A_230 = vector.broadcast %mul3A_137 : i32 to vector<16xi32>
        %ge3A_231 = arith.cmpi sge, %gather3A, %ge3A_230 : vector<16xi32>
        %and3A_232 = arith.andi %lt3A_229, %ge3A_231 : vector<16xi1>
        %lt3A_233 = vector.broadcast %mul3A_139 : i32 to vector<16xi32>
        %lt3A_234 = arith.cmpi slt, %gather3A, %lt3A_233 : vector<16xi32>
        %and3A_235 = arith.andi %and3A_232, %lt3A_234 : vector<16xi1>
        %reduce_or3A = arith.constant 1.000000e+00 : f32
        %reduce_or3A_236 = arith.constant 0.000000e+00 : f32
        %reduce_or3A_237 = vector.broadcast %reduce_or3A : f32 to vector<16xf32>
        %reduce_or3A_238 = vector.broadcast %reduce_or3A_236 : f32 to vector<16xf32>
        %reduce_or3A_239 = arith.select %and3A_235, %reduce_or3A_237, %reduce_or3A_238 : vector<16xi1>, vector<16xf32>
        %reduce_or3A_240 = arith.constant true
        %reduce_or3A_241 = vector.broadcast %reduce_or3A_240 : i1 to vector<16xi1>
        %reduce_or3A_242 = tpu.scan <max>, %reduce_or3A_239 masked %reduce_or3A_241 : vector<16xf32>, vector<16xi1> -> vector<16xf32>
        %reduce_or3A_243 = vector.extract %reduce_or3A_242[15] : f32 from vector<16xf32>
        %reduce_or3A_244 = arith.constant 0.000000e+00 : f32
        %reduce_or3A_245 = arith.cmpf ogt, %reduce_or3A_243, %reduce_or3A_244 : f32
        %convert_element_type3A_246 = arith.extui %reduce_or3A_245 : i1 to i32
        %cond3A_247 = arith.constant 0 : i32
        %cond3A_248 = arith.constant 0 : i32
        %cond3A_249 = arith.cmpi ne, %convert_element_type3A_246, %cond3A_248 : i32
        %cond3A_250 = scf.if %cond3A_249 -> (i32) {
          %sub3A_273 = vector.broadcast %mul3A_135 : i32 to vector<16xi32>
          %sub3A_274 = arith.subi %gather3A, %sub3A_273 : vector<16xi32>
          %jit3A_275 = arith.constant 0 : i32
          %broadcast_in_dim3A_276 = vector.broadcast %jit3A_275 : i32 to vector<16xi32>
          %select_n3A_277 = arith.select %and3A_235, %sub3A_274, %broadcast_in_dim3A_276 : vector<16xi1>, vector<16xi32>
          %gather3A_278 = tpu.vector_load_idx %arg7[%broadcast_in_dim3A_68, %select_n3A_277] : memref<32x2816xf32, #tpu.memory_space<vmem>>[vector<16xi32>, vector<16xi32>], vector<16xf32>,
          %broadcast_in_dim3A_279 = arith.constant 1 : i32
          %broadcast_in_dim3A_280 = vector.broadcast %broadcast_in_dim3A_279 : i32 to vector<16xi32>
          %gather3A_281 = tpu.vector_load_idx %arg7[%broadcast_in_dim3A_280, %select_n3A_277] : memref<32x2816xf32, #tpu.memory_space<vmem>>[vector<16xi32>, vector<16xi32>], vector<16xf32>,
          %max3A = arith.maximumf %gather3A_278, %gather3A_281 : vector<16xf32>
          %broadcast_in_dim3A_282 = arith.constant 2 : i32
          %broadcast_in_dim3A_283 = vector.broadcast %broadcast_in_dim3A_282 : i32 to vector<16xi32>
          %gather3A_284 = tpu.vector_load_idx %arg7[%broadcast_in_dim3A_283, %select_n3A_277] : memref<32x2816xf32, #tpu.memory_space<vmem>>[vector<16xi32>, vector<16xi32>], vector<16xf32>,
          %max3A_285 = arith.maximumf %max3A, %gather3A_284 : vector<16xf32>
          %broadcast_in_dim3A_286 = arith.constant 3 : i32
          %broadcast_in_dim3A_287 = vector.broadcast %broadcast_in_dim3A_286 : i32 to vector<16xi32>
          %gather3A_288 = tpu.vector_load_idx %arg7[%broadcast_in_dim3A_287, %select_n3A_277] : memref<32x2816xf32, #tpu.memory_space<vmem>>[vector<16xi32>, vector<16xi32>], vector<16xf32>,
          %max3A_289 = arith.maximumf %max3A_285, %gather3A_288 : vector<16xf32>
          %broadcast_in_dim3A_290 = arith.constant 4 : i32
          %broadcast_in_dim3A_291 = vector.broadcast %broadcast_in_dim3A_290 : i32 to vector<16xi32>
          %gather3A_292 = tpu.vector_load_idx %arg7[%broadcast_in_dim3A_291, %select_n3A_277] : memref<32x2816xf32, #tpu.memory_space<vmem>>[vector<16xi32>, vector<16xi32>], vector<16xf32>,
          %max3A_293 = arith.maximumf %max3A_289, %gather3A_292 : vector<16xf32>
          %broadcast_in_dim3A_294 = arith.constant 5 : i32
          %broadcast_in_dim3A_295 = vector.broadcast %broadcast_in_dim3A_294 : i32 to vector<16xi32>
          %gather3A_296 = tpu.vector_load_idx %arg7[%broadcast_in_dim3A_295, %select_n3A_277] : memref<32x2816xf32, #tpu.memory_space<vmem>>[vector<16xi32>, vector<16xi32>], vector<16xf32>,
          %max3A_297 = arith.maximumf %max3A_293, %gather3A_296 : vector<16xf32>
          %broadcast_in_dim3A_298 = arith.constant 6 : i32
          %broadcast_in_dim3A_299 = vector.broadcast %broadcast_in_dim3A_298 : i32 to vector<16xi32>
          %gather3A_300 = tpu.vector_load_idx %arg7[%broadcast_in_dim3A_299, %select_n3A_277] : memref<32x2816xf32, #tpu.memory_space<vmem>>[vector<16xi32>, vector<16xi32>], vector<16xf32>,
          %max3A_301 = arith.maximumf %max3A_297, %gather3A_300 : vector<16xf32>
          %broadcast_in_dim3A_302 = arith.constant 7 : i32
          %broadcast_in_dim3A_303 = vector.broadcast %broadcast_in_dim3A_302 : i32 to vector<16xi32>
          %gather3A_304 = tpu.vector_load_idx %arg7[%broadcast_in_dim3A_303, %select_n3A_277] : memref<32x2816xf32, #tpu.memory_space<vmem>>[vector<16xi32>, vector<16xi32>], vector<16xf32>,
          %max3A_305 = arith.maximumf %max3A_301, %gather3A_304 : vector<16xf32>
          %broadcast_in_dim3A_306 = arith.constant 8 : i32
          %broadcast_in_dim3A_307 = vector.broadcast %broadcast_in_dim3A_306 : i32 to vector<16xi32>
          %gather3A_308 = tpu.vector_load_idx %arg7[%broadcast_in_dim3A_307, %select_n3A_277] : memref<32x2816xf32, #tpu.memory_space<vmem>>[vector<16xi32>, vector<16xi32>], vector<16xf32>,
          %max3A_309 = arith.maximumf %max3A_305, %gather3A_308 : vector<16xf32>
          %broadcast_in_dim3A_310 = arith.constant 9 : i32
          %broadcast_in_dim3A_311 = vector.broadcast %broadcast_in_dim3A_310 : i32 to vector<16xi32>
          %gather3A_312 = tpu.vector_load_idx %arg7[%broadcast_in_dim3A_311, %select_n3A_277] : memref<32x2816xf32, #tpu.memory_space<vmem>>[vector<16xi32>, vector<16xi32>], vector<16xf32>,
          %max3A_313 = arith.maximumf %max3A_309, %gather3A_312 : vector<16xf32>
          %broadcast_in_dim3A_314 = arith.constant 10 : i32
          %broadcast_in_dim3A_315 = vector.broadcast %broadcast_in_dim3A_314 : i32 to vector<16xi32>
          %gather3A_316 = tpu.vector_load_idx %arg7[%broadcast_in_dim3A_315, %select_n3A_277] : memref<32x2816xf32, #tpu.memory_space<vmem>>[vector<16xi32>, vector<16xi32>], vector<16xf32>,
          %max3A_317 = arith.maximumf %max3A_313, %gather3A_316 : vector<16xf32>
          %broadcast_in_dim3A_318 = arith.constant 11 : i32
          %broadcast_in_dim3A_319 = vector.broadcast %broadcast_in_dim3A_318 : i32 to vector<16xi32>
          %gather3A_320 = tpu.vector_load_idx %arg7[%broadcast_in_dim3A_319, %select_n3A_277] : memref<32x2816xf32, #tpu.memory_space<vmem>>[vector<16xi32>, vector<16xi32>], vector<16xf32>,
          %max3A_321 = arith.maximumf %max3A_317, %gather3A_320 : vector<16xf32>
          %broadcast_in_dim3A_322 = arith.constant 12 : i32
          %broadcast_in_dim3A_323 = vector.broadcast %broadcast_in_dim3A_322 : i32 to vector<16xi32>
          %gather3A_324 = tpu.vector_load_idx %arg7[%broadcast_in_dim3A_323, %select_n3A_277] : memref<32x2816xf32, #tpu.memory_space<vmem>>[vector<16xi32>, vector<16xi32>], vector<16xf32>,
          %max3A_325 = arith.maximumf %max3A_321, %gather3A_324 : vector<16xf32>
          %broadcast_in_dim3A_326 = arith.constant 13 : i32
          %broadcast_in_dim3A_327 = vector.broadcast %broadcast_in_dim3A_326 : i32 to vector<16xi32>
          %gather3A_328 = tpu.vector_load_idx %arg7[%broadcast_in_dim3A_327, %select_n3A_277] : memref<32x2816xf32, #tpu.memory_space<vmem>>[vector<16xi32>, vector<16xi32>], vector<16xf32>,
          %max3A_329 = arith.maximumf %max3A_325, %gather3A_328 : vector<16xf32>
          %broadcast_in_dim3A_330 = arith.constant 14 : i32
          %broadcast_in_dim3A_331 = vector.broadcast %broadcast_in_dim3A_330 : i32 to vector<16xi32>
          %gather3A_332 = tpu.vector_load_idx %arg7[%broadcast_in_dim3A_331, %select_n3A_277] : memref<32x2816xf32, #tpu.memory_space<vmem>>[vector<16xi32>, vector<16xi32>], vector<16xf32>,
          %max3A_333 = arith.maximumf %max3A_329, %gather3A_332 : vector<16xf32>
          %broadcast_in_dim3A_334 = arith.constant 15 : i32
          %broadcast_in_dim3A_335 = vector.broadcast %broadcast_in_dim3A_334 : i32 to vector<16xi32>
          %gather3A_336 = tpu.vector_load_idx %arg7[%broadcast_in_dim3A_335, %select_n3A_277] : memref<32x2816xf32, #tpu.memory_space<vmem>>[vector<16xi32>, vector<16xi32>], vector<16xf32>,
          %max3A_337 = arith.maximumf %max3A_333, %gather3A_336 : vector<16xf32>
          %broadcast_in_dim3A_338 = arith.constant 16 : i32
          %broadcast_in_dim3A_339 = vector.broadcast %broadcast_in_dim3A_338 : i32 to vector<16xi32>
          %gather3A_340 = tpu.vector_load_idx %arg7[%broadcast_in_dim3A_339, %select_n3A_277] : memref<32x2816xf32, #tpu.memory_space<vmem>>[vector<16xi32>, vector<16xi32>], vector<16xf32>,
          %max3A_341 = arith.maximumf %max3A_337, %gather3A_340 : vector<16xf32>
          %broadcast_in_dim3A_342 = arith.constant 17 : i32
          %broadcast_in_dim3A_343 = vector.broadcast %broadcast_in_dim3A_342 : i32 to vector<16xi32>
          %gather3A_344 = tpu.vector_load_idx %arg7[%broadcast_in_dim3A_343, %select_n3A_277] : memref<32x2816xf32, #tpu.memory_space<vmem>>[vector<16xi32>, vector<16xi32>], vector<16xf32>,
          %max3A_345 = arith.maximumf %max3A_341, %gather3A_344 : vector<16xf32>
          %broadcast_in_dim3A_346 = arith.constant 18 : i32
          %broadcast_in_dim3A_347 = vector.broadcast %broadcast_in_dim3A_346 : i32 to vector<16xi32>
          %gather3A_348 = tpu.vector_load_idx %arg7[%broadcast_in_dim3A_347, %select_n3A_277] : memref<32x2816xf32, #tpu.memory_space<vmem>>[vector<16xi32>, vector<16xi32>], vector<16xf32>,
          %max3A_349 = arith.maximumf %max3A_345, %gather3A_348 : vector<16xf32>
          %broadcast_in_dim3A_350 = arith.constant 19 : i32
          %broadcast_in_dim3A_351 = vector.broadcast %broadcast_in_dim3A_350 : i32 to vector<16xi32>
          %gather3A_352 = tpu.vector_load_idx %arg7[%broadcast_in_dim3A_351, %select_n3A_277] : memref<32x2816xf32, #tpu.memory_space<vmem>>[vector<16xi32>, vector<16xi32>], vector<16xf32>,
          %max3A_353 = arith.maximumf %max3A_349, %gather3A_352 : vector<16xf32>
          %broadcast_in_dim3A_354 = arith.constant 20 : i32
          %broadcast_in_dim3A_355 = vector.broadcast %broadcast_in_dim3A_354 : i32 to vector<16xi32>
          %gather3A_356 = tpu.vector_load_idx %arg7[%broadcast_in_dim3A_355, %select_n3A_277] : memref<32x2816xf32, #tpu.memory_space<vmem>>[vector<16xi32>, vector<16xi32>], vector<16xf32>,
          %max3A_357 = arith.maximumf %max3A_353, %gather3A_356 : vector<16xf32>
          %broadcast_in_dim3A_358 = arith.constant 21 : i32
          %broadcast_in_dim3A_359 = vector.broadcast %broadcast_in_dim3A_358 : i32 to vector<16xi32>
          %gather3A_360 = tpu.vector_load_idx %arg7[%broadcast_in_dim3A_359, %select_n3A_277] : memref<32x2816xf32, #tpu.memory_space<vmem>>[vector<16xi32>, vector<16xi32>], vector<16xf32>,
          %max3A_361 = arith.maximumf %max3A_357, %gather3A_360 : vector<16xf32>
          %broadcast_in_dim3A_362 = arith.constant 22 : i32
          %broadcast_in_dim3A_363 = vector.broadcast %broadcast_in_dim3A_362 : i32 to vector<16xi32>
          %gather3A_364 = tpu.vector_load_idx %arg7[%broadcast_in_dim3A_363, %select_n3A_277] : memref<32x2816xf32, #tpu.memory_space<vmem>>[vector<16xi32>, vector<16xi32>], vector<16xf32>,
          %max3A_365 = arith.maximumf %max3A_361, %gather3A_364 : vector<16xf32>
          %broadcast_in_dim3A_366 = arith.constant 23 : i32
          %broadcast_in_dim3A_367 = vector.broadcast %broadcast_in_dim3A_366 : i32 to vector<16xi32>
          %gather3A_368 = tpu.vector_load_idx %arg7[%broadcast_in_dim3A_367, %select_n3A_277] : memref<32x2816xf32, #tpu.memory_space<vmem>>[vector<16xi32>, vector<16xi32>], vector<16xf32>,
          %max3A_369 = arith.maximumf %max3A_365, %gather3A_368 : vector<16xf32>
          %broadcast_in_dim3A_370 = arith.constant 24 : i32
          %broadcast_in_dim3A_371 = vector.broadcast %broadcast_in_dim3A_370 : i32 to vector<16xi32>
          %gather3A_372 = tpu.vector_load_idx %arg7[%broadcast_in_dim3A_371, %select_n3A_277] : memref<32x2816xf32, #tpu.memory_space<vmem>>[vector<16xi32>, vector<16xi32>], vector<16xf32>,
          %max3A_373 = arith.maximumf %max3A_369, %gather3A_372 : vector<16xf32>
          %broadcast_in_dim3A_374 = arith.constant 25 : i32
          %broadcast_in_dim3A_375 = vector.broadcast %broadcast_in_dim3A_374 : i32 to vector<16xi32>
          %gather3A_376 = tpu.vector_load_idx %arg7[%broadcast_in_dim3A_375, %select_n3A_277] : memref<32x2816xf32, #tpu.memory_space<vmem>>[vector<16xi32>, vector<16xi32>], vector<16xf32>,
          %max3A_377 = arith.maximumf %max3A_373, %gather3A_376 : vector<16xf32>
          %broadcast_in_dim3A_378 = arith.constant 26 : i32
          %broadcast_in_dim3A_379 = vector.broadcast %broadcast_in_dim3A_378 : i32 to vector<16xi32>
          %gather3A_380 = tpu.vector_load_idx %arg7[%broadcast_in_dim3A_379, %select_n3A_277] : memref<32x2816xf32, #tpu.memory_space<vmem>>[vector<16xi32>, vector<16xi32>], vector<16xf32>,
          %max3A_381 = arith.maximumf %max3A_377, %gather3A_380 : vector<16xf32>
          %broadcast_in_dim3A_382 = arith.constant 27 : i32
          %broadcast_in_dim3A_383 = vector.broadcast %broadcast_in_dim3A_382 : i32 to vector<16xi32>
          %gather3A_384 = tpu.vector_load_idx %arg7[%broadcast_in_dim3A_383, %select_n3A_277] : memref<32x2816xf32, #tpu.memory_space<vmem>>[vector<16xi32>, vector<16xi32>], vector<16xf32>,
          %max3A_385 = arith.maximumf %max3A_381, %gather3A_384 : vector<16xf32>
          %broadcast_in_dim3A_386 = arith.constant 28 : i32
          %broadcast_in_dim3A_387 = vector.broadcast %broadcast_in_dim3A_386 : i32 to vector<16xi32>
          %gather3A_388 = tpu.vector_load_idx %arg7[%broadcast_in_dim3A_387, %select_n3A_277] : memref<32x2816xf32, #tpu.memory_space<vmem>>[vector<16xi32>, vector<16xi32>], vector<16xf32>,
          %max3A_389 = arith.maximumf %max3A_385, %gather3A_388 : vector<16xf32>
          %broadcast_in_dim3A_390 = arith.constant 29 : i32
          %broadcast_in_dim3A_391 = vector.broadcast %broadcast_in_dim3A_390 : i32 to vector<16xi32>
          %gather3A_392 = tpu.vector_load_idx %arg7[%broadcast_in_dim3A_391, %select_n3A_277] : memref<32x2816xf32, #tpu.memory_space<vmem>>[vector<16xi32>, vector<16xi32>], vector<16xf32>,
          %max3A_393 = arith.maximumf %max3A_389, %gather3A_392 : vector<16xf32>
          %broadcast_in_dim3A_394 = arith.constant 30 : i32
          %broadcast_in_dim3A_395 = vector.broadcast %broadcast_in_dim3A_394 : i32 to vector<16xi32>
          %gather3A_396 = tpu.vector_load_idx %arg7[%broadcast_in_dim3A_395, %select_n3A_277] : memref<32x2816xf32, #tpu.memory_space<vmem>>[vector<16xi32>, vector<16xi32>], vector<16xf32>,
          %max3A_397 = arith.maximumf %max3A_393, %gather3A_396 : vector<16xf32>
          %broadcast_in_dim3A_398 = arith.constant 31 : i32
          %broadcast_in_dim3A_399 = vector.broadcast %broadcast_in_dim3A_398 : i32 to vector<16xi32>
          %gather3A_400 = tpu.vector_load_idx %arg7[%broadcast_in_dim3A_399, %select_n3A_277] : memref<32x2816xf32, #tpu.memory_space<vmem>>[vector<16xi32>, vector<16xi32>], vector<16xf32>,
          %max3A_401 = arith.maximumf %max3A_397, %gather3A_400 : vector<16xf32>
          %jit3A_402 = arith.constant 0 : i32
          %broadcast_in_dim3A_403 = vector.broadcast %jit3A_402 : i32 to vector<16xi32>
          %select_n3A_404 = arith.select %and3A_235, %select_n3A_222, %broadcast_in_dim3A_403 : vector<16xi1>, vector<16xi32>
          %swap3A = arith.index_cast %select_n3A_192 : i32 to index
          %swap3A_405 = arith.index_cast %mul3A_210 : i32 to index
          %swap3A_406 = tpu.vector_load %arg10[%swap3A, %swap3A_405] {strides = array<i32>} : memref<4x128xi32, #tpu.memory_space<vmem>>, vector<16xi32>,
          tpu.vector_store %arg10[%swap3A, %swap3A_405], %select_n3A_404 {strides = array<i32>} : memref<4x128xi32, #tpu.memory_space<vmem>>, vector<16xi32>,
          %jit3A_407 = arith.constant 0.000000e+00 : f32
          %broadcast_in_dim3A_408 = vector.broadcast %jit3A_407 : f32 to vector<16xf32>
          %select_n3A_409 = arith.select %and3A_235, %max3A_401, %broadcast_in_dim3A_408 : vector<16xi1>, vector<16xf32>
          %swap3A_410 = arith.index_cast %select_n3A_192 : i32 to index
          %swap3A_411 = arith.index_cast %mul3A_210 : i32 to index
          %swap3A_412 = tpu.vector_load %arg11[%swap3A_410, %swap3A_411] {strides = array<i32>} : memref<4x128xf32, #tpu.memory_space<vmem>>, vector<16xf32>,
          tpu.vector_store %arg11[%swap3A_410, %swap3A_411], %select_n3A_409 {strides = array<i32>} : memref<4x128xf32, #tpu.memory_space<vmem>>, vector<16xf32>,
          %cond3A_413 = arith.constant 0 : i32
          scf.yield %cond3A_413 : i32
        } else {
          %swap3A = arith.index_cast %select_n3A_192 : i32 to index
          %swap3A_273 = arith.index_cast %mul3A_210 : i32 to index
          %swap3A_274 = tpu.vector_load %arg10[%swap3A, %swap3A_273] {strides = array<i32>} : memref<4x128xi32, #tpu.memory_space<vmem>>, vector<16xi32>,
          tpu.vector_store %arg10[%swap3A, %swap3A_273], %broadcast_in_dim3A_68 {strides = array<i32>} : memref<4x128xi32, #tpu.memory_space<vmem>>, vector<16xi32>,
          %swap3A_275 = arith.index_cast %select_n3A_192 : i32 to index
          %swap3A_276 = arith.index_cast %mul3A_210 : i32 to index
          %swap3A_277 = tpu.vector_load %arg11[%swap3A_275, %swap3A_276] {strides = array<i32>} : memref<4x128xf32, #tpu.memory_space<vmem>>, vector<16xf32>,
          tpu.vector_store %arg11[%swap3A_275, %swap3A_276], %broadcast_in_dim3A_66 {strides = array<i32>} : memref<4x128xf32, #tpu.memory_space<vmem>>, vector<16xf32>,
          %cond3A_278 = arith.constant 0 : i32
          scf.yield %cond3A_278 : i32
        }
        %jit3A_251 = arith.constant 32 : i32
        %eq3A_252 = arith.constant 0 : i32
        %eq3A_253 = arith.cmpi eq, %jit3A_251, %eq3A_252 : i32
        %jit3A_254 = arith.constant 1 : i32
        %select_n3A_255 = arith.select %eq3A_253, %jit3A_254, %jit3A_251 : i32
        %rem3A_256 = arith.remsi %while3A_152, %select_n3A_255 : i32
        %ne3A_257 = arith.constant 0 : i32
        %ne3A_258 = arith.cmpi ne, %rem3A_256, %ne3A_257 : i32
        %lt3A_259 = arith.constant 0 : i32
        %lt3A_260 = arith.cmpi slt, %rem3A_256, %lt3A_259 : i32
        %lt3A_261 = arith.constant 0 : i32
        %lt3A_262 = arith.cmpi slt, %select_n3A_255, %lt3A_261 : i32
        %ne3A_263 = arith.xori %lt3A_260, %lt3A_262 : i1
        %and3A_264 = arith.andi %ne3A_263, %ne3A_258 : i1
        %add3A_265 = arith.addi %rem3A_256, %select_n3A_255 : i32
        %select_n3A_266 = arith.select %and3A_264, %add3A_265, %rem3A_256 : i32
        %eq3A_267 = arith.constant 31 : i32
        %eq3A_268 = arith.cmpi eq, %select_n3A_266, %eq3A_267 : i32
        %convert_element_type3A_269 = arith.extui %eq3A_268 : i1 to i32
        %cond3A_270 = arith.constant 0 : i32
        %cond3A_271 = arith.cmpi ne, %convert_element_type3A_269, %cond3A_270 : i32
        scf.if %cond3A_271 {
          %dma_start3A = arith.constant 0 : i32
          %dma_start3A_273 = arith.constant 0 : i32
          %dma_start3A_274 = arith.constant 0 : i32
          %dma_start3A_275 = tpu.memref_slice %arg11[%dma_start3A, %dma_start3A_274] : memref<4x128xf32, #tpu.memory_space<vmem>> -> memref<1x128xf32, #tpu.memory_space<vmem>>
          %dma_start3A_276 = tpu.memref_squeeze %dma_start3A_275 : memref<1x128xf32, #tpu.memory_space<vmem>> -> memref<128xf32, #tpu.memory_space<vmem>>
          %dma_start3A_277 = arith.constant 0 : i32
          %dma_start3A_278 = tpu.memref_slice %arg10[%dma_start3A_273, %dma_start3A_277] : memref<4x128xi32, #tpu.memory_space<vmem>> -> memref<1x128xi32, #tpu.memory_space<vmem>>
          %dma_start3A_279 = tpu.memref_squeeze %dma_start3A_278 : memref<1x128xi32, #tpu.memory_space<vmem>> -> memref<128xi32, #tpu.memory_space<vmem>>
          %dma_start3A_280 = arith.constant 0 : i32
          %dma_start3A_281 = tpu.memref_slice %arg6[%dma_start3A_280] : memref<16384xf32, #tpu.memory_space<vmem_shared>> -> memref<16384xf32, #tpu.memory_space<vmem_shared>>
          tpu.enqueue_indirect_dma source(%dma_start3A_276 : memref<128xf32, #tpu.memory_space<vmem>>) target(%dma_start3A_281 : memref<16384xf32, #tpu.memory_space<vmem_shared>>) offsets(%dma_start3A_279 : memref<128xi32, #tpu.memory_space<vmem>>) semaphore(%arg16 : memref<!tpu.dma_semaphore, #tpu.memory_space<semaphore_mem>>) {add = true}
          %dma_start3A_282 = arith.constant 1 : i32
          %dma_start3A_283 = arith.constant 1 : i32
          %dma_start3A_284 = arith.constant 0 : i32
          %dma_start3A_285 = tpu.memref_slice %arg11[%dma_start3A_282, %dma_start3A_284] : memref<4x128xf32, #tpu.memory_space<vmem>> -> memref<1x128xf32, #tpu.memory_space<vmem>>
          %dma_start3A_286 = tpu.memref_squeeze %dma_start3A_285 : memref<1x128xf32, #tpu.memory_space<vmem>> -> memref<128xf32, #tpu.memory_space<vmem>>
          %dma_start3A_287 = arith.constant 0 : i32
          %dma_start3A_288 = tpu.memref_slice %arg10[%dma_start3A_283, %dma_start3A_287] : memref<4x128xi32, #tpu.memory_space<vmem>> -> memref<1x128xi32, #tpu.memory_space<vmem>>
          %dma_start3A_289 = tpu.memref_squeeze %dma_start3A_288 : memref<1x128xi32, #tpu.memory_space<vmem>> -> memref<128xi32, #tpu.memory_space<vmem>>
          %dma_start3A_290 = arith.constant 0 : i32
          %dma_start3A_291 = tpu.memref_slice %arg6[%dma_start3A_290] : memref<16384xf32, #tpu.memory_space<vmem_shared>> -> memref<16384xf32, #tpu.memory_space<vmem_shared>>
          tpu.enqueue_indirect_dma source(%dma_start3A_286 : memref<128xf32, #tpu.memory_space<vmem>>) target(%dma_start3A_291 : memref<16384xf32, #tpu.memory_space<vmem_shared>>) offsets(%dma_start3A_289 : memref<128xi32, #tpu.memory_space<vmem>>) semaphore(%arg16 : memref<!tpu.dma_semaphore, #tpu.memory_space<semaphore_mem>>) {add = true}
          %dma_start3A_292 = arith.constant 2 : i32
          %dma_start3A_293 = arith.constant 2 : i32
          %dma_start3A_294 = arith.constant 0 : i32
          %dma_start3A_295 = tpu.memref_slice %arg11[%dma_start3A_292, %dma_start3A_294] : memref<4x128xf32, #tpu.memory_space<vmem>> -> memref<1x128xf32, #tpu.memory_space<vmem>>
          %dma_start3A_296 = tpu.memref_squeeze %dma_start3A_295 : memref<1x128xf32, #tpu.memory_space<vmem>> -> memref<128xf32, #tpu.memory_space<vmem>>
          %dma_start3A_297 = arith.constant 0 : i32
          %dma_start3A_298 = tpu.memref_slice %arg10[%dma_start3A_293, %dma_start3A_297] : memref<4x128xi32, #tpu.memory_space<vmem>> -> memref<1x128xi32, #tpu.memory_space<vmem>>
          %dma_start3A_299 = tpu.memref_squeeze %dma_start3A_298 : memref<1x128xi32, #tpu.memory_space<vmem>> -> memref<128xi32, #tpu.memory_space<vmem>>
          %dma_start3A_300 = arith.constant 0 : i32
          %dma_start3A_301 = tpu.memref_slice %arg6[%dma_start3A_300] : memref<16384xf32, #tpu.memory_space<vmem_shared>> -> memref<16384xf32, #tpu.memory_space<vmem_shared>>
          tpu.enqueue_indirect_dma source(%dma_start3A_296 : memref<128xf32, #tpu.memory_space<vmem>>) target(%dma_start3A_301 : memref<16384xf32, #tpu.memory_space<vmem_shared>>) offsets(%dma_start3A_299 : memref<128xi32, #tpu.memory_space<vmem>>) semaphore(%arg16 : memref<!tpu.dma_semaphore, #tpu.memory_space<semaphore_mem>>) {add = true}
          %dma_start3A_302 = arith.constant 3 : i32
          %dma_start3A_303 = arith.constant 3 : i32
          %dma_start3A_304 = arith.constant 0 : i32
          %dma_start3A_305 = tpu.memref_slice %arg11[%dma_start3A_302, %dma_start3A_304] : memref<4x128xf32, #tpu.memory_space<vmem>> -> memref<1x128xf32, #tpu.memory_space<vmem>>
          %dma_start3A_306 = tpu.memref_squeeze %dma_start3A_305 : memref<1x128xf32, #tpu.memory_space<vmem>> -> memref<128xf32, #tpu.memory_space<vmem>>
          %dma_start3A_307 = arith.constant 0 : i32
          %dma_start3A_308 = tpu.memref_slice %arg10[%dma_start3A_303, %dma_start3A_307] : memref<4x128xi32, #tpu.memory_space<vmem>> -> memref<1x128xi32, #tpu.memory_space<vmem>>
          %dma_start3A_309 = tpu.memref_squeeze %dma_start3A_308 : memref<1x128xi32, #tpu.memory_space<vmem>> -> memref<128xi32, #tpu.memory_space<vmem>>
          %dma_start3A_310 = arith.constant 0 : i32
          %dma_start3A_311 = tpu.memref_slice %arg6[%dma_start3A_310] : memref<16384xf32, #tpu.memory_space<vmem_shared>> -> memref<16384xf32, #tpu.memory_space<vmem_shared>>
          tpu.enqueue_indirect_dma source(%dma_start3A_306 : memref<128xf32, #tpu.memory_space<vmem>>) target(%dma_start3A_311 : memref<16384xf32, #tpu.memory_space<vmem_shared>>) offsets(%dma_start3A_309 : memref<128xi32, #tpu.memory_space<vmem>>) semaphore(%arg16 : memref<!tpu.dma_semaphore, #tpu.memory_space<semaphore_mem>>) {add = true}
          %dma_wait3A = arith.constant 0 : i32
          %dma_wait3A_312 = arith.constant 0 : i32
          %dma_wait3A_313 = arith.constant 0 : i32
          %dma_wait3A_314 = tpu.memref_slice %arg11[%dma_wait3A, %dma_wait3A_313] : memref<4x128xf32, #tpu.memory_space<vmem>> -> memref<1x128xf32, #tpu.memory_space<vmem>>
          %dma_wait3A_315 = tpu.memref_squeeze %dma_wait3A_314 : memref<1x128xf32, #tpu.memory_space<vmem>> -> memref<128xf32, #tpu.memory_space<vmem>>
          %dma_wait3A_316 = arith.constant 0 : i32
          %dma_wait3A_317 = tpu.memref_slice %arg10[%dma_wait3A_312, %dma_wait3A_316] : memref<4x128xi32, #tpu.memory_space<vmem>> -> memref<1x128xi32, #tpu.memory_space<vmem>>
          %dma_wait3A_318 = tpu.memref_squeeze %dma_wait3A_317 : memref<1x128xi32, #tpu.memory_space<vmem>> -> memref<128xi32, #tpu.memory_space<vmem>>
          %dma_wait3A_319 = arith.constant 0 : i32
          %dma_wait3A_320 = tpu.memref_slice %arg6[%dma_wait3A_319] : memref<16384xf32, #tpu.memory_space<vmem_shared>> -> memref<16384xf32, #tpu.memory_space<vmem_shared>>
          tpu.wait_indirect_dma semaphore(%arg16 : memref<!tpu.dma_semaphore, #tpu.memory_space<semaphore_mem>>) src(%dma_wait3A_315 : memref<128xf32, #tpu.memory_space<vmem>>) dst(%dma_wait3A_320 : memref<16384xf32, #tpu.memory_space<vmem_shared>>)
          %dma_wait3A_321 = arith.constant 1 : i32
          %dma_wait3A_322 = arith.constant 1 : i32
          %dma_wait3A_323 = arith.constant 0 : i32
          %dma_wait3A_324 = tpu.memref_slice %arg11[%dma_wait3A_321, %dma_wait3A_323] : memref<4x128xf32, #tpu.memory_space<vmem>> -> memref<1x128xf32, #tpu.memory_space<vmem>>
          %dma_wait3A_325 = tpu.memref_squeeze %dma_wait3A_324 : memref<1x128xf32, #tpu.memory_space<vmem>> -> memref<128xf32, #tpu.memory_space<vmem>>
          %dma_wait3A_326 = arith.constant 0 : i32
          %dma_wait3A_327 = tpu.memref_slice %arg10[%dma_wait3A_322, %dma_wait3A_326] : memref<4x128xi32, #tpu.memory_space<vmem>> -> memref<1x128xi32, #tpu.memory_space<vmem>>
          %dma_wait3A_328 = tpu.memref_squeeze %dma_wait3A_327 : memref<1x128xi32, #tpu.memory_space<vmem>> -> memref<128xi32, #tpu.memory_space<vmem>>
          %dma_wait3A_329 = arith.constant 0 : i32
          %dma_wait3A_330 = tpu.memref_slice %arg6[%dma_wait3A_329] : memref<16384xf32, #tpu.memory_space<vmem_shared>> -> memref<16384xf32, #tpu.memory_space<vmem_shared>>
          tpu.wait_indirect_dma semaphore(%arg16 : memref<!tpu.dma_semaphore, #tpu.memory_space<semaphore_mem>>) src(%dma_wait3A_325 : memref<128xf32, #tpu.memory_space<vmem>>) dst(%dma_wait3A_330 : memref<16384xf32, #tpu.memory_space<vmem_shared>>)
          %dma_wait3A_331 = arith.constant 2 : i32
          %dma_wait3A_332 = arith.constant 2 : i32
          %dma_wait3A_333 = arith.constant 0 : i32
          %dma_wait3A_334 = tpu.memref_slice %arg11[%dma_wait3A_331, %dma_wait3A_333] : memref<4x128xf32, #tpu.memory_space<vmem>> -> memref<1x128xf32, #tpu.memory_space<vmem>>
          %dma_wait3A_335 = tpu.memref_squeeze %dma_wait3A_334 : memref<1x128xf32, #tpu.memory_space<vmem>> -> memref<128xf32, #tpu.memory_space<vmem>>
          %dma_wait3A_336 = arith.constant 0 : i32
          %dma_wait3A_337 = tpu.memref_slice %arg10[%dma_wait3A_332, %dma_wait3A_336] : memref<4x128xi32, #tpu.memory_space<vmem>> -> memref<1x128xi32, #tpu.memory_space<vmem>>
          %dma_wait3A_338 = tpu.memref_squeeze %dma_wait3A_337 : memref<1x128xi32, #tpu.memory_space<vmem>> -> memref<128xi32, #tpu.memory_space<vmem>>
          %dma_wait3A_339 = arith.constant 0 : i32
          %dma_wait3A_340 = tpu.memref_slice %arg6[%dma_wait3A_339] : memref<16384xf32, #tpu.memory_space<vmem_shared>> -> memref<16384xf32, #tpu.memory_space<vmem_shared>>
          tpu.wait_indirect_dma semaphore(%arg16 : memref<!tpu.dma_semaphore, #tpu.memory_space<semaphore_mem>>) src(%dma_wait3A_335 : memref<128xf32, #tpu.memory_space<vmem>>) dst(%dma_wait3A_340 : memref<16384xf32, #tpu.memory_space<vmem_shared>>)
          %dma_wait3A_341 = arith.constant 3 : i32
          %dma_wait3A_342 = arith.constant 3 : i32
          %dma_wait3A_343 = arith.constant 0 : i32
          %dma_wait3A_344 = tpu.memref_slice %arg11[%dma_wait3A_341, %dma_wait3A_343] : memref<4x128xf32, #tpu.memory_space<vmem>> -> memref<1x128xf32, #tpu.memory_space<vmem>>
          %dma_wait3A_345 = tpu.memref_squeeze %dma_wait3A_344 : memref<1x128xf32, #tpu.memory_space<vmem>> -> memref<128xf32, #tpu.memory_space<vmem>>
          %dma_wait3A_346 = arith.constant 0 : i32
          %dma_wait3A_347 = tpu.memref_slice %arg10[%dma_wait3A_342, %dma_wait3A_346] : memref<4x128xi32, #tpu.memory_space<vmem>> -> memref<1x128xi32, #tpu.memory_space<vmem>>
          %dma_wait3A_348 = tpu.memref_squeeze %dma_wait3A_347 : memref<1x128xi32, #tpu.memory_space<vmem>> -> memref<128xi32, #tpu.memory_space<vmem>>
          %dma_wait3A_349 = arith.constant 0 : i32
          %dma_wait3A_350 = tpu.memref_slice %arg6[%dma_wait3A_349] : memref<16384xf32, #tpu.memory_space<vmem_shared>> -> memref<16384xf32, #tpu.memory_space<vmem_shared>>
          tpu.wait_indirect_dma semaphore(%arg16 : memref<!tpu.dma_semaphore, #tpu.memory_space<semaphore_mem>>) src(%dma_wait3A_345 : memref<128xf32, #tpu.memory_space<vmem>>) dst(%dma_wait3A_350 : memref<16384xf32, #tpu.memory_space<vmem_shared>>)
        } else {
        }
        %while3A_272 = arith.constant 0 : i32
        scf.yield %while3A_272 : i32
      }
      %while3A_149 = arith.constant 1 : i32
      %while3A_150 = scf.for %while3A_152 = %while3A_146 to %while3A_142 step %while3A_149 iter_args(%while3A_153 = %while3A_148) -> (i32)  : i32 {
        %jit3A_154 = arith.constant 32 : i32
        %eq3A_155 = arith.constant 0 : i32
        %eq3A_156 = arith.cmpi eq, %jit3A_154, %eq3A_155 : i32
        %jit3A_157 = arith.constant 1 : i32
        %select_n3A_158 = arith.select %eq3A_156, %jit3A_157, %jit3A_154 : i32
        %rem3A_159 = arith.remsi %while3A_152, %select_n3A_158 : i32
        %ne3A_160 = arith.constant 0 : i32
        %ne3A_161 = arith.cmpi ne, %rem3A_159, %ne3A_160 : i32
        %lt3A = arith.constant 0 : i32
        %lt3A_162 = arith.cmpi slt, %rem3A_159, %lt3A : i32
        %lt3A_163 = arith.constant 0 : i32
        %lt3A_164 = arith.cmpi slt, %select_n3A_158, %lt3A_163 : i32
        %ne3A_165 = arith.xori %lt3A_162, %lt3A_164 : i1
        %and3A_166 = arith.andi %ne3A_165, %ne3A_161 : i1
        %add3A_167 = arith.addi %rem3A_159, %select_n3A_158 : i32
        %select_n3A_168 = arith.select %and3A_166, %add3A_167, %rem3A_159 : i32
        %jit3A_169 = arith.constant 8 : i32
        %div3A_170 = arith.divsi %select_n3A_168, %jit3A_169 : i32
        %sign3A_171 = arith.constant 0 : i32
        %sign3A_172 = arith.cmpi sgt, %select_n3A_168, %sign3A_171 : i32
        %sign3A_173 = arith.extui %sign3A_172 : i1 to i32
        %sign3A_174 = arith.constant 0 : i32
        %sign3A_175 = arith.cmpi slt, %select_n3A_168, %sign3A_174 : i32
        %sign3A_176 = arith.extui %sign3A_175 : i1 to i32
        %sign3A_177 = arith.subi %sign3A_173, %sign3A_176 : i32
        %sign3A_178 = arith.constant 0 : i32
        %sign3A_179 = arith.cmpi sgt, %jit3A_169, %sign3A_178 : i32
        %sign3A_180 = arith.extui %sign3A_179 : i1 to i32
        %sign3A_181 = arith.constant 0 : i32
        %sign3A_182 = arith.cmpi slt, %jit3A_169, %sign3A_181 : i32
        %sign3A_183 = arith.extui %sign3A_182 : i1 to i32
        %sign3A_184 = arith.subi %sign3A_180, %sign3A_183 : i32
        %ne3A_185 = arith.cmpi ne, %sign3A_177, %sign3A_184 : i32
        %rem3A_186 = arith.remsi %select_n3A_168, %jit3A_169 : i32
        %ne3A_187 = arith.constant 0 : i32
        %ne3A_188 = arith.cmpi ne, %rem3A_186, %ne3A_187 : i32
        %and3A_189 = arith.andi %ne3A_185, %ne3A_188 : i1
        %sub3A_190 = arith.constant 1 : i32
        %sub3A_191 = arith.subi %div3A_170, %sub3A_190 : i32
        %select_n3A_192 = arith.select %and3A_189, %sub3A_191, %div3A_170 : i32
        %jit3A_193 = arith.constant 8 : i32
        %eq3A_194 = arith.constant 0 : i32
        %eq3A_195 = arith.cmpi eq, %jit3A_193, %eq3A_194 : i32
        %jit3A_196 = arith.constant 1 : i32
        %select_n3A_197 = arith.select %eq3A_195, %jit3A_196, %jit3A_193 : i32
        %rem3A_198 = arith.remsi %while3A_152, %select_n3A_197 : i32
        %ne3A_199 = arith.constant 0 : i32
        %ne3A_200 = arith.cmpi ne, %rem3A_198, %ne3A_199 : i32
        %lt3A_201 = arith.constant 0 : i32
        %lt3A_202 = arith.cmpi slt, %rem3A_198, %lt3A_201 : i32
        %lt3A_203 = arith.constant 0 : i32
        %lt3A_204 = arith.cmpi slt, %select_n3A_197, %lt3A_203 : i32
        %ne3A_205 = arith.xori %lt3A_202, %lt3A_204 : i1
        %and3A_206 = arith.andi %ne3A_205, %ne3A_200 : i1
        %add3A_207 = arith.addi %rem3A_198, %select_n3A_197 : i32
        %select_n3A_208 = arith.select %and3A_206, %add3A_207, %rem3A_198 : i32
        %mul3A_209 = arith.constant 16 : i32
        %mul3A_210 = arith.muli %select_n3A_208, %mul3A_209 : i32
        %mul3A_211 = arith.constant 16 : i32
        %mul3A_212 = arith.muli %while3A_152, %mul3A_211 : i32
        %iota3A = tpu.iota {dimensions = array<i32: 0>} : vector<16xi32>
        %add3A_213 = vector.broadcast %mul3A_212 : i32 to vector<16xi32>
        %add3A_214 = arith.addi %add3A_213, %iota3A : vector<16xi32>
        %lt3A_215 = vector.broadcast %scan3A_55 : i32 to vector<16xi32>
        %lt3A_216 = arith.cmpi slt, %add3A_214, %lt3A_215 : vector<16xi32>
        %mul3A_217 = arith.constant 16 : i32
        %mul3A_218 = arith.muli %while3A_152, %mul3A_217 : i32
        %get3A = arith.index_cast %mul3A_218 : i32 to index
        %get3A_219 = tpu.vector_load %arg9[%get3A] {strides = array<i32>} : memref<16384xi32, #tpu.memory_space<vmem>>, vector<16xi32>,
        %jit3A_220 = arith.constant 0 : i32
        %broadcast_in_dim3A_221 = vector.broadcast %jit3A_220 : i32 to vector<16xi32>
        %select_n3A_222 = arith.select %lt3A_216, %get3A_219, %broadcast_in_dim3A_221 : vector<16xi1>, vector<16xi32>
        %gather3A = tpu.vector_load_idx %arg8[%select_n3A_222] : memref<16384xi32, #tpu.memory_space<vmem>>[vector<16xi32>], vector<16xi32>,
        %mul3A_223 = arith.constant 16 : i32
        %mul3A_224 = arith.muli %while3A_152, %mul3A_223 : i32
        %iota3A_225 = tpu.iota {dimensions = array<i32: 0>} : vector<16xi32>
        %add3A_226 = vector.broadcast %mul3A_224 : i32 to vector<16xi32>
        %add3A_227 = arith.addi %add3A_226, %iota3A_225 : vector<16xi32>
        %lt3A_228 = vector.broadcast %scan3A_55 : i32 to vector<16xi32>
        %lt3A_229 = arith.cmpi slt, %add3A_227, %lt3A_228 : vector<16xi32>
        %ge3A_230 = vector.broadcast %mul3A_137 : i32 to vector<16xi32>
        %ge3A_231 = arith.cmpi sge, %gather3A, %ge3A_230 : vector<16xi32>
        %and3A_232 = arith.andi %lt3A_229, %ge3A_231 : vector<16xi1>
        %lt3A_233 = vector.broadcast %mul3A_139 : i32 to vector<16xi32>
        %lt3A_234 = arith.cmpi slt, %gather3A, %lt3A_233 : vector<16xi32>
        %and3A_235 = arith.andi %and3A_232, %lt3A_234 : vector<16xi1>
        %reduce_or3A = arith.constant 1.000000e+00 : f32
        %reduce_or3A_236 = arith.constant 0.000000e+00 : f32
        %reduce_or3A_237 = vector.broadcast %reduce_or3A : f32 to vector<16xf32>
        %reduce_or3A_238 = vector.broadcast %reduce_or3A_236 : f32 to vector<16xf32>
        %reduce_or3A_239 = arith.select %and3A_235, %reduce_or3A_237, %reduce_or3A_238 : vector<16xi1>, vector<16xf32>
        %reduce_or3A_240 = arith.constant true
        %reduce_or3A_241 = vector.broadcast %reduce_or3A_240 : i1 to vector<16xi1>
        %reduce_or3A_242 = tpu.scan <max>, %reduce_or3A_239 masked %reduce_or3A_241 : vector<16xf32>, vector<16xi1> -> vector<16xf32>
        %reduce_or3A_243 = vector.extract %reduce_or3A_242[15] : f32 from vector<16xf32>
        %reduce_or3A_244 = arith.constant 0.000000e+00 : f32
        %reduce_or3A_245 = arith.cmpf ogt, %reduce_or3A_243, %reduce_or3A_244 : f32
        %convert_element_type3A_246 = arith.extui %reduce_or3A_245 : i1 to i32
        %cond3A_247 = arith.constant 0 : i32
        %cond3A_248 = arith.constant 0 : i32
        %cond3A_249 = arith.cmpi ne, %convert_element_type3A_246, %cond3A_248 : i32
        %cond3A_250 = scf.if %cond3A_249 -> (i32) {
          %sub3A_273 = vector.broadcast %mul3A_135 : i32 to vector<16xi32>
          %sub3A_274 = arith.subi %gather3A, %sub3A_273 : vector<16xi32>
          %jit3A_275 = arith.constant 0 : i32
          %broadcast_in_dim3A_276 = vector.broadcast %jit3A_275 : i32 to vector<16xi32>
          %select_n3A_277 = arith.select %and3A_235, %sub3A_274, %broadcast_in_dim3A_276 : vector<16xi1>, vector<16xi32>
          %gather3A_278 = tpu.vector_load_idx %arg7[%broadcast_in_dim3A_68, %select_n3A_277] : memref<32x2816xf32, #tpu.memory_space<vmem>>[vector<16xi32>, vector<16xi32>], vector<16xf32>,
          %broadcast_in_dim3A_279 = arith.constant 1 : i32
          %broadcast_in_dim3A_280 = vector.broadcast %broadcast_in_dim3A_279 : i32 to vector<16xi32>
          %gather3A_281 = tpu.vector_load_idx %arg7[%broadcast_in_dim3A_280, %select_n3A_277] : memref<32x2816xf32, #tpu.memory_space<vmem>>[vector<16xi32>, vector<16xi32>], vector<16xf32>,
          %max3A = arith.maximumf %gather3A_278, %gather3A_281 : vector<16xf32>
          %broadcast_in_dim3A_282 = arith.constant 2 : i32
          %broadcast_in_dim3A_283 = vector.broadcast %broadcast_in_dim3A_282 : i32 to vector<16xi32>
          %gather3A_284 = tpu.vector_load_idx %arg7[%broadcast_in_dim3A_283, %select_n3A_277] : memref<32x2816xf32, #tpu.memory_space<vmem>>[vector<16xi32>, vector<16xi32>], vector<16xf32>,
          %max3A_285 = arith.maximumf %max3A, %gather3A_284 : vector<16xf32>
          %broadcast_in_dim3A_286 = arith.constant 3 : i32
          %broadcast_in_dim3A_287 = vector.broadcast %broadcast_in_dim3A_286 : i32 to vector<16xi32>
          %gather3A_288 = tpu.vector_load_idx %arg7[%broadcast_in_dim3A_287, %select_n3A_277] : memref<32x2816xf32, #tpu.memory_space<vmem>>[vector<16xi32>, vector<16xi32>], vector<16xf32>,
          %max3A_289 = arith.maximumf %max3A_285, %gather3A_288 : vector<16xf32>
          %broadcast_in_dim3A_290 = arith.constant 4 : i32
          %broadcast_in_dim3A_291 = vector.broadcast %broadcast_in_dim3A_290 : i32 to vector<16xi32>
          %gather3A_292 = tpu.vector_load_idx %arg7[%broadcast_in_dim3A_291, %select_n3A_277] : memref<32x2816xf32, #tpu.memory_space<vmem>>[vector<16xi32>, vector<16xi32>], vector<16xf32>,
          %max3A_293 = arith.maximumf %max3A_289, %gather3A_292 : vector<16xf32>
          %broadcast_in_dim3A_294 = arith.constant 5 : i32
          %broadcast_in_dim3A_295 = vector.broadcast %broadcast_in_dim3A_294 : i32 to vector<16xi32>
          %gather3A_296 = tpu.vector_load_idx %arg7[%broadcast_in_dim3A_295, %select_n3A_277] : memref<32x2816xf32, #tpu.memory_space<vmem>>[vector<16xi32>, vector<16xi32>], vector<16xf32>,
          %max3A_297 = arith.maximumf %max3A_293, %gather3A_296 : vector<16xf32>
          %broadcast_in_dim3A_298 = arith.constant 6 : i32
          %broadcast_in_dim3A_299 = vector.broadcast %broadcast_in_dim3A_298 : i32 to vector<16xi32>
          %gather3A_300 = tpu.vector_load_idx %arg7[%broadcast_in_dim3A_299, %select_n3A_277] : memref<32x2816xf32, #tpu.memory_space<vmem>>[vector<16xi32>, vector<16xi32>], vector<16xf32>,
          %max3A_301 = arith.maximumf %max3A_297, %gather3A_300 : vector<16xf32>
          %broadcast_in_dim3A_302 = arith.constant 7 : i32
          %broadcast_in_dim3A_303 = vector.broadcast %broadcast_in_dim3A_302 : i32 to vector<16xi32>
          %gather3A_304 = tpu.vector_load_idx %arg7[%broadcast_in_dim3A_303, %select_n3A_277] : memref<32x2816xf32, #tpu.memory_space<vmem>>[vector<16xi32>, vector<16xi32>], vector<16xf32>,
          %max3A_305 = arith.maximumf %max3A_301, %gather3A_304 : vector<16xf32>
          %broadcast_in_dim3A_306 = arith.constant 8 : i32
          %broadcast_in_dim3A_307 = vector.broadcast %broadcast_in_dim3A_306 : i32 to vector<16xi32>
          %gather3A_308 = tpu.vector_load_idx %arg7[%broadcast_in_dim3A_307, %select_n3A_277] : memref<32x2816xf32, #tpu.memory_space<vmem>>[vector<16xi32>, vector<16xi32>], vector<16xf32>,
          %max3A_309 = arith.maximumf %max3A_305, %gather3A_308 : vector<16xf32>
          %broadcast_in_dim3A_310 = arith.constant 9 : i32
          %broadcast_in_dim3A_311 = vector.broadcast %broadcast_in_dim3A_310 : i32 to vector<16xi32>
          %gather3A_312 = tpu.vector_load_idx %arg7[%broadcast_in_dim3A_311, %select_n3A_277] : memref<32x2816xf32, #tpu.memory_space<vmem>>[vector<16xi32>, vector<16xi32>], vector<16xf32>,
          %max3A_313 = arith.maximumf %max3A_309, %gather3A_312 : vector<16xf32>
          %broadcast_in_dim3A_314 = arith.constant 10 : i32
          %broadcast_in_dim3A_315 = vector.broadcast %broadcast_in_dim3A_314 : i32 to vector<16xi32>
          %gather3A_316 = tpu.vector_load_idx %arg7[%broadcast_in_dim3A_315, %select_n3A_277] : memref<32x2816xf32, #tpu.memory_space<vmem>>[vector<16xi32>, vector<16xi32>], vector<16xf32>,
          %max3A_317 = arith.maximumf %max3A_313, %gather3A_316 : vector<16xf32>
          %broadcast_in_dim3A_318 = arith.constant 11 : i32
          %broadcast_in_dim3A_319 = vector.broadcast %broadcast_in_dim3A_318 : i32 to vector<16xi32>
          %gather3A_320 = tpu.vector_load_idx %arg7[%broadcast_in_dim3A_319, %select_n3A_277] : memref<32x2816xf32, #tpu.memory_space<vmem>>[vector<16xi32>, vector<16xi32>], vector<16xf32>,
          %max3A_321 = arith.maximumf %max3A_317, %gather3A_320 : vector<16xf32>
          %broadcast_in_dim3A_322 = arith.constant 12 : i32
          %broadcast_in_dim3A_323 = vector.broadcast %broadcast_in_dim3A_322 : i32 to vector<16xi32>
          %gather3A_324 = tpu.vector_load_idx %arg7[%broadcast_in_dim3A_323, %select_n3A_277] : memref<32x2816xf32, #tpu.memory_space<vmem>>[vector<16xi32>, vector<16xi32>], vector<16xf32>,
          %max3A_325 = arith.maximumf %max3A_321, %gather3A_324 : vector<16xf32>
          %broadcast_in_dim3A_326 = arith.constant 13 : i32
          %broadcast_in_dim3A_327 = vector.broadcast %broadcast_in_dim3A_326 : i32 to vector<16xi32>
          %gather3A_328 = tpu.vector_load_idx %arg7[%broadcast_in_dim3A_327, %select_n3A_277] : memref<32x2816xf32, #tpu.memory_space<vmem>>[vector<16xi32>, vector<16xi32>], vector<16xf32>,
          %max3A_329 = arith.maximumf %max3A_325, %gather3A_328 : vector<16xf32>
          %broadcast_in_dim3A_330 = arith.constant 14 : i32
          %broadcast_in_dim3A_331 = vector.broadcast %broadcast_in_dim3A_330 : i32 to vector<16xi32>
          %gather3A_332 = tpu.vector_load_idx %arg7[%broadcast_in_dim3A_331, %select_n3A_277] : memref<32x2816xf32, #tpu.memory_space<vmem>>[vector<16xi32>, vector<16xi32>], vector<16xf32>,
          %max3A_333 = arith.maximumf %max3A_329, %gather3A_332 : vector<16xf32>
          %broadcast_in_dim3A_334 = arith.constant 15 : i32
          %broadcast_in_dim3A_335 = vector.broadcast %broadcast_in_dim3A_334 : i32 to vector<16xi32>
          %gather3A_336 = tpu.vector_load_idx %arg7[%broadcast_in_dim3A_335, %select_n3A_277] : memref<32x2816xf32, #tpu.memory_space<vmem>>[vector<16xi32>, vector<16xi32>], vector<16xf32>,
          %max3A_337 = arith.maximumf %max3A_333, %gather3A_336 : vector<16xf32>
          %broadcast_in_dim3A_338 = arith.constant 16 : i32
          %broadcast_in_dim3A_339 = vector.broadcast %broadcast_in_dim3A_338 : i32 to vector<16xi32>
          %gather3A_340 = tpu.vector_load_idx %arg7[%broadcast_in_dim3A_339, %select_n3A_277] : memref<32x2816xf32, #tpu.memory_space<vmem>>[vector<16xi32>, vector<16xi32>], vector<16xf32>,
          %max3A_341 = arith.maximumf %max3A_337, %gather3A_340 : vector<16xf32>
          %broadcast_in_dim3A_342 = arith.constant 17 : i32
          %broadcast_in_dim3A_343 = vector.broadcast %broadcast_in_dim3A_342 : i32 to vector<16xi32>
          %gather3A_344 = tpu.vector_load_idx %arg7[%broadcast_in_dim3A_343, %select_n3A_277] : memref<32x2816xf32, #tpu.memory_space<vmem>>[vector<16xi32>, vector<16xi32>], vector<16xf32>,
          %max3A_345 = arith.maximumf %max3A_341, %gather3A_344 : vector<16xf32>
          %broadcast_in_dim3A_346 = arith.constant 18 : i32
          %broadcast_in_dim3A_347 = vector.broadcast %broadcast_in_dim3A_346 : i32 to vector<16xi32>
          %gather3A_348 = tpu.vector_load_idx %arg7[%broadcast_in_dim3A_347, %select_n3A_277] : memref<32x2816xf32, #tpu.memory_space<vmem>>[vector<16xi32>, vector<16xi32>], vector<16xf32>,
          %max3A_349 = arith.maximumf %max3A_345, %gather3A_348 : vector<16xf32>
          %broadcast_in_dim3A_350 = arith.constant 19 : i32
          %broadcast_in_dim3A_351 = vector.broadcast %broadcast_in_dim3A_350 : i32 to vector<16xi32>
          %gather3A_352 = tpu.vector_load_idx %arg7[%broadcast_in_dim3A_351, %select_n3A_277] : memref<32x2816xf32, #tpu.memory_space<vmem>>[vector<16xi32>, vector<16xi32>], vector<16xf32>,
          %max3A_353 = arith.maximumf %max3A_349, %gather3A_352 : vector<16xf32>
          %broadcast_in_dim3A_354 = arith.constant 20 : i32
          %broadcast_in_dim3A_355 = vector.broadcast %broadcast_in_dim3A_354 : i32 to vector<16xi32>
          %gather3A_356 = tpu.vector_load_idx %arg7[%broadcast_in_dim3A_355, %select_n3A_277] : memref<32x2816xf32, #tpu.memory_space<vmem>>[vector<16xi32>, vector<16xi32>], vector<16xf32>,
          %max3A_357 = arith.maximumf %max3A_353, %gather3A_356 : vector<16xf32>
          %broadcast_in_dim3A_358 = arith.constant 21 : i32
          %broadcast_in_dim3A_359 = vector.broadcast %broadcast_in_dim3A_358 : i32 to vector<16xi32>
          %gather3A_360 = tpu.vector_load_idx %arg7[%broadcast_in_dim3A_359, %select_n3A_277] : memref<32x2816xf32, #tpu.memory_space<vmem>>[vector<16xi32>, vector<16xi32>], vector<16xf32>,
          %max3A_361 = arith.maximumf %max3A_357, %gather3A_360 : vector<16xf32>
          %broadcast_in_dim3A_362 = arith.constant 22 : i32
          %broadcast_in_dim3A_363 = vector.broadcast %broadcast_in_dim3A_362 : i32 to vector<16xi32>
          %gather3A_364 = tpu.vector_load_idx %arg7[%broadcast_in_dim3A_363, %select_n3A_277] : memref<32x2816xf32, #tpu.memory_space<vmem>>[vector<16xi32>, vector<16xi32>], vector<16xf32>,
          %max3A_365 = arith.maximumf %max3A_361, %gather3A_364 : vector<16xf32>
          %broadcast_in_dim3A_366 = arith.constant 23 : i32
          %broadcast_in_dim3A_367 = vector.broadcast %broadcast_in_dim3A_366 : i32 to vector<16xi32>
          %gather3A_368 = tpu.vector_load_idx %arg7[%broadcast_in_dim3A_367, %select_n3A_277] : memref<32x2816xf32, #tpu.memory_space<vmem>>[vector<16xi32>, vector<16xi32>], vector<16xf32>,
          %max3A_369 = arith.maximumf %max3A_365, %gather3A_368 : vector<16xf32>
          %broadcast_in_dim3A_370 = arith.constant 24 : i32
          %broadcast_in_dim3A_371 = vector.broadcast %broadcast_in_dim3A_370 : i32 to vector<16xi32>
          %gather3A_372 = tpu.vector_load_idx %arg7[%broadcast_in_dim3A_371, %select_n3A_277] : memref<32x2816xf32, #tpu.memory_space<vmem>>[vector<16xi32>, vector<16xi32>], vector<16xf32>,
          %max3A_373 = arith.maximumf %max3A_369, %gather3A_372 : vector<16xf32>
          %broadcast_in_dim3A_374 = arith.constant 25 : i32
          %broadcast_in_dim3A_375 = vector.broadcast %broadcast_in_dim3A_374 : i32 to vector<16xi32>
          %gather3A_376 = tpu.vector_load_idx %arg7[%broadcast_in_dim3A_375, %select_n3A_277] : memref<32x2816xf32, #tpu.memory_space<vmem>>[vector<16xi32>, vector<16xi32>], vector<16xf32>,
          %max3A_377 = arith.maximumf %max3A_373, %gather3A_376 : vector<16xf32>
          %broadcast_in_dim3A_378 = arith.constant 26 : i32
          %broadcast_in_dim3A_379 = vector.broadcast %broadcast_in_dim3A_378 : i32 to vector<16xi32>
          %gather3A_380 = tpu.vector_load_idx %arg7[%broadcast_in_dim3A_379, %select_n3A_277] : memref<32x2816xf32, #tpu.memory_space<vmem>>[vector<16xi32>, vector<16xi32>], vector<16xf32>,
          %max3A_381 = arith.maximumf %max3A_377, %gather3A_380 : vector<16xf32>
          %broadcast_in_dim3A_382 = arith.constant 27 : i32
          %broadcast_in_dim3A_383 = vector.broadcast %broadcast_in_dim3A_382 : i32 to vector<16xi32>
          %gather3A_384 = tpu.vector_load_idx %arg7[%broadcast_in_dim3A_383, %select_n3A_277] : memref<32x2816xf32, #tpu.memory_space<vmem>>[vector<16xi32>, vector<16xi32>], vector<16xf32>,
          %max3A_385 = arith.maximumf %max3A_381, %gather3A_384 : vector<16xf32>
          %broadcast_in_dim3A_386 = arith.constant 28 : i32
          %broadcast_in_dim3A_387 = vector.broadcast %broadcast_in_dim3A_386 : i32 to vector<16xi32>
          %gather3A_388 = tpu.vector_load_idx %arg7[%broadcast_in_dim3A_387, %select_n3A_277] : memref<32x2816xf32, #tpu.memory_space<vmem>>[vector<16xi32>, vector<16xi32>], vector<16xf32>,
          %max3A_389 = arith.maximumf %max3A_385, %gather3A_388 : vector<16xf32>
          %broadcast_in_dim3A_390 = arith.constant 29 : i32
          %broadcast_in_dim3A_391 = vector.broadcast %broadcast_in_dim3A_390 : i32 to vector<16xi32>
          %gather3A_392 = tpu.vector_load_idx %arg7[%broadcast_in_dim3A_391, %select_n3A_277] : memref<32x2816xf32, #tpu.memory_space<vmem>>[vector<16xi32>, vector<16xi32>], vector<16xf32>,
          %max3A_393 = arith.maximumf %max3A_389, %gather3A_392 : vector<16xf32>
          %broadcast_in_dim3A_394 = arith.constant 30 : i32
          %broadcast_in_dim3A_395 = vector.broadcast %broadcast_in_dim3A_394 : i32 to vector<16xi32>
          %gather3A_396 = tpu.vector_load_idx %arg7[%broadcast_in_dim3A_395, %select_n3A_277] : memref<32x2816xf32, #tpu.memory_space<vmem>>[vector<16xi32>, vector<16xi32>], vector<16xf32>,
          %max3A_397 = arith.maximumf %max3A_393, %gather3A_396 : vector<16xf32>
          %broadcast_in_dim3A_398 = arith.constant 31 : i32
          %broadcast_in_dim3A_399 = vector.broadcast %broadcast_in_dim3A_398 : i32 to vector<16xi32>
          %gather3A_400 = tpu.vector_load_idx %arg7[%broadcast_in_dim3A_399, %select_n3A_277] : memref<32x2816xf32, #tpu.memory_space<vmem>>[vector<16xi32>, vector<16xi32>], vector<16xf32>,
          %max3A_401 = arith.maximumf %max3A_397, %gather3A_400 : vector<16xf32>
          %jit3A_402 = arith.constant 0 : i32
          %broadcast_in_dim3A_403 = vector.broadcast %jit3A_402 : i32 to vector<16xi32>
          %select_n3A_404 = arith.select %and3A_235, %select_n3A_222, %broadcast_in_dim3A_403 : vector<16xi1>, vector<16xi32>
          %swap3A = arith.index_cast %select_n3A_192 : i32 to index
          %swap3A_405 = arith.index_cast %mul3A_210 : i32 to index
          %swap3A_406 = tpu.vector_load %arg10[%swap3A, %swap3A_405] {strides = array<i32>} : memref<4x128xi32, #tpu.memory_space<vmem>>, vector<16xi32>,
          tpu.vector_store %arg10[%swap3A, %swap3A_405], %select_n3A_404 {strides = array<i32>} : memref<4x128xi32, #tpu.memory_space<vmem>>, vector<16xi32>,
          %jit3A_407 = arith.constant 0.000000e+00 : f32
          %broadcast_in_dim3A_408 = vector.broadcast %jit3A_407 : f32 to vector<16xf32>
          %select_n3A_409 = arith.select %and3A_235, %max3A_401, %broadcast_in_dim3A_408 : vector<16xi1>, vector<16xf32>
          %swap3A_410 = arith.index_cast %select_n3A_192 : i32 to index
          %swap3A_411 = arith.index_cast %mul3A_210 : i32 to index
          %swap3A_412 = tpu.vector_load %arg11[%swap3A_410, %swap3A_411] {strides = array<i32>} : memref<4x128xf32, #tpu.memory_space<vmem>>, vector<16xf32>,
          tpu.vector_store %arg11[%swap3A_410, %swap3A_411], %select_n3A_409 {strides = array<i32>} : memref<4x128xf32, #tpu.memory_space<vmem>>, vector<16xf32>,
          %cond3A_413 = arith.constant 0 : i32
          scf.yield %cond3A_413 : i32
        } else {
          %swap3A = arith.index_cast %select_n3A_192 : i32 to index
          %swap3A_273 = arith.index_cast %mul3A_210 : i32 to index
          %swap3A_274 = tpu.vector_load %arg10[%swap3A, %swap3A_273] {strides = array<i32>} : memref<4x128xi32, #tpu.memory_space<vmem>>, vector<16xi32>,
          tpu.vector_store %arg10[%swap3A, %swap3A_273], %broadcast_in_dim3A_68 {strides = array<i32>} : memref<4x128xi32, #tpu.memory_space<vmem>>, vector<16xi32>,
          %swap3A_275 = arith.index_cast %select_n3A_192 : i32 to index
          %swap3A_276 = arith.index_cast %mul3A_210 : i32 to index
          %swap3A_277 = tpu.vector_load %arg11[%swap3A_275, %swap3A_276] {strides = array<i32>} : memref<4x128xf32, #tpu.memory_space<vmem>>, vector<16xf32>,
          tpu.vector_store %arg11[%swap3A_275, %swap3A_276], %broadcast_in_dim3A_66 {strides = array<i32>} : memref<4x128xf32, #tpu.memory_space<vmem>>, vector<16xf32>,
          %cond3A_278 = arith.constant 0 : i32
          scf.yield %cond3A_278 : i32
        }
        %jit3A_251 = arith.constant 32 : i32
        %eq3A_252 = arith.constant 0 : i32
        %eq3A_253 = arith.cmpi eq, %jit3A_251, %eq3A_252 : i32
        %jit3A_254 = arith.constant 1 : i32
        %select_n3A_255 = arith.select %eq3A_253, %jit3A_254, %jit3A_251 : i32
        %rem3A_256 = arith.remsi %while3A_152, %select_n3A_255 : i32
        %ne3A_257 = arith.constant 0 : i32
        %ne3A_258 = arith.cmpi ne, %rem3A_256, %ne3A_257 : i32
        %lt3A_259 = arith.constant 0 : i32
        %lt3A_260 = arith.cmpi slt, %rem3A_256, %lt3A_259 : i32
        %lt3A_261 = arith.constant 0 : i32
        %lt3A_262 = arith.cmpi slt, %select_n3A_255, %lt3A_261 : i32
        %ne3A_263 = arith.xori %lt3A_260, %lt3A_262 : i1
        %and3A_264 = arith.andi %ne3A_263, %ne3A_258 : i1
        %add3A_265 = arith.addi %rem3A_256, %select_n3A_255 : i32
        %select_n3A_266 = arith.select %and3A_264, %add3A_265, %rem3A_256 : i32
        %eq3A_267 = arith.constant 31 : i32
        %eq3A_268 = arith.cmpi eq, %select_n3A_266, %eq3A_267 : i32
        %convert_element_type3A_269 = arith.extui %eq3A_268 : i1 to i32
        %cond3A_270 = arith.constant 0 : i32
        %cond3A_271 = arith.cmpi ne, %convert_element_type3A_269, %cond3A_270 : i32
        scf.if %cond3A_271 {
          %dma_start3A = arith.constant 0 : i32
          %dma_start3A_273 = arith.constant 0 : i32
          %dma_start3A_274 = arith.constant 0 : i32
          %dma_start3A_275 = tpu.memref_slice %arg11[%dma_start3A, %dma_start3A_274] : memref<4x128xf32, #tpu.memory_space<vmem>> -> memref<1x128xf32, #tpu.memory_space<vmem>>
          %dma_start3A_276 = tpu.memref_squeeze %dma_start3A_275 : memref<1x128xf32, #tpu.memory_space<vmem>> -> memref<128xf32, #tpu.memory_space<vmem>>
          %dma_start3A_277 = arith.constant 0 : i32
          %dma_start3A_278 = tpu.memref_slice %arg10[%dma_start3A_273, %dma_start3A_277] : memref<4x128xi32, #tpu.memory_space<vmem>> -> memref<1x128xi32, #tpu.memory_space<vmem>>
          %dma_start3A_279 = tpu.memref_squeeze %dma_start3A_278 : memref<1x128xi32, #tpu.memory_space<vmem>> -> memref<128xi32, #tpu.memory_space<vmem>>
          %dma_start3A_280 = arith.constant 0 : i32
          %dma_start3A_281 = tpu.memref_slice %arg6[%dma_start3A_280] : memref<16384xf32, #tpu.memory_space<vmem_shared>> -> memref<16384xf32, #tpu.memory_space<vmem_shared>>
          tpu.enqueue_indirect_dma source(%dma_start3A_276 : memref<128xf32, #tpu.memory_space<vmem>>) target(%dma_start3A_281 : memref<16384xf32, #tpu.memory_space<vmem_shared>>) offsets(%dma_start3A_279 : memref<128xi32, #tpu.memory_space<vmem>>) semaphore(%arg16 : memref<!tpu.dma_semaphore, #tpu.memory_space<semaphore_mem>>) {add = true}
          %dma_start3A_282 = arith.constant 1 : i32
          %dma_start3A_283 = arith.constant 1 : i32
          %dma_start3A_284 = arith.constant 0 : i32
          %dma_start3A_285 = tpu.memref_slice %arg11[%dma_start3A_282, %dma_start3A_284] : memref<4x128xf32, #tpu.memory_space<vmem>> -> memref<1x128xf32, #tpu.memory_space<vmem>>
          %dma_start3A_286 = tpu.memref_squeeze %dma_start3A_285 : memref<1x128xf32, #tpu.memory_space<vmem>> -> memref<128xf32, #tpu.memory_space<vmem>>
          %dma_start3A_287 = arith.constant 0 : i32
          %dma_start3A_288 = tpu.memref_slice %arg10[%dma_start3A_283, %dma_start3A_287] : memref<4x128xi32, #tpu.memory_space<vmem>> -> memref<1x128xi32, #tpu.memory_space<vmem>>
          %dma_start3A_289 = tpu.memref_squeeze %dma_start3A_288 : memref<1x128xi32, #tpu.memory_space<vmem>> -> memref<128xi32, #tpu.memory_space<vmem>>
          %dma_start3A_290 = arith.constant 0 : i32
          %dma_start3A_291 = tpu.memref_slice %arg6[%dma_start3A_290] : memref<16384xf32, #tpu.memory_space<vmem_shared>> -> memref<16384xf32, #tpu.memory_space<vmem_shared>>
          tpu.enqueue_indirect_dma source(%dma_start3A_286 : memref<128xf32, #tpu.memory_space<vmem>>) target(%dma_start3A_291 : memref<16384xf32, #tpu.memory_space<vmem_shared>>) offsets(%dma_start3A_289 : memref<128xi32, #tpu.memory_space<vmem>>) semaphore(%arg16 : memref<!tpu.dma_semaphore, #tpu.memory_space<semaphore_mem>>) {add = true}
          %dma_start3A_292 = arith.constant 2 : i32
          %dma_start3A_293 = arith.constant 2 : i32
          %dma_start3A_294 = arith.constant 0 : i32
          %dma_start3A_295 = tpu.memref_slice %arg11[%dma_start3A_292, %dma_start3A_294] : memref<4x128xf32, #tpu.memory_space<vmem>> -> memref<1x128xf32, #tpu.memory_space<vmem>>
          %dma_start3A_296 = tpu.memref_squeeze %dma_start3A_295 : memref<1x128xf32, #tpu.memory_space<vmem>> -> memref<128xf32, #tpu.memory_space<vmem>>
          %dma_start3A_297 = arith.constant 0 : i32
          %dma_start3A_298 = tpu.memref_slice %arg10[%dma_start3A_293, %dma_start3A_297] : memref<4x128xi32, #tpu.memory_space<vmem>> -> memref<1x128xi32, #tpu.memory_space<vmem>>
          %dma_start3A_299 = tpu.memref_squeeze %dma_start3A_298 : memref<1x128xi32, #tpu.memory_space<vmem>> -> memref<128xi32, #tpu.memory_space<vmem>>
          %dma_start3A_300 = arith.constant 0 : i32
          %dma_start3A_301 = tpu.memref_slice %arg6[%dma_start3A_300] : memref<16384xf32, #tpu.memory_space<vmem_shared>> -> memref<16384xf32, #tpu.memory_space<vmem_shared>>
          tpu.enqueue_indirect_dma source(%dma_start3A_296 : memref<128xf32, #tpu.memory_space<vmem>>) target(%dma_start3A_301 : memref<16384xf32, #tpu.memory_space<vmem_shared>>) offsets(%dma_start3A_299 : memref<128xi32, #tpu.memory_space<vmem>>) semaphore(%arg16 : memref<!tpu.dma_semaphore, #tpu.memory_space<semaphore_mem>>) {add = true}
          %dma_start3A_302 = arith.constant 3 : i32
          %dma_start3A_303 = arith.constant 3 : i32
          %dma_start3A_304 = arith.constant 0 : i32
          %dma_start3A_305 = tpu.memref_slice %arg11[%dma_start3A_302, %dma_start3A_304] : memref<4x128xf32, #tpu.memory_space<vmem>> -> memref<1x128xf32, #tpu.memory_space<vmem>>
          %dma_start3A_306 = tpu.memref_squeeze %dma_start3A_305 : memref<1x128xf32, #tpu.memory_space<vmem>> -> memref<128xf32, #tpu.memory_space<vmem>>
          %dma_start3A_307 = arith.constant 0 : i32
          %dma_start3A_308 = tpu.memref_slice %arg10[%dma_start3A_303, %dma_start3A_307] : memref<4x128xi32, #tpu.memory_space<vmem>> -> memref<1x128xi32, #tpu.memory_space<vmem>>
          %dma_start3A_309 = tpu.memref_squeeze %dma_start3A_308 : memref<1x128xi32, #tpu.memory_space<vmem>> -> memref<128xi32, #tpu.memory_space<vmem>>
          %dma_start3A_310 = arith.constant 0 : i32
          %dma_start3A_311 = tpu.memref_slice %arg6[%dma_start3A_310] : memref<16384xf32, #tpu.memory_space<vmem_shared>> -> memref<16384xf32, #tpu.memory_space<vmem_shared>>
          tpu.enqueue_indirect_dma source(%dma_start3A_306 : memref<128xf32, #tpu.memory_space<vmem>>) target(%dma_start3A_311 : memref<16384xf32, #tpu.memory_space<vmem_shared>>) offsets(%dma_start3A_309 : memref<128xi32, #tpu.memory_space<vmem>>) semaphore(%arg16 : memref<!tpu.dma_semaphore, #tpu.memory_space<semaphore_mem>>) {add = true}
          %dma_wait3A = arith.constant 0 : i32
          %dma_wait3A_312 = arith.constant 0 : i32
          %dma_wait3A_313 = arith.constant 0 : i32
          %dma_wait3A_314 = tpu.memref_slice %arg11[%dma_wait3A, %dma_wait3A_313] : memref<4x128xf32, #tpu.memory_space<vmem>> -> memref<1x128xf32, #tpu.memory_space<vmem>>
          %dma_wait3A_315 = tpu.memref_squeeze %dma_wait3A_314 : memref<1x128xf32, #tpu.memory_space<vmem>> -> memref<128xf32, #tpu.memory_space<vmem>>
          %dma_wait3A_316 = arith.constant 0 : i32
          %dma_wait3A_317 = tpu.memref_slice %arg10[%dma_wait3A_312, %dma_wait3A_316] : memref<4x128xi32, #tpu.memory_space<vmem>> -> memref<1x128xi32, #tpu.memory_space<vmem>>
          %dma_wait3A_318 = tpu.memref_squeeze %dma_wait3A_317 : memref<1x128xi32, #tpu.memory_space<vmem>> -> memref<128xi32, #tpu.memory_space<vmem>>
          %dma_wait3A_319 = arith.constant 0 : i32
          %dma_wait3A_320 = tpu.memref_slice %arg6[%dma_wait3A_319] : memref<16384xf32, #tpu.memory_space<vmem_shared>> -> memref<16384xf32, #tpu.memory_space<vmem_shared>>
          tpu.wait_indirect_dma semaphore(%arg16 : memref<!tpu.dma_semaphore, #tpu.memory_space<semaphore_mem>>) src(%dma_wait3A_315 : memref<128xf32, #tpu.memory_space<vmem>>) dst(%dma_wait3A_320 : memref<16384xf32, #tpu.memory_space<vmem_shared>>)
          %dma_wait3A_321 = arith.constant 1 : i32
          %dma_wait3A_322 = arith.constant 1 : i32
          %dma_wait3A_323 = arith.constant 0 : i32
          %dma_wait3A_324 = tpu.memref_slice %arg11[%dma_wait3A_321, %dma_wait3A_323] : memref<4x128xf32, #tpu.memory_space<vmem>> -> memref<1x128xf32, #tpu.memory_space<vmem>>
          %dma_wait3A_325 = tpu.memref_squeeze %dma_wait3A_324 : memref<1x128xf32, #tpu.memory_space<vmem>> -> memref<128xf32, #tpu.memory_space<vmem>>
          %dma_wait3A_326 = arith.constant 0 : i32
          %dma_wait3A_327 = tpu.memref_slice %arg10[%dma_wait3A_322, %dma_wait3A_326] : memref<4x128xi32, #tpu.memory_space<vmem>> -> memref<1x128xi32, #tpu.memory_space<vmem>>
          %dma_wait3A_328 = tpu.memref_squeeze %dma_wait3A_327 : memref<1x128xi32, #tpu.memory_space<vmem>> -> memref<128xi32, #tpu.memory_space<vmem>>
          %dma_wait3A_329 = arith.constant 0 : i32
          %dma_wait3A_330 = tpu.memref_slice %arg6[%dma_wait3A_329] : memref<16384xf32, #tpu.memory_space<vmem_shared>> -> memref<16384xf32, #tpu.memory_space<vmem_shared>>
          tpu.wait_indirect_dma semaphore(%arg16 : memref<!tpu.dma_semaphore, #tpu.memory_space<semaphore_mem>>) src(%dma_wait3A_325 : memref<128xf32, #tpu.memory_space<vmem>>) dst(%dma_wait3A_330 : memref<16384xf32, #tpu.memory_space<vmem_shared>>)
          %dma_wait3A_331 = arith.constant 2 : i32
          %dma_wait3A_332 = arith.constant 2 : i32
          %dma_wait3A_333 = arith.constant 0 : i32
          %dma_wait3A_334 = tpu.memref_slice %arg11[%dma_wait3A_331, %dma_wait3A_333] : memref<4x128xf32, #tpu.memory_space<vmem>> -> memref<1x128xf32, #tpu.memory_space<vmem>>
          %dma_wait3A_335 = tpu.memref_squeeze %dma_wait3A_334 : memref<1x128xf32, #tpu.memory_space<vmem>> -> memref<128xf32, #tpu.memory_space<vmem>>
          %dma_wait3A_336 = arith.constant 0 : i32
          %dma_wait3A_337 = tpu.memref_slice %arg10[%dma_wait3A_332, %dma_wait3A_336] : memref<4x128xi32, #tpu.memory_space<vmem>> -> memref<1x128xi32, #tpu.memory_space<vmem>>
          %dma_wait3A_338 = tpu.memref_squeeze %dma_wait3A_337 : memref<1x128xi32, #tpu.memory_space<vmem>> -> memref<128xi32, #tpu.memory_space<vmem>>
          %dma_wait3A_339 = arith.constant 0 : i32
          %dma_wait3A_340 = tpu.memref_slice %arg6[%dma_wait3A_339] : memref<16384xf32, #tpu.memory_space<vmem_shared>> -> memref<16384xf32, #tpu.memory_space<vmem_shared>>
          tpu.wait_indirect_dma semaphore(%arg16 : memref<!tpu.dma_semaphore, #tpu.memory_space<semaphore_mem>>) src(%dma_wait3A_335 : memref<128xf32, #tpu.memory_space<vmem>>) dst(%dma_wait3A_340 : memref<16384xf32, #tpu.memory_space<vmem_shared>>)
          %dma_wait3A_341 = arith.constant 3 : i32
          %dma_wait3A_342 = arith.constant 3 : i32
          %dma_wait3A_343 = arith.constant 0 : i32
          %dma_wait3A_344 = tpu.memref_slice %arg11[%dma_wait3A_341, %dma_wait3A_343] : memref<4x128xf32, #tpu.memory_space<vmem>> -> memref<1x128xf32, #tpu.memory_space<vmem>>
          %dma_wait3A_345 = tpu.memref_squeeze %dma_wait3A_344 : memref<1x128xf32, #tpu.memory_space<vmem>> -> memref<128xf32, #tpu.memory_space<vmem>>
          %dma_wait3A_346 = arith.constant 0 : i32
          %dma_wait3A_347 = tpu.memref_slice %arg10[%dma_wait3A_342, %dma_wait3A_346] : memref<4x128xi32, #tpu.memory_space<vmem>> -> memref<1x128xi32, #tpu.memory_space<vmem>>
          %dma_wait3A_348 = tpu.memref_squeeze %dma_wait3A_347 : memref<1x128xi32, #tpu.memory_space<vmem>> -> memref<128xi32, #tpu.memory_space<vmem>>
          %dma_wait3A_349 = arith.constant 0 : i32
          %dma_wait3A_350 = tpu.memref_slice %arg6[%dma_wait3A_349] : memref<16384xf32, #tpu.memory_space<vmem_shared>> -> memref<16384xf32, #tpu.memory_space<vmem_shared>>
          tpu.wait_indirect_dma semaphore(%arg16 : memref<!tpu.dma_semaphore, #tpu.memory_space<semaphore_mem>>) src(%dma_wait3A_345 : memref<128xf32, #tpu.memory_space<vmem>>) dst(%dma_wait3A_350 : memref<16384xf32, #tpu.memory_space<vmem_shared>>)
        } else {
        }
        %while3A_272 = arith.constant 0 : i32
        scf.yield %while3A_272 : i32
      }
      %scan3A_151 = arith.constant 0 : i32
      scf.yield %scan3A_151 : i32
    }
    %scan3A_103 = arith.constant 12 : i32
    %eq3A = arith.constant 0 : i32
    %eq3A_104 = arith.cmpi eq, %add3A, %eq3A : i32
    %convert_element_type3A = arith.extui %eq3A_104 : i1 to i32
    %cond3A = arith.constant 0 : i32
    %cond3A_105 = arith.cmpi ne, %convert_element_type3A, %cond3A : i32
    scf.if %cond3A_105 {
      "tpu.region"() ({
        %run_scoped3A = tpu.sem_alloc : memref<!tpu.dma_semaphore, #tpu.memory_space<semaphore_mem>>
        tpu.enqueue_dma source(%arg3 : memref<2048xf32, #tpu.memory_space<hbm>>) target(%arg12 : memref<2048xf32, #tpu.memory_space<vmem>>) target_semaphore(%run_scoped3A : memref<!tpu.dma_semaphore, #tpu.memory_space<semaphore_mem>>)
        tpu.wait_dma2 semaphore(%run_scoped3A : memref<!tpu.dma_semaphore, #tpu.memory_space<semaphore_mem>>) src(%arg3 : memref<2048xf32, #tpu.memory_space<hbm>>) dst(%arg12 : memref<2048xf32, #tpu.memory_space<vmem>>)
        tpu.yield
      }) : () -> ()
      %scan3A_114 = arith.constant 0 : i32
      %scan3A_115 = arith.constant 0 : i32
      %scan3A_116 = arith.constant 1024 : i32
      %scan3A_117 = arith.addi %scan3A_115, %scan3A_116 : i32
      %scan3A_118 = arith.constant 1 : i32
      %scan3A_119 = scf.for %scan3A_121 = %scan3A_115 to %scan3A_117 step %scan3A_118 iter_args(%scan3A_122 = %scan3A_114) -> (i32)  : i32 {
        %mul3A_123 = arith.constant 16 : i32
        %mul3A_124 = arith.muli %scan3A_121, %mul3A_123 : i32
        %iota3A = tpu.iota {dimensions = array<i32: 0>} : vector<16xi32>
        %add3A_125 = vector.broadcast %mul3A_124 : i32 to vector<16xi32>
        %add3A_126 = arith.addi %add3A_125, %iota3A : vector<16xi32>
        %get3A = arith.index_cast %mul3A_124 : i32 to index
        %get3A_127 = tpu.vector_load %arg8[%get3A] {strides = array<i32>} : memref<16384xi32, #tpu.memory_space<vmem>>, vector<16xi32>,
        %ge3A = arith.constant 999936 : i32
        %ge3A_128 = vector.broadcast %ge3A : i32 to vector<16xi32>
        %ge3A_129 = arith.cmpi sge, %get3A_127, %ge3A_128 : vector<16xi32>
        %reduce_or3A = arith.constant 1.000000e+00 : f32
        %reduce_or3A_130 = arith.constant 0.000000e+00 : f32
        %reduce_or3A_131 = vector.broadcast %reduce_or3A : f32 to vector<16xf32>
        %reduce_or3A_132 = vector.broadcast %reduce_or3A_130 : f32 to vector<16xf32>
        %reduce_or3A_133 = arith.select %ge3A_129, %reduce_or3A_131, %reduce_or3A_132 : vector<16xi1>, vector<16xf32>
        %reduce_or3A_134 = arith.constant true
        %reduce_or3A_135 = vector.broadcast %reduce_or3A_134 : i1 to vector<16xi1>
        %reduce_or3A_136 = tpu.scan <max>, %reduce_or3A_133 masked %reduce_or3A_135 : vector<16xf32>, vector<16xi1> -> vector<16xf32>
        %reduce_or3A_137 = vector.extract %reduce_or3A_136[15] : f32 from vector<16xf32>
        %reduce_or3A_138 = arith.constant 0.000000e+00 : f32
        %reduce_or3A_139 = arith.cmpf ogt, %reduce_or3A_137, %reduce_or3A_138 : f32
        %convert_element_type3A_140 = arith.extui %reduce_or3A_139 : i1 to i32
        %cond3A_141 = arith.constant 0 : i32
        %cond3A_142 = arith.constant 0 : i32
        %cond3A_143 = arith.cmpi ne, %convert_element_type3A_140, %cond3A_142 : i32
        %cond3A_144 = scf.if %cond3A_143 -> (i32) {
          %sub3A_146 = arith.constant 999936 : i32
          %sub3A_147 = vector.broadcast %sub3A_146 : i32 to vector<16xi32>
          %sub3A_148 = arith.subi %get3A_127, %sub3A_147 : vector<16xi32>
          %mul3A_149 = arith.constant 32 : i32
          %mul3A_150 = vector.broadcast %mul3A_149 : i32 to vector<16xi32>
          %mul3A_151 = arith.muli %sub3A_148, %mul3A_150 : vector<16xi32>
          %jit3A_152 = arith.constant 0 : i32
          %broadcast_in_dim3A_153 = vector.broadcast %jit3A_152 : i32 to vector<16xi32>
          %select_n3A_154 = arith.select %ge3A_129, %mul3A_151, %broadcast_in_dim3A_153 : vector<16xi1>, vector<16xi32>
          %gather3A = tpu.vector_load_idx %arg12[%select_n3A_154] : memref<2048xf32, #tpu.memory_space<vmem>>[vector<16xi32>], vector<16xf32>,
          %add3A_155 = arith.constant 1 : i32
          %add3A_156 = vector.broadcast %add3A_155 : i32 to vector<16xi32>
          %add3A_157 = arith.addi %select_n3A_154, %add3A_156 : vector<16xi32>
          %gather3A_158 = tpu.vector_load_idx %arg12[%add3A_157] : memref<2048xf32, #tpu.memory_space<vmem>>[vector<16xi32>], vector<16xf32>,
          %max3A = arith.maximumf %gather3A, %gather3A_158 : vector<16xf32>
          %add3A_159 = arith.constant 2 : i32
          %add3A_160 = vector.broadcast %add3A_159 : i32 to vector<16xi32>
          %add3A_161 = arith.addi %select_n3A_154, %add3A_160 : vector<16xi32>
          %gather3A_162 = tpu.vector_load_idx %arg12[%add3A_161] : memref<2048xf32, #tpu.memory_space<vmem>>[vector<16xi32>], vector<16xf32>,
          %max3A_163 = arith.maximumf %max3A, %gather3A_162 : vector<16xf32>
          %add3A_164 = arith.constant 3 : i32
          %add3A_165 = vector.broadcast %add3A_164 : i32 to vector<16xi32>
          %add3A_166 = arith.addi %select_n3A_154, %add3A_165 : vector<16xi32>
          %gather3A_167 = tpu.vector_load_idx %arg12[%add3A_166] : memref<2048xf32, #tpu.memory_space<vmem>>[vector<16xi32>], vector<16xf32>,
          %max3A_168 = arith.maximumf %max3A_163, %gather3A_167 : vector<16xf32>
          %add3A_169 = arith.constant 4 : i32
          %add3A_170 = vector.broadcast %add3A_169 : i32 to vector<16xi32>
          %add3A_171 = arith.addi %select_n3A_154, %add3A_170 : vector<16xi32>
          %gather3A_172 = tpu.vector_load_idx %arg12[%add3A_171] : memref<2048xf32, #tpu.memory_space<vmem>>[vector<16xi32>], vector<16xf32>,
          %max3A_173 = arith.maximumf %max3A_168, %gather3A_172 : vector<16xf32>
          %add3A_174 = arith.constant 5 : i32
          %add3A_175 = vector.broadcast %add3A_174 : i32 to vector<16xi32>
          %add3A_176 = arith.addi %select_n3A_154, %add3A_175 : vector<16xi32>
          %gather3A_177 = tpu.vector_load_idx %arg12[%add3A_176] : memref<2048xf32, #tpu.memory_space<vmem>>[vector<16xi32>], vector<16xf32>,
          %max3A_178 = arith.maximumf %max3A_173, %gather3A_177 : vector<16xf32>
          %add3A_179 = arith.constant 6 : i32
          %add3A_180 = vector.broadcast %add3A_179 : i32 to vector<16xi32>
          %add3A_181 = arith.addi %select_n3A_154, %add3A_180 : vector<16xi32>
          %gather3A_182 = tpu.vector_load_idx %arg12[%add3A_181] : memref<2048xf32, #tpu.memory_space<vmem>>[vector<16xi32>], vector<16xf32>,
          %max3A_183 = arith.maximumf %max3A_178, %gather3A_182 : vector<16xf32>
          %add3A_184 = arith.constant 7 : i32
          %add3A_185 = vector.broadcast %add3A_184 : i32 to vector<16xi32>
          %add3A_186 = arith.addi %select_n3A_154, %add3A_185 : vector<16xi32>
          %gather3A_187 = tpu.vector_load_idx %arg12[%add3A_186] : memref<2048xf32, #tpu.memory_space<vmem>>[vector<16xi32>], vector<16xf32>,
          %max3A_188 = arith.maximumf %max3A_183, %gather3A_187 : vector<16xf32>
          %add3A_189 = arith.constant 8 : i32
          %add3A_190 = vector.broadcast %add3A_189 : i32 to vector<16xi32>
          %add3A_191 = arith.addi %select_n3A_154, %add3A_190 : vector<16xi32>
          %gather3A_192 = tpu.vector_load_idx %arg12[%add3A_191] : memref<2048xf32, #tpu.memory_space<vmem>>[vector<16xi32>], vector<16xf32>,
          %max3A_193 = arith.maximumf %max3A_188, %gather3A_192 : vector<16xf32>
          %add3A_194 = arith.constant 9 : i32
          %add3A_195 = vector.broadcast %add3A_194 : i32 to vector<16xi32>
          %add3A_196 = arith.addi %select_n3A_154, %add3A_195 : vector<16xi32>
          %gather3A_197 = tpu.vector_load_idx %arg12[%add3A_196] : memref<2048xf32, #tpu.memory_space<vmem>>[vector<16xi32>], vector<16xf32>,
          %max3A_198 = arith.maximumf %max3A_193, %gather3A_197 : vector<16xf32>
          %add3A_199 = arith.constant 10 : i32
          %add3A_200 = vector.broadcast %add3A_199 : i32 to vector<16xi32>
          %add3A_201 = arith.addi %select_n3A_154, %add3A_200 : vector<16xi32>
          %gather3A_202 = tpu.vector_load_idx %arg12[%add3A_201] : memref<2048xf32, #tpu.memory_space<vmem>>[vector<16xi32>], vector<16xf32>,
          %max3A_203 = arith.maximumf %max3A_198, %gather3A_202 : vector<16xf32>
          %add3A_204 = arith.constant 11 : i32
          %add3A_205 = vector.broadcast %add3A_204 : i32 to vector<16xi32>
          %add3A_206 = arith.addi %select_n3A_154, %add3A_205 : vector<16xi32>
          %gather3A_207 = tpu.vector_load_idx %arg12[%add3A_206] : memref<2048xf32, #tpu.memory_space<vmem>>[vector<16xi32>], vector<16xf32>,
          %max3A_208 = arith.maximumf %max3A_203, %gather3A_207 : vector<16xf32>
          %add3A_209 = arith.constant 12 : i32
          %add3A_210 = vector.broadcast %add3A_209 : i32 to vector<16xi32>
          %add3A_211 = arith.addi %select_n3A_154, %add3A_210 : vector<16xi32>
          %gather3A_212 = tpu.vector_load_idx %arg12[%add3A_211] : memref<2048xf32, #tpu.memory_space<vmem>>[vector<16xi32>], vector<16xf32>,
          %max3A_213 = arith.maximumf %max3A_208, %gather3A_212 : vector<16xf32>
          %add3A_214 = arith.constant 13 : i32
          %add3A_215 = vector.broadcast %add3A_214 : i32 to vector<16xi32>
          %add3A_216 = arith.addi %select_n3A_154, %add3A_215 : vector<16xi32>
          %gather3A_217 = tpu.vector_load_idx %arg12[%add3A_216] : memref<2048xf32, #tpu.memory_space<vmem>>[vector<16xi32>], vector<16xf32>,
          %max3A_218 = arith.maximumf %max3A_213, %gather3A_217 : vector<16xf32>
          %add3A_219 = arith.constant 14 : i32
          %add3A_220 = vector.broadcast %add3A_219 : i32 to vector<16xi32>
          %add3A_221 = arith.addi %select_n3A_154, %add3A_220 : vector<16xi32>
          %gather3A_222 = tpu.vector_load_idx %arg12[%add3A_221] : memref<2048xf32, #tpu.memory_space<vmem>>[vector<16xi32>], vector<16xf32>,
          %max3A_223 = arith.maximumf %max3A_218, %gather3A_222 : vector<16xf32>
          %add3A_224 = arith.constant 15 : i32
          %add3A_225 = vector.broadcast %add3A_224 : i32 to vector<16xi32>
          %add3A_226 = arith.addi %select_n3A_154, %add3A_225 : vector<16xi32>
          %gather3A_227 = tpu.vector_load_idx %arg12[%add3A_226] : memref<2048xf32, #tpu.memory_space<vmem>>[vector<16xi32>], vector<16xf32>,
          %max3A_228 = arith.maximumf %max3A_223, %gather3A_227 : vector<16xf32>
          %add3A_229 = arith.constant 16 : i32
          %add3A_230 = vector.broadcast %add3A_229 : i32 to vector<16xi32>
          %add3A_231 = arith.addi %select_n3A_154, %add3A_230 : vector<16xi32>
          %gather3A_232 = tpu.vector_load_idx %arg12[%add3A_231] : memref<2048xf32, #tpu.memory_space<vmem>>[vector<16xi32>], vector<16xf32>,
          %max3A_233 = arith.maximumf %max3A_228, %gather3A_232 : vector<16xf32>
          %add3A_234 = arith.constant 17 : i32
          %add3A_235 = vector.broadcast %add3A_234 : i32 to vector<16xi32>
          %add3A_236 = arith.addi %select_n3A_154, %add3A_235 : vector<16xi32>
          %gather3A_237 = tpu.vector_load_idx %arg12[%add3A_236] : memref<2048xf32, #tpu.memory_space<vmem>>[vector<16xi32>], vector<16xf32>,
          %max3A_238 = arith.maximumf %max3A_233, %gather3A_237 : vector<16xf32>
          %add3A_239 = arith.constant 18 : i32
          %add3A_240 = vector.broadcast %add3A_239 : i32 to vector<16xi32>
          %add3A_241 = arith.addi %select_n3A_154, %add3A_240 : vector<16xi32>
          %gather3A_242 = tpu.vector_load_idx %arg12[%add3A_241] : memref<2048xf32, #tpu.memory_space<vmem>>[vector<16xi32>], vector<16xf32>,
          %max3A_243 = arith.maximumf %max3A_238, %gather3A_242 : vector<16xf32>
          %add3A_244 = arith.constant 19 : i32
          %add3A_245 = vector.broadcast %add3A_244 : i32 to vector<16xi32>
          %add3A_246 = arith.addi %select_n3A_154, %add3A_245 : vector<16xi32>
          %gather3A_247 = tpu.vector_load_idx %arg12[%add3A_246] : memref<2048xf32, #tpu.memory_space<vmem>>[vector<16xi32>], vector<16xf32>,
          %max3A_248 = arith.maximumf %max3A_243, %gather3A_247 : vector<16xf32>
          %add3A_249 = arith.constant 20 : i32
          %add3A_250 = vector.broadcast %add3A_249 : i32 to vector<16xi32>
          %add3A_251 = arith.addi %select_n3A_154, %add3A_250 : vector<16xi32>
          %gather3A_252 = tpu.vector_load_idx %arg12[%add3A_251] : memref<2048xf32, #tpu.memory_space<vmem>>[vector<16xi32>], vector<16xf32>,
          %max3A_253 = arith.maximumf %max3A_248, %gather3A_252 : vector<16xf32>
          %add3A_254 = arith.constant 21 : i32
          %add3A_255 = vector.broadcast %add3A_254 : i32 to vector<16xi32>
          %add3A_256 = arith.addi %select_n3A_154, %add3A_255 : vector<16xi32>
          %gather3A_257 = tpu.vector_load_idx %arg12[%add3A_256] : memref<2048xf32, #tpu.memory_space<vmem>>[vector<16xi32>], vector<16xf32>,
          %max3A_258 = arith.maximumf %max3A_253, %gather3A_257 : vector<16xf32>
          %add3A_259 = arith.constant 22 : i32
          %add3A_260 = vector.broadcast %add3A_259 : i32 to vector<16xi32>
          %add3A_261 = arith.addi %select_n3A_154, %add3A_260 : vector<16xi32>
          %gather3A_262 = tpu.vector_load_idx %arg12[%add3A_261] : memref<2048xf32, #tpu.memory_space<vmem>>[vector<16xi32>], vector<16xf32>,
          %max3A_263 = arith.maximumf %max3A_258, %gather3A_262 : vector<16xf32>
          %add3A_264 = arith.constant 23 : i32
          %add3A_265 = vector.broadcast %add3A_264 : i32 to vector<16xi32>
          %add3A_266 = arith.addi %select_n3A_154, %add3A_265 : vector<16xi32>
          %gather3A_267 = tpu.vector_load_idx %arg12[%add3A_266] : memref<2048xf32, #tpu.memory_space<vmem>>[vector<16xi32>], vector<16xf32>,
          %max3A_268 = arith.maximumf %max3A_263, %gather3A_267 : vector<16xf32>
          %add3A_269 = arith.constant 24 : i32
          %add3A_270 = vector.broadcast %add3A_269 : i32 to vector<16xi32>
          %add3A_271 = arith.addi %select_n3A_154, %add3A_270 : vector<16xi32>
          %gather3A_272 = tpu.vector_load_idx %arg12[%add3A_271] : memref<2048xf32, #tpu.memory_space<vmem>>[vector<16xi32>], vector<16xf32>,
          %max3A_273 = arith.maximumf %max3A_268, %gather3A_272 : vector<16xf32>
          %add3A_274 = arith.constant 25 : i32
          %add3A_275 = vector.broadcast %add3A_274 : i32 to vector<16xi32>
          %add3A_276 = arith.addi %select_n3A_154, %add3A_275 : vector<16xi32>
          %gather3A_277 = tpu.vector_load_idx %arg12[%add3A_276] : memref<2048xf32, #tpu.memory_space<vmem>>[vector<16xi32>], vector<16xf32>,
          %max3A_278 = arith.maximumf %max3A_273, %gather3A_277 : vector<16xf32>
          %add3A_279 = arith.constant 26 : i32
          %add3A_280 = vector.broadcast %add3A_279 : i32 to vector<16xi32>
          %add3A_281 = arith.addi %select_n3A_154, %add3A_280 : vector<16xi32>
          %gather3A_282 = tpu.vector_load_idx %arg12[%add3A_281] : memref<2048xf32, #tpu.memory_space<vmem>>[vector<16xi32>], vector<16xf32>,
          %max3A_283 = arith.maximumf %max3A_278, %gather3A_282 : vector<16xf32>
          %add3A_284 = arith.constant 27 : i32
          %add3A_285 = vector.broadcast %add3A_284 : i32 to vector<16xi32>
          %add3A_286 = arith.addi %select_n3A_154, %add3A_285 : vector<16xi32>
          %gather3A_287 = tpu.vector_load_idx %arg12[%add3A_286] : memref<2048xf32, #tpu.memory_space<vmem>>[vector<16xi32>], vector<16xf32>,
          %max3A_288 = arith.maximumf %max3A_283, %gather3A_287 : vector<16xf32>
          %add3A_289 = arith.constant 28 : i32
          %add3A_290 = vector.broadcast %add3A_289 : i32 to vector<16xi32>
          %add3A_291 = arith.addi %select_n3A_154, %add3A_290 : vector<16xi32>
          %gather3A_292 = tpu.vector_load_idx %arg12[%add3A_291] : memref<2048xf32, #tpu.memory_space<vmem>>[vector<16xi32>], vector<16xf32>,
          %max3A_293 = arith.maximumf %max3A_288, %gather3A_292 : vector<16xf32>
          %add3A_294 = arith.constant 29 : i32
          %add3A_295 = vector.broadcast %add3A_294 : i32 to vector<16xi32>
          %add3A_296 = arith.addi %select_n3A_154, %add3A_295 : vector<16xi32>
          %gather3A_297 = tpu.vector_load_idx %arg12[%add3A_296] : memref<2048xf32, #tpu.memory_space<vmem>>[vector<16xi32>], vector<16xf32>,
          %max3A_298 = arith.maximumf %max3A_293, %gather3A_297 : vector<16xf32>
          %add3A_299 = arith.constant 30 : i32
          %add3A_300 = vector.broadcast %add3A_299 : i32 to vector<16xi32>
          %add3A_301 = arith.addi %select_n3A_154, %add3A_300 : vector<16xi32>
          %gather3A_302 = tpu.vector_load_idx %arg12[%add3A_301] : memref<2048xf32, #tpu.memory_space<vmem>>[vector<16xi32>], vector<16xf32>,
          %max3A_303 = arith.maximumf %max3A_298, %gather3A_302 : vector<16xf32>
          %add3A_304 = arith.constant 31 : i32
          %add3A_305 = vector.broadcast %add3A_304 : i32 to vector<16xi32>
          %add3A_306 = arith.addi %select_n3A_154, %add3A_305 : vector<16xi32>
          %gather3A_307 = tpu.vector_load_idx %arg12[%add3A_306] : memref<2048xf32, #tpu.memory_space<vmem>>[vector<16xi32>], vector<16xf32>,
          %max3A_308 = arith.maximumf %max3A_303, %gather3A_307 : vector<16xf32>
          %jit3A_309 = arith.constant 0 : i32
          %broadcast_in_dim3A_310 = vector.broadcast %jit3A_309 : i32 to vector<16xi32>
          %select_n3A_311 = arith.select %ge3A_129, %add3A_126, %broadcast_in_dim3A_310 : vector<16xi1>, vector<16xi32>
          %swap3A = arith.constant 0 : index
          %swap3A_312 = tpu.vector_load %arg14[%swap3A] {strides = array<i32>} : memref<16xi32, #tpu.memory_space<vmem>>, vector<16xi32>,
          tpu.vector_store %arg14[%swap3A], %select_n3A_311 {strides = array<i32>} : memref<16xi32, #tpu.memory_space<vmem>>, vector<16xi32>,
          %jit3A_313 = arith.constant 0.000000e+00 : f32
          %broadcast_in_dim3A_314 = vector.broadcast %jit3A_313 : f32 to vector<16xf32>
          %select_n3A_315 = arith.select %ge3A_129, %max3A_308, %broadcast_in_dim3A_314 : vector<16xi1>, vector<16xf32>
          %swap3A_316 = arith.constant 0 : index
          %swap3A_317 = tpu.vector_load %arg15[%swap3A_316] {strides = array<i32>} : memref<16xf32, #tpu.memory_space<vmem>>, vector<16xf32>,
          tpu.vector_store %arg15[%swap3A_316], %select_n3A_315 {strides = array<i32>} : memref<16xf32, #tpu.memory_space<vmem>>, vector<16xf32>,
          "tpu.region"() ({
            %run_scoped3A = tpu.sem_alloc : memref<!tpu.dma_semaphore, #tpu.memory_space<semaphore_mem>>
            %dma_start3A = arith.constant 0 : i32
            %dma_start3A_319 = tpu.memref_slice %arg6[%dma_start3A] : memref<16384xf32, #tpu.memory_space<vmem_shared>> -> memref<16384xf32, #tpu.memory_space<vmem_shared>>
            tpu.enqueue_indirect_dma source(%arg15 : memref<16xf32, #tpu.memory_space<vmem>>) target(%dma_start3A_319 : memref<16384xf32, #tpu.memory_space<vmem_shared>>) offsets(%arg14 : memref<16xi32, #tpu.memory_space<vmem>>) semaphore(%run_scoped3A : memref<!tpu.dma_semaphore, #tpu.memory_space<semaphore_mem>>) {add = true}
            %dma_wait3A = arith.constant 0 : i32
            %dma_wait3A_320 = tpu.memref_slice %arg6[%dma_wait3A] : memref<16384xf32, #tpu.memory_space<vmem_shared>> -> memref<16384xf32, #tpu.memory_space<vmem_shared>>
            tpu.wait_indirect_dma semaphore(%run_scoped3A : memref<!tpu.dma_semaphore, #tpu.memory_space<semaphore_mem>>) src(%arg15 : memref<16xf32, #tpu.memory_space<vmem>>) dst(%dma_wait3A_320 : memref<16384xf32, #tpu.memory_space<vmem_shared>>)
            tpu.yield
          }) : () -> ()
          %cond3A_318 = arith.constant 0 : i32
          scf.yield %cond3A_318 : i32
        } else {
          %cond3A_146 = arith.constant 0 : i32
          scf.yield %cond3A_146 : i32
        }
        %scan3A_145 = arith.constant 0 : i32
        scf.yield %scan3A_145 : i32
      }
      %scan3A_120 = arith.constant 1024 : i32
    } else {
    }
    %barrier3A_106 = arith.constant 0 : index
    tpu.barrier barrier_id(%barrier3A_106)
    %mul3A_107 = arith.constant 1024 : i32
    %mul3A_108 = arith.muli %arg1, %mul3A_107 : i32
    %mul3A_109 = arith.constant 16384 : i32
    %mul3A_110 = arith.muli %arg0, %mul3A_109 : i32
    %mul3A_111 = arith.constant 1024 : i32
    %mul3A_112 = arith.muli %arg1, %mul3A_111 : i32
    %add3A_113 = arith.addi %mul3A_110, %mul3A_112 : i32
    "tpu.region"() ({
      %run_scoped3A = tpu.sem_alloc : memref<!tpu.dma_semaphore, #tpu.memory_space<semaphore_mem>>
      %dma_start3A = tpu.memref_slice %arg5[%add3A_113] : memref<32768xf32, #tpu.memory_space<hbm>> -> memref<1024xf32, #tpu.memory_space<hbm>>
      %dma_start3A_114 = tpu.memref_slice %arg6[%mul3A_108] : memref<16384xf32, #tpu.memory_space<vmem_shared>> -> memref<1024xf32, #tpu.memory_space<vmem_shared>>
      tpu.enqueue_dma source(%dma_start3A_114 : memref<1024xf32, #tpu.memory_space<vmem_shared>>) target(%dma_start3A : memref<1024xf32, #tpu.memory_space<hbm>>) target_semaphore(%run_scoped3A : memref<!tpu.dma_semaphore, #tpu.memory_space<semaphore_mem>>)
      %dma_wait3A = tpu.memref_slice %arg5[%add3A_113] : memref<32768xf32, #tpu.memory_space<hbm>> -> memref<1024xf32, #tpu.memory_space<hbm>>
      %dma_wait3A_115 = tpu.memref_slice %arg6[%mul3A_108] : memref<16384xf32, #tpu.memory_space<vmem_shared>> -> memref<1024xf32, #tpu.memory_space<vmem_shared>>
      tpu.wait_dma2 semaphore(%run_scoped3A : memref<!tpu.dma_semaphore, #tpu.memory_space<semaphore_mem>>) src(%dma_wait3A_115 : memref<1024xf32, #tpu.memory_space<vmem_shared>>) dst(%dma_wait3A : memref<1024xf32, #tpu.memory_space<hbm>>)
      tpu.yield
    }) : () -> ()
    return
  }
}

#map = affine_map<(d0, d1) -> (0)>
module attributes {stable_mosaic.version = 14 : i64} {
  func.func @_passB1(%arg0: i32, %arg1: i32, %arg2: memref<16384xi32, #tpu.memory_space<hbm>>, %arg3: memref<16384xi32, #tpu.memory_space<hbm>>, %arg4: memref<16384xf32, #tpu.memory_space<hbm>>, %arg5: memref<32768xf32, #tpu.memory_space<hbm>>, %arg6: memref<16384xi32, #tpu.memory_space<hbm>>, %arg7: memref<16384xf32, #tpu.memory_space<hbm>>, %arg8: memref<512xi32, #tpu.memory_space<vmem>>, %arg9: memref<512xi32, #tpu.memory_space<vmem>>, %arg10: memref<512xf32, #tpu.memory_space<vmem>>, %arg11: memref<512xf32, #tpu.memory_space<vmem>>, %arg12: memref<512xf32, #tpu.memory_space<vmem>>, %arg13: memref<512xi32, #tpu.memory_space<vmem>>, %arg14: memref<512xf32, #tpu.memory_space<vmem>>) attributes {dimension_semantics = [#tpu.dimension_semantics<core_parallel>, #tpu.dimension_semantics<subcore_parallel>], iteration_bounds = array<i64: 2, 16>, scalar_prefetch = 0 : i64, scratch_operands = 7 : i64, tpu.core_type = #tpu.core_type<sc_vector_subcore>, window_params = [{transform_indices = #map}, {transform_indices = #map}, {transform_indices = #map}, {transform_indices = #map}, {transform_indices = #map}, {transform_indices = #map}]} {
    %mul3A = arith.constant 2 : i32
    %mul3A_0 = arith.muli %arg1, %mul3A : i32
    %add3A = arith.addi %mul3A_0, %arg0 : i32
    %mul3A_1 = arith.constant 512 : i32
    %mul3A_2 = arith.muli %add3A, %mul3A_1 : i32
    "tpu.region"() ({
      %run_scoped3A = tpu.sem_alloc : memref<!tpu.dma_semaphore, #tpu.memory_space<semaphore_mem>>
      %dma_start3A = tpu.memref_slice %arg2[%mul3A_2] : memref<16384xi32, #tpu.memory_space<hbm>> -> memref<512xi32, #tpu.memory_space<hbm>>
      %dma_start3A_11 = tpu.memref_slice %arg2[%mul3A_2] : memref<16384xi32, #tpu.memory_space<hbm>> -> memref<512xi32, #tpu.memory_space<hbm>>
      tpu.enqueue_dma source(%dma_start3A_11 : memref<512xi32, #tpu.memory_space<hbm>>) target(%arg8 : memref<512xi32, #tpu.memory_space<vmem>>) target_semaphore(%run_scoped3A : memref<!tpu.dma_semaphore, #tpu.memory_space<semaphore_mem>>)
      %dma_wait3A = tpu.memref_slice %arg2[%mul3A_2] : memref<16384xi32, #tpu.memory_space<hbm>> -> memref<512xi32, #tpu.memory_space<hbm>>
      %dma_wait3A_12 = tpu.memref_slice %arg2[%mul3A_2] : memref<16384xi32, #tpu.memory_space<hbm>> -> memref<512xi32, #tpu.memory_space<hbm>>
      tpu.wait_dma2 semaphore(%run_scoped3A : memref<!tpu.dma_semaphore, #tpu.memory_space<semaphore_mem>>) src(%dma_wait3A_12 : memref<512xi32, #tpu.memory_space<hbm>>) dst(%arg8 : memref<512xi32, #tpu.memory_space<vmem>>)
      tpu.yield
    }) : () -> ()
    "tpu.region"() ({
      %run_scoped3A = tpu.sem_alloc : memref<!tpu.dma_semaphore, #tpu.memory_space<semaphore_mem>>
      %dma_start3A = tpu.memref_slice %arg3[%mul3A_2] : memref<16384xi32, #tpu.memory_space<hbm>> -> memref<512xi32, #tpu.memory_space<hbm>>
      %dma_start3A_11 = tpu.memref_slice %arg3[%mul3A_2] : memref<16384xi32, #tpu.memory_space<hbm>> -> memref<512xi32, #tpu.memory_space<hbm>>
      tpu.enqueue_dma source(%dma_start3A_11 : memref<512xi32, #tpu.memory_space<hbm>>) target(%arg9 : memref<512xi32, #tpu.memory_space<vmem>>) target_semaphore(%run_scoped3A : memref<!tpu.dma_semaphore, #tpu.memory_space<semaphore_mem>>)
      %dma_wait3A = tpu.memref_slice %arg3[%mul3A_2] : memref<16384xi32, #tpu.memory_space<hbm>> -> memref<512xi32, #tpu.memory_space<hbm>>
      %dma_wait3A_12 = tpu.memref_slice %arg3[%mul3A_2] : memref<16384xi32, #tpu.memory_space<hbm>> -> memref<512xi32, #tpu.memory_space<hbm>>
      tpu.wait_dma2 semaphore(%run_scoped3A : memref<!tpu.dma_semaphore, #tpu.memory_space<semaphore_mem>>) src(%dma_wait3A_12 : memref<512xi32, #tpu.memory_space<hbm>>) dst(%arg9 : memref<512xi32, #tpu.memory_space<vmem>>)
      tpu.yield
    }) : () -> ()
    "tpu.region"() ({
      %run_scoped3A = tpu.sem_alloc : memref<!tpu.dma_semaphore, #tpu.memory_space<semaphore_mem>>
      %dma_start3A = tpu.memref_slice %arg4[%mul3A_2] : memref<16384xf32, #tpu.memory_space<hbm>> -> memref<512xf32, #tpu.memory_space<hbm>>
      %dma_start3A_11 = tpu.memref_slice %arg4[%mul3A_2] : memref<16384xf32, #tpu.memory_space<hbm>> -> memref<512xf32, #tpu.memory_space<hbm>>
      tpu.enqueue_dma source(%dma_start3A_11 : memref<512xf32, #tpu.memory_space<hbm>>) target(%arg10 : memref<512xf32, #tpu.memory_space<vmem>>) target_semaphore(%run_scoped3A : memref<!tpu.dma_semaphore, #tpu.memory_space<semaphore_mem>>)
      %dma_wait3A = tpu.memref_slice %arg4[%mul3A_2] : memref<16384xf32, #tpu.memory_space<hbm>> -> memref<512xf32, #tpu.memory_space<hbm>>
      %dma_wait3A_12 = tpu.memref_slice %arg4[%mul3A_2] : memref<16384xf32, #tpu.memory_space<hbm>> -> memref<512xf32, #tpu.memory_space<hbm>>
      tpu.wait_dma2 semaphore(%run_scoped3A : memref<!tpu.dma_semaphore, #tpu.memory_space<semaphore_mem>>) src(%dma_wait3A_12 : memref<512xf32, #tpu.memory_space<hbm>>) dst(%arg10 : memref<512xf32, #tpu.memory_space<vmem>>)
      tpu.yield
    }) : () -> ()
    "tpu.region"() ({
      %run_scoped3A = tpu.sem_alloc : memref<!tpu.dma_semaphore, #tpu.memory_space<semaphore_mem>>
      %dma_start3A = tpu.memref_slice %arg5[%mul3A_2] : memref<32768xf32, #tpu.memory_space<hbm>> -> memref<512xf32, #tpu.memory_space<hbm>>
      %dma_start3A_11 = tpu.memref_slice %arg5[%mul3A_2] : memref<32768xf32, #tpu.memory_space<hbm>> -> memref<512xf32, #tpu.memory_space<hbm>>
      tpu.enqueue_dma source(%dma_start3A_11 : memref<512xf32, #tpu.memory_space<hbm>>) target(%arg11 : memref<512xf32, #tpu.memory_space<vmem>>) target_semaphore(%run_scoped3A : memref<!tpu.dma_semaphore, #tpu.memory_space<semaphore_mem>>)
      %dma_wait3A = tpu.memref_slice %arg5[%mul3A_2] : memref<32768xf32, #tpu.memory_space<hbm>> -> memref<512xf32, #tpu.memory_space<hbm>>
      %dma_wait3A_12 = tpu.memref_slice %arg5[%mul3A_2] : memref<32768xf32, #tpu.memory_space<hbm>> -> memref<512xf32, #tpu.memory_space<hbm>>
      tpu.wait_dma2 semaphore(%run_scoped3A : memref<!tpu.dma_semaphore, #tpu.memory_space<semaphore_mem>>) src(%dma_wait3A_12 : memref<512xf32, #tpu.memory_space<hbm>>) dst(%arg11 : memref<512xf32, #tpu.memory_space<vmem>>)
      tpu.yield
    }) : () -> ()
    %add3A_3 = arith.constant 16384 : i32
    %add3A_4 = arith.addi %add3A_3, %mul3A_2 : i32
    "tpu.region"() ({
      %run_scoped3A = tpu.sem_alloc : memref<!tpu.dma_semaphore, #tpu.memory_space<semaphore_mem>>
      %dma_start3A = tpu.memref_slice %arg5[%add3A_4] : memref<32768xf32, #tpu.memory_space<hbm>> -> memref<512xf32, #tpu.memory_space<hbm>>
      %dma_start3A_11 = tpu.memref_slice %arg5[%add3A_4] : memref<32768xf32, #tpu.memory_space<hbm>> -> memref<512xf32, #tpu.memory_space<hbm>>
      tpu.enqueue_dma source(%dma_start3A_11 : memref<512xf32, #tpu.memory_space<hbm>>) target(%arg12 : memref<512xf32, #tpu.memory_space<vmem>>) target_semaphore(%run_scoped3A : memref<!tpu.dma_semaphore, #tpu.memory_space<semaphore_mem>>)
      %dma_wait3A = tpu.memref_slice %arg5[%add3A_4] : memref<32768xf32, #tpu.memory_space<hbm>> -> memref<512xf32, #tpu.memory_space<hbm>>
      %dma_wait3A_12 = tpu.memref_slice %arg5[%add3A_4] : memref<32768xf32, #tpu.memory_space<hbm>> -> memref<512xf32, #tpu.memory_space<hbm>>
      tpu.wait_dma2 semaphore(%run_scoped3A : memref<!tpu.dma_semaphore, #tpu.memory_space<semaphore_mem>>) src(%dma_wait3A_12 : memref<512xf32, #tpu.memory_space<hbm>>) dst(%arg12 : memref<512xf32, #tpu.memory_space<vmem>>)
      tpu.yield
    }) : () -> ()
    %scan3A = arith.constant 0 : i32
    %scan3A_5 = arith.constant 0 : i32
    %scan3A_6 = arith.constant 32 : i32
    %scan3A_7 = arith.addi %scan3A_5, %scan3A_6 : i32
    %scan3A_8 = arith.constant 1 : i32
    %scan3A_9 = scf.for %scan3A_11 = %scan3A_5 to %scan3A_7 step %scan3A_8 iter_args(%scan3A_12 = %scan3A) -> (i32)  : i32 {
      %mul3A_13 = arith.constant 16 : i32
      %mul3A_14 = arith.muli %scan3A_11, %mul3A_13 : i32
      %get3A = arith.index_cast %mul3A_14 : i32 to index
      %get3A_15 = tpu.vector_load %arg11[%get3A] {strides = array<i32>} : memref<512xf32, #tpu.memory_space<vmem>>, vector<16xf32>,
      %get3A_16 = arith.index_cast %mul3A_14 : i32 to index
      %get3A_17 = tpu.vector_load %arg12[%get3A_16] {strides = array<i32>} : memref<512xf32, #tpu.memory_space<vmem>>, vector<16xf32>,
      %add3A_18 = arith.addf %get3A_15, %get3A_17 : vector<16xf32>
      %get3A_19 = arith.index_cast %mul3A_14 : i32 to index
      %get3A_20 = tpu.vector_load %arg10[%get3A_19] {strides = array<i32>} : memref<512xf32, #tpu.memory_space<vmem>>, vector<16xf32>,
      %add3A_21 = arith.addf %get3A_20, %add3A_18 : vector<16xf32>
      %swap3A = arith.index_cast %mul3A_14 : i32 to index
      %swap3A_22 = tpu.vector_load %arg14[%swap3A] {strides = array<i32>} : memref<512xf32, #tpu.memory_space<vmem>>, vector<16xf32>,
      tpu.vector_store %arg14[%swap3A], %add3A_21 {strides = array<i32>} : memref<512xf32, #tpu.memory_space<vmem>>, vector<16xf32>,
      %get3A_23 = arith.index_cast %mul3A_14 : i32 to index
      %get3A_24 = tpu.vector_load %arg8[%get3A_23] {strides = array<i32>} : memref<512xi32, #tpu.memory_space<vmem>>, vector<16xi32>,
      %mul3A_25 = arith.constant 32 : i32
      %mul3A_26 = vector.broadcast %mul3A_25 : i32 to vector<16xi32>
      %mul3A_27 = arith.muli %get3A_24, %mul3A_26 : vector<16xi32>
      %get3A_28 = arith.index_cast %mul3A_14 : i32 to index
      %get3A_29 = tpu.vector_load %arg9[%get3A_28] {strides = array<i32>} : memref<512xi32, #tpu.memory_space<vmem>>, vector<16xi32>,
      %add3A_30 = arith.addi %mul3A_27, %get3A_29 : vector<16xi32>
      %swap3A_31 = arith.index_cast %mul3A_14 : i32 to index
      %swap3A_32 = tpu.vector_load %arg13[%swap3A_31] {strides = array<i32>} : memref<512xi32, #tpu.memory_space<vmem>>, vector<16xi32>,
      tpu.vector_store %arg13[%swap3A_31], %add3A_30 {strides = array<i32>} : memref<512xi32, #tpu.memory_space<vmem>>, vector<16xi32>,
      %scan3A_33 = arith.constant 0 : i32
      scf.yield %scan3A_33 : i32
    }
    %scan3A_10 = arith.constant 32 : i32
    "tpu.region"() ({
      %run_scoped3A = tpu.sem_alloc : memref<!tpu.dma_semaphore, #tpu.memory_space<semaphore_mem>>
      %dma_start3A = tpu.memref_slice %arg6[%mul3A_2] : memref<16384xi32, #tpu.memory_space<hbm>> -> memref<512xi32, #tpu.memory_space<hbm>>
      %dma_start3A_11 = tpu.memref_slice %arg6[%mul3A_2] : memref<16384xi32, #tpu.memory_space<hbm>> -> memref<512xi32, #tpu.memory_space<hbm>>
      tpu.enqueue_dma source(%arg13 : memref<512xi32, #tpu.memory_space<vmem>>) target(%dma_start3A_11 : memref<512xi32, #tpu.memory_space<hbm>>) target_semaphore(%run_scoped3A : memref<!tpu.dma_semaphore, #tpu.memory_space<semaphore_mem>>)
      %dma_wait3A = tpu.memref_slice %arg6[%mul3A_2] : memref<16384xi32, #tpu.memory_space<hbm>> -> memref<512xi32, #tpu.memory_space<hbm>>
      %dma_wait3A_12 = tpu.memref_slice %arg6[%mul3A_2] : memref<16384xi32, #tpu.memory_space<hbm>> -> memref<512xi32, #tpu.memory_space<hbm>>
      tpu.wait_dma2 semaphore(%run_scoped3A : memref<!tpu.dma_semaphore, #tpu.memory_space<semaphore_mem>>) src(%arg13 : memref<512xi32, #tpu.memory_space<vmem>>) dst(%dma_wait3A_12 : memref<512xi32, #tpu.memory_space<hbm>>)
      tpu.yield
    }) : () -> ()
    "tpu.region"() ({
      %run_scoped3A = tpu.sem_alloc : memref<!tpu.dma_semaphore, #tpu.memory_space<semaphore_mem>>
      %dma_start3A = tpu.memref_slice %arg7[%mul3A_2] : memref<16384xf32, #tpu.memory_space<hbm>> -> memref<512xf32, #tpu.memory_space<hbm>>
      %dma_start3A_11 = tpu.memref_slice %arg7[%mul3A_2] : memref<16384xf32, #tpu.memory_space<hbm>> -> memref<512xf32, #tpu.memory_space<hbm>>
      tpu.enqueue_dma source(%arg14 : memref<512xf32, #tpu.memory_space<vmem>>) target(%dma_start3A_11 : memref<512xf32, #tpu.memory_space<hbm>>) target_semaphore(%run_scoped3A : memref<!tpu.dma_semaphore, #tpu.memory_space<semaphore_mem>>)
      %dma_wait3A = tpu.memref_slice %arg7[%mul3A_2] : memref<16384xf32, #tpu.memory_space<hbm>> -> memref<512xf32, #tpu.memory_space<hbm>>
      %dma_wait3A_12 = tpu.memref_slice %arg7[%mul3A_2] : memref<16384xf32, #tpu.memory_space<hbm>> -> memref<512xf32, #tpu.memory_space<hbm>>
      tpu.wait_dma2 semaphore(%run_scoped3A : memref<!tpu.dma_semaphore, #tpu.memory_space<semaphore_mem>>) src(%arg14 : memref<512xf32, #tpu.memory_space<vmem>>) dst(%dma_wait3A_12 : memref<512xf32, #tpu.memory_space<hbm>>)
      tpu.yield
    }) : () -> ()
    return
  }
}

#map = affine_map<(d0, d1) -> (0, 0)>
#map1 = affine_map<(d0, d1) -> (0)>
module attributes {stable_mosaic.version = 14 : i64} {
  func.func @_passB2(%arg0: i32, %arg1: i32, %arg2: memref<32x1000000xf32, #tpu.memory_space<hbm>>, %arg3: memref<2048xf32, #tpu.memory_space<hbm>>, %arg4: memref<16384xi32, #tpu.memory_space<hbm>>, %arg5: memref<16384xf32, #tpu.memory_space<hbm>>, %arg6: memref<32x1000000xf32, #tpu.memory_space<hbm>>, %arg7: memref<2048xf32, #tpu.memory_space<hbm>>, %arg8: memref<32x2304xf32, #tpu.memory_space<vmem>>, %arg9: memref<16384xi32, #tpu.memory_space<vmem>>, %arg10: memref<16384xf32, #tpu.memory_space<vmem>>, %arg11: memref<16384xi32, #tpu.memory_space<vmem>>, %arg12: memref<2048xf32, #tpu.memory_space<vmem>>, %arg13: memref<16xi32, #tpu.memory_space<vmem>>, %arg14: memref<16xf32, #tpu.memory_space<vmem>>, %arg15: memref<16xf32, #tpu.memory_space<vmem>>) attributes {dimension_semantics = [#tpu.dimension_semantics<core_parallel>, #tpu.dimension_semantics<subcore_parallel>], iteration_bounds = array<i64: 2, 16>, scalar_prefetch = 0 : i64, scratch_operands = 8 : i64, tpu.core_type = #tpu.core_type<sc_vector_subcore>, window_params = [{transform_indices = #map}, {transform_indices = #map1}, {transform_indices = #map1}, {transform_indices = #map1}, {transform_indices = #map}, {transform_indices = #map1}]} {
    %mul3A = arith.constant 2 : i32
    %mul3A_0 = arith.muli %arg1, %mul3A : i32
    %add3A = arith.addi %mul3A_0, %arg0 : i32
    "tpu.region"() ({
      %run_scoped3A = tpu.sem_alloc : memref<!tpu.dma_semaphore, #tpu.memory_space<semaphore_mem>>
      tpu.enqueue_dma source(%arg4 : memref<16384xi32, #tpu.memory_space<hbm>>) target(%arg9 : memref<16384xi32, #tpu.memory_space<vmem>>) target_semaphore(%run_scoped3A : memref<!tpu.dma_semaphore, #tpu.memory_space<semaphore_mem>>)
      tpu.wait_dma2 semaphore(%run_scoped3A : memref<!tpu.dma_semaphore, #tpu.memory_space<semaphore_mem>>) src(%arg4 : memref<16384xi32, #tpu.memory_space<hbm>>) dst(%arg9 : memref<16384xi32, #tpu.memory_space<vmem>>)
      tpu.yield
    }) : () -> ()
    "tpu.region"() ({
      %run_scoped3A = tpu.sem_alloc : memref<!tpu.dma_semaphore, #tpu.memory_space<semaphore_mem>>
      tpu.enqueue_dma source(%arg5 : memref<16384xf32, #tpu.memory_space<hbm>>) target(%arg10 : memref<16384xf32, #tpu.memory_space<vmem>>) target_semaphore(%run_scoped3A : memref<!tpu.dma_semaphore, #tpu.memory_space<semaphore_mem>>)
      tpu.wait_dma2 semaphore(%run_scoped3A : memref<!tpu.dma_semaphore, #tpu.memory_space<semaphore_mem>>) src(%arg5 : memref<16384xf32, #tpu.memory_space<hbm>>) dst(%arg10 : memref<16384xf32, #tpu.memory_space<vmem>>)
      tpu.yield
    }) : () -> ()
    %mul3A_1 = arith.constant 7812 : i32
    %mul3A_2 = arith.muli %add3A, %mul3A_1 : i32
    %jit3A = arith.constant 32 : i32
    %div3A = arith.divsi %mul3A_2, %jit3A : i32
    %sign3A = arith.constant 0 : i32
    %sign3A_3 = arith.cmpi sgt, %mul3A_2, %sign3A : i32
    %sign3A_4 = arith.extui %sign3A_3 : i1 to i32
    %sign3A_5 = arith.constant 0 : i32
    %sign3A_6 = arith.cmpi slt, %mul3A_2, %sign3A_5 : i32
    %sign3A_7 = arith.extui %sign3A_6 : i1 to i32
    %sign3A_8 = arith.subi %sign3A_4, %sign3A_7 : i32
    %sign3A_9 = arith.constant 0 : i32
    %sign3A_10 = arith.cmpi sgt, %jit3A, %sign3A_9 : i32
    %sign3A_11 = arith.extui %sign3A_10 : i1 to i32
    %sign3A_12 = arith.constant 0 : i32
    %sign3A_13 = arith.cmpi slt, %jit3A, %sign3A_12 : i32
    %sign3A_14 = arith.extui %sign3A_13 : i1 to i32
    %sign3A_15 = arith.subi %sign3A_11, %sign3A_14 : i32
    %ne3A = arith.cmpi ne, %sign3A_8, %sign3A_15 : i32
    %rem3A = arith.remsi %mul3A_2, %jit3A : i32
    %ne3A_16 = arith.constant 0 : i32
    %ne3A_17 = arith.cmpi ne, %rem3A, %ne3A_16 : i32
    %and3A = arith.andi %ne3A, %ne3A_17 : i1
    %sub3A = arith.constant 1 : i32
    %sub3A_18 = arith.subi %div3A, %sub3A : i32
    %select_n3A = arith.select %and3A, %sub3A_18, %div3A : i32
    %add3A_19 = arith.constant 1 : i32
    %add3A_20 = arith.addi %add3A, %add3A_19 : i32
    %mul3A_21 = arith.constant 7812 : i32
    %mul3A_22 = arith.muli %add3A_20, %mul3A_21 : i32
    %jit3A_23 = arith.constant 32 : i32
    %div3A_24 = arith.divsi %mul3A_22, %jit3A_23 : i32
    %sign3A_25 = arith.constant 0 : i32
    %sign3A_26 = arith.cmpi sgt, %mul3A_22, %sign3A_25 : i32
    %sign3A_27 = arith.extui %sign3A_26 : i1 to i32
    %sign3A_28 = arith.constant 0 : i32
    %sign3A_29 = arith.cmpi slt, %mul3A_22, %sign3A_28 : i32
    %sign3A_30 = arith.extui %sign3A_29 : i1 to i32
    %sign3A_31 = arith.subi %sign3A_27, %sign3A_30 : i32
    %sign3A_32 = arith.constant 0 : i32
    %sign3A_33 = arith.cmpi sgt, %jit3A_23, %sign3A_32 : i32
    %sign3A_34 = arith.extui %sign3A_33 : i1 to i32
    %sign3A_35 = arith.constant 0 : i32
    %sign3A_36 = arith.cmpi slt, %jit3A_23, %sign3A_35 : i32
    %sign3A_37 = arith.extui %sign3A_36 : i1 to i32
    %sign3A_38 = arith.subi %sign3A_34, %sign3A_37 : i32
    %ne3A_39 = arith.cmpi ne, %sign3A_31, %sign3A_38 : i32
    %rem3A_40 = arith.remsi %mul3A_22, %jit3A_23 : i32
    %ne3A_41 = arith.constant 0 : i32
    %ne3A_42 = arith.cmpi ne, %rem3A_40, %ne3A_41 : i32
    %and3A_43 = arith.andi %ne3A_39, %ne3A_42 : i1
    %sub3A_44 = arith.constant 1 : i32
    %sub3A_45 = arith.subi %div3A_24, %sub3A_44 : i32
    %select_n3A_46 = arith.select %and3A_43, %sub3A_45, %div3A_24 : i32
    %mul3A_47 = arith.constant 128 : i32
    %mul3A_48 = arith.muli %select_n3A, %mul3A_47 : i32
    %mul3A_49 = arith.constant 32 : i32
    %mul3A_50 = arith.muli %mul3A_48, %mul3A_49 : i32
    %mul3A_51 = arith.constant 128 : i32
    %mul3A_52 = arith.muli %select_n3A_46, %mul3A_51 : i32
    %mul3A_53 = arith.constant 32 : i32
    %mul3A_54 = arith.muli %mul3A_52, %mul3A_53 : i32
    %scan3A = arith.constant 0 : i32
    %scan3A_55 = arith.constant 0 : i32
    %scan3A_56 = arith.constant 1024 : i32
    %scan3A_57 = arith.addi %scan3A_55, %scan3A_56 : i32
    %scan3A_58 = arith.constant 1 : i32
    %scan3A_59 = scf.for %scan3A_98 = %scan3A_55 to %scan3A_57 step %scan3A_58 iter_args(%scan3A_99 = %scan3A) -> (i32)  : i32 {
      %mul3A_100 = arith.constant 16 : i32
      %mul3A_101 = arith.muli %scan3A_98, %mul3A_100 : i32
      %get3A = arith.index_cast %mul3A_101 : i32 to index
      %get3A_102 = tpu.vector_load %arg9[%get3A] {strides = array<i32>} : memref<16384xi32, #tpu.memory_space<vmem>>, vector<16xi32>,
      %ge3A = vector.broadcast %mul3A_50 : i32 to vector<16xi32>
      %ge3A_103 = arith.cmpi sge, %get3A_102, %ge3A : vector<16xi32>
      %lt3A = vector.broadcast %mul3A_54 : i32 to vector<16xi32>
      %lt3A_104 = arith.cmpi slt, %get3A_102, %lt3A : vector<16xi32>
      %and3A_105 = arith.andi %ge3A_103, %lt3A_104 : vector<16xi1>
      %iota3A = tpu.iota {dimensions = array<i32: 0>} : vector<16xi32>
      %add3A_106 = vector.broadcast %mul3A_101 : i32 to vector<16xi32>
      %add3A_107 = arith.addi %add3A_106, %iota3A : vector<16xi32>
      %swap3A = arith.index_cast %scan3A_99 : i32 to index
      %swap3A_108 = tpu.vector_load %arg11[%swap3A] masked %and3A_105 {strides = array<i32>} : memref<16384xi32, #tpu.memory_space<vmem>>, vector<16xi32>, vector<16xi1>
      tpu.vector_store %arg11[%swap3A], %add3A_107 masked %and3A_105 {strides = array<i32>} : memref<16384xi32, #tpu.memory_space<vmem>>, vector<16xi32>, vector<16xi1>
      %all_reduce_population_count3A = tpu.all_reduce %and3A_105 {dim = 0 : i64, kind = #tpu.reduction_kind<sum>} : vector<16xi1> -> vector<16xi32>
      %reduce_max3A = arith.constant true
      %reduce_max3A_109 = vector.broadcast %reduce_max3A : i1 to vector<16xi1>
      %reduce_max3A_110 = arith.constant -2147483648 : i32
      %reduce_max3A_111 = vector.broadcast %reduce_max3A_110 : i32 to vector<16xi32>
      %reduce_max3A_112 = arith.xori %all_reduce_population_count3A, %reduce_max3A_111 : vector<16xi32>
      %reduce_max3A_113 = tpu.scan <max>, %reduce_max3A_112 masked %reduce_max3A_109 : vector<16xi32>, vector<16xi1> -> vector<16xi32>
      %reduce_max3A_114 = arith.xori %reduce_max3A_113, %reduce_max3A_111 : vector<16xi32>
      %reduce_max3A_115 = vector.extract %reduce_max3A_114[15] : i32 from vector<16xi32>
      %add3A_116 = arith.addi %scan3A_99, %reduce_max3A_115 : i32
      scf.yield %add3A_116 : i32
    }
    %scan3A_60 = arith.constant 1024 : i32
    %add3A_61 = arith.constant 16 : i32
    %add3A_62 = arith.addi %scan3A_59, %add3A_61 : i32
    %sub3A_63 = arith.constant 1 : i32
    %sub3A_64 = arith.subi %add3A_62, %sub3A_63 : i32
    %jit3A_65 = arith.constant 16 : i32
    %div3A_66 = arith.divsi %sub3A_64, %jit3A_65 : i32
    %sign3A_67 = arith.constant 0 : i32
    %sign3A_68 = arith.cmpi sgt, %sub3A_64, %sign3A_67 : i32
    %sign3A_69 = arith.extui %sign3A_68 : i1 to i32
    %sign3A_70 = arith.constant 0 : i32
    %sign3A_71 = arith.cmpi slt, %sub3A_64, %sign3A_70 : i32
    %sign3A_72 = arith.extui %sign3A_71 : i1 to i32
    %sign3A_73 = arith.subi %sign3A_69, %sign3A_72 : i32
    %sign3A_74 = arith.constant 0 : i32
    %sign3A_75 = arith.cmpi sgt, %jit3A_65, %sign3A_74 : i32
    %sign3A_76 = arith.extui %sign3A_75 : i1 to i32
    %sign3A_77 = arith.constant 0 : i32
    %sign3A_78 = arith.cmpi slt, %jit3A_65, %sign3A_77 : i32
    %sign3A_79 = arith.extui %sign3A_78 : i1 to i32
    %sign3A_80 = arith.subi %sign3A_76, %sign3A_79 : i32
    %ne3A_81 = arith.cmpi ne, %sign3A_73, %sign3A_80 : i32
    %rem3A_82 = arith.remsi %sub3A_64, %jit3A_65 : i32
    %ne3A_83 = arith.constant 0 : i32
    %ne3A_84 = arith.cmpi ne, %rem3A_82, %ne3A_83 : i32
    %and3A_85 = arith.andi %ne3A_81, %ne3A_84 : i1
    %sub3A_86 = arith.constant 1 : i32
    %sub3A_87 = arith.subi %div3A_66, %sub3A_86 : i32
    %select_n3A_88 = arith.select %and3A_85, %sub3A_87, %div3A_66 : i32
    %scan3A_89 = arith.constant 0 : i32
    %scan3A_90 = arith.constant 0 : i32
    %scan3A_91 = arith.constant 14 : i32
    %scan3A_92 = arith.addi %scan3A_90, %scan3A_91 : i32
    %scan3A_93 = arith.constant 1 : i32
    %scan3A_94 = scf.for %scan3A_98 = %scan3A_90 to %scan3A_92 step %scan3A_93 iter_args(%scan3A_99 = %scan3A_89) -> (i32)  : i32 {
      %sub3A_100 = arith.subi %select_n3A_46, %select_n3A : i32
      %mul3A_101 = arith.constant 18 : i32
      %mul3A_102 = arith.muli %scan3A_98, %mul3A_101 : i32
      %sub3A_103 = arith.constant 18 : i32
      %sub3A_104 = arith.subi %sub3A_100, %sub3A_103 : i32
      %min3A = arith.minsi %mul3A_102, %sub3A_104 : i32
      %add3A_105 = arith.addi %select_n3A, %min3A : i32
      %add3A_106 = arith.constant 1 : i32
      %add3A_107 = arith.addi %scan3A_98, %add3A_106 : i32
      %ge3A = arith.constant 14 : i32
      %ge3A_108 = arith.cmpi sge, %add3A_107, %ge3A : i32
      %add3A_109 = arith.constant 1 : i32
      %add3A_110 = arith.addi %scan3A_98, %add3A_109 : i32
      %mul3A_111 = arith.constant 18 : i32
      %mul3A_112 = arith.muli %add3A_110, %mul3A_111 : i32
      %sub3A_113 = arith.constant 18 : i32
      %sub3A_114 = arith.subi %sub3A_100, %sub3A_113 : i32
      %min3A_115 = arith.minsi %mul3A_112, %sub3A_114 : i32
      %add3A_116 = arith.addi %select_n3A, %min3A_115 : i32
      %select_n3A_117 = arith.select %ge3A_108, %select_n3A_46, %add3A_116 : i32
      %mul3A_118 = arith.constant 128 : i32
      %mul3A_119 = arith.muli %add3A_105, %mul3A_118 : i32
      %mul3A_120 = arith.constant 128 : i32
      %mul3A_121 = arith.muli %add3A_105, %mul3A_120 : i32
      %mul3A_122 = arith.constant 128 : i32
      %mul3A_123 = arith.muli %select_n3A_117, %mul3A_122 : i32
      "tpu.region"() ({
        %run_scoped3A = tpu.sem_alloc : memref<!tpu.dma_semaphore, #tpu.memory_space<semaphore_mem>>
        %dma_start3A = arith.constant 0 : i32
        %dma_start3A_152 = tpu.memref_slice %arg2[%dma_start3A, %mul3A_119] : memref<32x1000000xf32, #tpu.memory_space<hbm>> -> memref<32x2304xf32, #tpu.memory_space<hbm>>
        %dma_start3A_153 = arith.constant 0 : i32
        %dma_start3A_154 = tpu.memref_slice %arg2[%dma_start3A_153, %mul3A_119] : memref<32x1000000xf32, #tpu.memory_space<hbm>> -> memref<32x2304xf32, #tpu.memory_space<hbm>>
        tpu.enqueue_dma source(%dma_start3A_154 : memref<32x2304xf32, #tpu.memory_space<hbm>>) target(%arg8 : memref<32x2304xf32, #tpu.memory_space<vmem>>) target_semaphore(%run_scoped3A : memref<!tpu.dma_semaphore, #tpu.memory_space<semaphore_mem>>)
        %dma_wait3A = arith.constant 0 : i32
        %dma_wait3A_155 = tpu.memref_slice %arg2[%dma_wait3A, %mul3A_119] : memref<32x1000000xf32, #tpu.memory_space<hbm>> -> memref<32x2304xf32, #tpu.memory_space<hbm>>
        %dma_wait3A_156 = arith.constant 0 : i32
        %dma_wait3A_157 = tpu.memref_slice %arg2[%dma_wait3A_156, %mul3A_119] : memref<32x1000000xf32, #tpu.memory_space<hbm>> -> memref<32x2304xf32, #tpu.memory_space<hbm>>
        tpu.wait_dma2 semaphore(%run_scoped3A : memref<!tpu.dma_semaphore, #tpu.memory_space<semaphore_mem>>) src(%dma_wait3A_157 : memref<32x2304xf32, #tpu.memory_space<hbm>>) dst(%arg8 : memref<32x2304xf32, #tpu.memory_space<vmem>>)
        tpu.yield
      }) : () -> ()
      %mul3A_124 = arith.constant 32 : i32
      %mul3A_125 = arith.muli %mul3A_121, %mul3A_124 : i32
      %mul3A_126 = arith.constant 32 : i32
      %mul3A_127 = arith.muli %mul3A_123, %mul3A_126 : i32
      %while3A = arith.constant 0 : i32
      %while3A_128 = arith.constant 0 : i32
      %while3A_129 = arith.subi %select_n3A_88, %while3A : i32
      %while3A_130 = arith.addi %while3A, %while3A_129 : i32
      %while3A_131 = arith.constant 1 : i32
      %while3A_132 = arith.divsi %while3A_129, %while3A_131 : i32
      %while3A_133 = arith.muli %while3A_132, %while3A_131 : i32
      %while3A_134 = arith.addi %while3A, %while3A_133 : i32
      %while3A_135 = arith.constant 1 : i32
      %while3A_136 = scf.for %while3A_152 = %while3A to %while3A_134 step %while3A_135 iter_args(%while3A_153 = %while3A_128) -> (i32)  : i32 {
        %mul3A_154 = arith.constant 16 : i32
        %mul3A_155 = arith.muli %while3A_152, %mul3A_154 : i32
        %iota3A = tpu.iota {dimensions = array<i32: 0>} : vector<16xi32>
        %add3A_156 = vector.broadcast %mul3A_155 : i32 to vector<16xi32>
        %add3A_157 = arith.addi %add3A_156, %iota3A : vector<16xi32>
        %lt3A = vector.broadcast %scan3A_59 : i32 to vector<16xi32>
        %lt3A_158 = arith.cmpi slt, %add3A_157, %lt3A : vector<16xi32>
        %mul3A_159 = arith.constant 16 : i32
        %mul3A_160 = arith.muli %while3A_152, %mul3A_159 : i32
        %get3A = arith.index_cast %mul3A_160 : i32 to index
        %get3A_161 = tpu.vector_load %arg11[%get3A] {strides = array<i32>} : memref<16384xi32, #tpu.memory_space<vmem>>, vector<16xi32>,
        %jit3A_162 = arith.constant 0 : i32
        %broadcast_in_dim3A = vector.broadcast %jit3A_162 : i32 to vector<16xi32>
        %select_n3A_163 = arith.select %lt3A_158, %get3A_161, %broadcast_in_dim3A : vector<16xi1>, vector<16xi32>
        %gather3A = tpu.vector_load_idx %arg9[%select_n3A_163] : memref<16384xi32, #tpu.memory_space<vmem>>[vector<16xi32>], vector<16xi32>,
        %ge3A_164 = vector.broadcast %mul3A_125 : i32 to vector<16xi32>
        %ge3A_165 = arith.cmpi sge, %gather3A, %ge3A_164 : vector<16xi32>
        %and3A_166 = arith.andi %lt3A_158, %ge3A_165 : vector<16xi1>
        %lt3A_167 = vector.broadcast %mul3A_127 : i32 to vector<16xi32>
        %lt3A_168 = arith.cmpi slt, %gather3A, %lt3A_167 : vector<16xi32>
        %and3A_169 = arith.andi %and3A_166, %lt3A_168 : vector<16xi1>
        %reduce_or3A = arith.constant 1.000000e+00 : f32
        %reduce_or3A_170 = arith.constant 0.000000e+00 : f32
        %reduce_or3A_171 = vector.broadcast %reduce_or3A : f32 to vector<16xf32>
        %reduce_or3A_172 = vector.broadcast %reduce_or3A_170 : f32 to vector<16xf32>
        %reduce_or3A_173 = arith.select %and3A_169, %reduce_or3A_171, %reduce_or3A_172 : vector<16xi1>, vector<16xf32>
        %reduce_or3A_174 = arith.constant true
        %reduce_or3A_175 = vector.broadcast %reduce_or3A_174 : i1 to vector<16xi1>
        %reduce_or3A_176 = tpu.scan <max>, %reduce_or3A_173 masked %reduce_or3A_175 : vector<16xf32>, vector<16xi1> -> vector<16xf32>
        %reduce_or3A_177 = vector.extract %reduce_or3A_176[15] : f32 from vector<16xf32>
        %reduce_or3A_178 = arith.constant 0.000000e+00 : f32
        %reduce_or3A_179 = arith.cmpf ogt, %reduce_or3A_177, %reduce_or3A_178 : f32
        %convert_element_type3A_180 = arith.extui %reduce_or3A_179 : i1 to i32
        %cond3A_181 = arith.constant 0 : i32
        %cond3A_182 = arith.constant 0 : i32
        %cond3A_183 = arith.cmpi ne, %convert_element_type3A_180, %cond3A_182 : i32
        %cond3A_184 = scf.if %cond3A_183 -> (i32) {
          %shift_right_logical3A = arith.constant 5 : i32
          %shift_right_logical3A_186 = vector.broadcast %shift_right_logical3A : i32 to vector<16xi32>
          %shift_right_logical3A_187 = arith.shrui %gather3A, %shift_right_logical3A_186 : vector<16xi32>
          %and3A_188 = arith.constant 31 : i32
          %and3A_189 = vector.broadcast %and3A_188 : i32 to vector<16xi32>
          %and3A_190 = arith.andi %gather3A, %and3A_189 : vector<16xi32>
          %sub3A_191 = vector.broadcast %mul3A_119 : i32 to vector<16xi32>
          %sub3A_192 = arith.subi %shift_right_logical3A_187, %sub3A_191 : vector<16xi32>
          %jit3A_193 = arith.constant 0 : i32
          %broadcast_in_dim3A_194 = vector.broadcast %jit3A_193 : i32 to vector<16xi32>
          %select_n3A_195 = arith.select %and3A_169, %sub3A_192, %broadcast_in_dim3A_194 : vector<16xi1>, vector<16xi32>
          %gather3A_196 = tpu.vector_load_idx %arg8[%and3A_190, %select_n3A_195] : memref<32x2304xf32, #tpu.memory_space<vmem>>[vector<16xi32>, vector<16xi32>], vector<16xf32>,
          %gather3A_197 = tpu.vector_load_idx %arg10[%select_n3A_163] : memref<16384xf32, #tpu.memory_space<vmem>>[vector<16xi32>], vector<16xf32>,
          %sub3A_198 = arith.subf %gather3A_197, %gather3A_196 : vector<16xf32>
          %mul3A_199 = arith.constant 0.00999999977 : f32
          %mul3A_200 = vector.broadcast %mul3A_199 : f32 to vector<16xf32>
          %mul3A_201 = arith.mulf %mul3A_200, %sub3A_198 : vector<16xf32>
          tpu.vector_store_idx %arg10[%select_n3A_163], %mul3A_201 masked %and3A_169 : memref<16384xf32, #tpu.memory_space<vmem>>[vector<16xi32>], vector<16xf32>, vector<16xi1>
          %cond3A_202 = arith.constant 0 : i32
          scf.yield %cond3A_202 : i32
        } else {
          %cond3A_186 = arith.constant 0 : i32
          scf.yield %cond3A_186 : i32
        }
        %while3A_185 = arith.constant 0 : i32
        scf.yield %while3A_185 : i32
      }
      %while3A_137 = arith.constant 1 : i32
      %while3A_138 = scf.for %while3A_152 = %while3A_134 to %while3A_130 step %while3A_137 iter_args(%while3A_153 = %while3A_136) -> (i32)  : i32 {
        %mul3A_154 = arith.constant 16 : i32
        %mul3A_155 = arith.muli %while3A_152, %mul3A_154 : i32
        %iota3A = tpu.iota {dimensions = array<i32: 0>} : vector<16xi32>
        %add3A_156 = vector.broadcast %mul3A_155 : i32 to vector<16xi32>
        %add3A_157 = arith.addi %add3A_156, %iota3A : vector<16xi32>
        %lt3A = vector.broadcast %scan3A_59 : i32 to vector<16xi32>
        %lt3A_158 = arith.cmpi slt, %add3A_157, %lt3A : vector<16xi32>
        %mul3A_159 = arith.constant 16 : i32
        %mul3A_160 = arith.muli %while3A_152, %mul3A_159 : i32
        %get3A = arith.index_cast %mul3A_160 : i32 to index
        %get3A_161 = tpu.vector_load %arg11[%get3A] {strides = array<i32>} : memref<16384xi32, #tpu.memory_space<vmem>>, vector<16xi32>,
        %jit3A_162 = arith.constant 0 : i32
        %broadcast_in_dim3A = vector.broadcast %jit3A_162 : i32 to vector<16xi32>
        %select_n3A_163 = arith.select %lt3A_158, %get3A_161, %broadcast_in_dim3A : vector<16xi1>, vector<16xi32>
        %gather3A = tpu.vector_load_idx %arg9[%select_n3A_163] : memref<16384xi32, #tpu.memory_space<vmem>>[vector<16xi32>], vector<16xi32>,
        %ge3A_164 = vector.broadcast %mul3A_125 : i32 to vector<16xi32>
        %ge3A_165 = arith.cmpi sge, %gather3A, %ge3A_164 : vector<16xi32>
        %and3A_166 = arith.andi %lt3A_158, %ge3A_165 : vector<16xi1>
        %lt3A_167 = vector.broadcast %mul3A_127 : i32 to vector<16xi32>
        %lt3A_168 = arith.cmpi slt, %gather3A, %lt3A_167 : vector<16xi32>
        %and3A_169 = arith.andi %and3A_166, %lt3A_168 : vector<16xi1>
        %reduce_or3A = arith.constant 1.000000e+00 : f32
        %reduce_or3A_170 = arith.constant 0.000000e+00 : f32
        %reduce_or3A_171 = vector.broadcast %reduce_or3A : f32 to vector<16xf32>
        %reduce_or3A_172 = vector.broadcast %reduce_or3A_170 : f32 to vector<16xf32>
        %reduce_or3A_173 = arith.select %and3A_169, %reduce_or3A_171, %reduce_or3A_172 : vector<16xi1>, vector<16xf32>
        %reduce_or3A_174 = arith.constant true
        %reduce_or3A_175 = vector.broadcast %reduce_or3A_174 : i1 to vector<16xi1>
        %reduce_or3A_176 = tpu.scan <max>, %reduce_or3A_173 masked %reduce_or3A_175 : vector<16xf32>, vector<16xi1> -> vector<16xf32>
        %reduce_or3A_177 = vector.extract %reduce_or3A_176[15] : f32 from vector<16xf32>
        %reduce_or3A_178 = arith.constant 0.000000e+00 : f32
        %reduce_or3A_179 = arith.cmpf ogt, %reduce_or3A_177, %reduce_or3A_178 : f32
        %convert_element_type3A_180 = arith.extui %reduce_or3A_179 : i1 to i32
        %cond3A_181 = arith.constant 0 : i32
        %cond3A_182 = arith.constant 0 : i32
        %cond3A_183 = arith.cmpi ne, %convert_element_type3A_180, %cond3A_182 : i32
        %cond3A_184 = scf.if %cond3A_183 -> (i32) {
          %shift_right_logical3A = arith.constant 5 : i32
          %shift_right_logical3A_186 = vector.broadcast %shift_right_logical3A : i32 to vector<16xi32>
          %shift_right_logical3A_187 = arith.shrui %gather3A, %shift_right_logical3A_186 : vector<16xi32>
          %and3A_188 = arith.constant 31 : i32
          %and3A_189 = vector.broadcast %and3A_188 : i32 to vector<16xi32>
          %and3A_190 = arith.andi %gather3A, %and3A_189 : vector<16xi32>
          %sub3A_191 = vector.broadcast %mul3A_119 : i32 to vector<16xi32>
          %sub3A_192 = arith.subi %shift_right_logical3A_187, %sub3A_191 : vector<16xi32>
          %jit3A_193 = arith.constant 0 : i32
          %broadcast_in_dim3A_194 = vector.broadcast %jit3A_193 : i32 to vector<16xi32>
          %select_n3A_195 = arith.select %and3A_169, %sub3A_192, %broadcast_in_dim3A_194 : vector<16xi1>, vector<16xi32>
          %gather3A_196 = tpu.vector_load_idx %arg8[%and3A_190, %select_n3A_195] : memref<32x2304xf32, #tpu.memory_space<vmem>>[vector<16xi32>, vector<16xi32>], vector<16xf32>,
          %gather3A_197 = tpu.vector_load_idx %arg10[%select_n3A_163] : memref<16384xf32, #tpu.memory_space<vmem>>[vector<16xi32>], vector<16xf32>,
          %sub3A_198 = arith.subf %gather3A_197, %gather3A_196 : vector<16xf32>
          %mul3A_199 = arith.constant 0.00999999977 : f32
          %mul3A_200 = vector.broadcast %mul3A_199 : f32 to vector<16xf32>
          %mul3A_201 = arith.mulf %mul3A_200, %sub3A_198 : vector<16xf32>
          tpu.vector_store_idx %arg10[%select_n3A_163], %mul3A_201 masked %and3A_169 : memref<16384xf32, #tpu.memory_space<vmem>>[vector<16xi32>], vector<16xf32>, vector<16xi1>
          %cond3A_202 = arith.constant 0 : i32
          scf.yield %cond3A_202 : i32
        } else {
          %cond3A_186 = arith.constant 0 : i32
          scf.yield %cond3A_186 : i32
        }
        %while3A_185 = arith.constant 0 : i32
        scf.yield %while3A_185 : i32
      }
      %while3A_139 = arith.constant 0 : i32
      %while3A_140 = arith.constant 0 : i32
      %while3A_141 = arith.subi %select_n3A_88, %while3A_139 : i32
      %while3A_142 = arith.addi %while3A_139, %while3A_141 : i32
      %while3A_143 = arith.constant 1 : i32
      %while3A_144 = arith.divsi %while3A_141, %while3A_143 : i32
      %while3A_145 = arith.muli %while3A_144, %while3A_143 : i32
      %while3A_146 = arith.addi %while3A_139, %while3A_145 : i32
      %while3A_147 = arith.constant 1 : i32
      %while3A_148 = scf.for %while3A_152 = %while3A_139 to %while3A_146 step %while3A_147 iter_args(%while3A_153 = %while3A_140) -> (i32)  : i32 {
        %mul3A_154 = arith.constant 16 : i32
        %mul3A_155 = arith.muli %while3A_152, %mul3A_154 : i32
        %iota3A = tpu.iota {dimensions = array<i32: 0>} : vector<16xi32>
        %add3A_156 = vector.broadcast %mul3A_155 : i32 to vector<16xi32>
        %add3A_157 = arith.addi %add3A_156, %iota3A : vector<16xi32>
        %lt3A = vector.broadcast %scan3A_59 : i32 to vector<16xi32>
        %lt3A_158 = arith.cmpi slt, %add3A_157, %lt3A : vector<16xi32>
        %mul3A_159 = arith.constant 16 : i32
        %mul3A_160 = arith.muli %while3A_152, %mul3A_159 : i32
        %get3A = arith.index_cast %mul3A_160 : i32 to index
        %get3A_161 = tpu.vector_load %arg11[%get3A] {strides = array<i32>} : memref<16384xi32, #tpu.memory_space<vmem>>, vector<16xi32>,
        %jit3A_162 = arith.constant 0 : i32
        %broadcast_in_dim3A = vector.broadcast %jit3A_162 : i32 to vector<16xi32>
        %select_n3A_163 = arith.select %lt3A_158, %get3A_161, %broadcast_in_dim3A : vector<16xi1>, vector<16xi32>
        %gather3A = tpu.vector_load_idx %arg9[%select_n3A_163] : memref<16384xi32, #tpu.memory_space<vmem>>[vector<16xi32>], vector<16xi32>,
        %ge3A_164 = vector.broadcast %mul3A_125 : i32 to vector<16xi32>
        %ge3A_165 = arith.cmpi sge, %gather3A, %ge3A_164 : vector<16xi32>
        %and3A_166 = arith.andi %lt3A_158, %ge3A_165 : vector<16xi1>
        %lt3A_167 = vector.broadcast %mul3A_127 : i32 to vector<16xi32>
        %lt3A_168 = arith.cmpi slt, %gather3A, %lt3A_167 : vector<16xi32>
        %and3A_169 = arith.andi %and3A_166, %lt3A_168 : vector<16xi1>
        %reduce_or3A = arith.constant 1.000000e+00 : f32
        %reduce_or3A_170 = arith.constant 0.000000e+00 : f32
        %reduce_or3A_171 = vector.broadcast %reduce_or3A : f32 to vector<16xf32>
        %reduce_or3A_172 = vector.broadcast %reduce_or3A_170 : f32 to vector<16xf32>
        %reduce_or3A_173 = arith.select %and3A_169, %reduce_or3A_171, %reduce_or3A_172 : vector<16xi1>, vector<16xf32>
        %reduce_or3A_174 = arith.constant true
        %reduce_or3A_175 = vector.broadcast %reduce_or3A_174 : i1 to vector<16xi1>
        %reduce_or3A_176 = tpu.scan <max>, %reduce_or3A_173 masked %reduce_or3A_175 : vector<16xf32>, vector<16xi1> -> vector<16xf32>
        %reduce_or3A_177 = vector.extract %reduce_or3A_176[15] : f32 from vector<16xf32>
        %reduce_or3A_178 = arith.constant 0.000000e+00 : f32
        %reduce_or3A_179 = arith.cmpf ogt, %reduce_or3A_177, %reduce_or3A_178 : f32
        %convert_element_type3A_180 = arith.extui %reduce_or3A_179 : i1 to i32
        %cond3A_181 = arith.constant 0 : i32
        %cond3A_182 = arith.constant 0 : i32
        %cond3A_183 = arith.cmpi ne, %convert_element_type3A_180, %cond3A_182 : i32
        %cond3A_184 = scf.if %cond3A_183 -> (i32) {
          %gather3A_186 = tpu.vector_load_idx %arg10[%select_n3A_163] : memref<16384xf32, #tpu.memory_space<vmem>>[vector<16xi32>], vector<16xf32>,
          %shift_right_logical3A = arith.constant 5 : i32
          %shift_right_logical3A_187 = vector.broadcast %shift_right_logical3A : i32 to vector<16xi32>
          %shift_right_logical3A_188 = arith.shrui %gather3A, %shift_right_logical3A_187 : vector<16xi32>
          %and3A_189 = arith.constant 31 : i32
          %and3A_190 = vector.broadcast %and3A_189 : i32 to vector<16xi32>
          %and3A_191 = arith.andi %gather3A, %and3A_190 : vector<16xi32>
          %mul3A_192 = arith.constant 2304 : i32
          %mul3A_193 = vector.broadcast %mul3A_192 : i32 to vector<16xi32>
          %mul3A_194 = arith.muli %and3A_191, %mul3A_193 : vector<16xi32>
          %sub3A_195 = vector.broadcast %mul3A_119 : i32 to vector<16xi32>
          %sub3A_196 = arith.subi %shift_right_logical3A_188, %sub3A_195 : vector<16xi32>
          %add3A_197 = arith.addi %mul3A_194, %sub3A_196 : vector<16xi32>
          %jit3A_198 = arith.constant 2147483647 : i32
          %broadcast_in_dim3A_199 = vector.broadcast %jit3A_198 : i32 to vector<16xi32>
          %select_n3A_200 = arith.select %and3A_169, %add3A_197, %broadcast_in_dim3A_199 : vector<16xi1>, vector<16xi32>
          %jit3A_201 = arith.constant 0.000000e+00 : f32
          %broadcast_in_dim3A_202 = vector.broadcast %jit3A_201 : f32 to vector<16xf32>
          %select_n3A_203 = arith.select %and3A_169, %gather3A_186, %broadcast_in_dim3A_202 : vector<16xi1>, vector<16xf32>
          %masked_sort3A = arith.constant dense<true> : vector<16xi1>
          %masked_sort3A_204 = arith.constant -2147483648 : i32
          %masked_sort3A_205 = vector.broadcast %masked_sort3A_204 : i32 to vector<16xi32>
          %masked_sort3A_206 = arith.xori %select_n3A_200, %masked_sort3A_205 : vector<16xi32>
          %masked_sort3A_207, %masked_sort3A_208, %masked_sort3A_209 = tpu.sort %masked_sort3A_206, %select_n3A_203 masked %masked_sort3A : (vector<16xi32>, vector<16xf32>, vector<16xi1>) -> (vector<16xi1>, vector<16xi32>, vector<16xf32>)
          %masked_sort3A_210 = arith.xori %masked_sort3A_208, %masked_sort3A_205 : vector<16xi32>
          %iota3A_211 = tpu.iota {dimensions = array<i32: 0>} : vector<16xi32>
          %swap3A = arith.constant 0 : index
          %swap3A_212 = tpu.vector_load %arg13[%swap3A] {strides = array<i32>} : memref<16xi32, #tpu.memory_space<vmem>>, vector<16xi32>,
          tpu.vector_store %arg13[%swap3A], %masked_sort3A_210 {strides = array<i32>} : memref<16xi32, #tpu.memory_space<vmem>>, vector<16xi32>,
          %sub3A_213 = arith.constant 1 : i32
          %sub3A_214 = vector.broadcast %sub3A_213 : i32 to vector<16xi32>
          %sub3A_215 = arith.subi %iota3A_211, %sub3A_214 : vector<16xi32>
          %max3A = arith.constant 0 : i32
          %max3A_216 = vector.broadcast %max3A : i32 to vector<16xi32>
          %max3A_217 = arith.maxsi %sub3A_215, %max3A_216 : vector<16xi32>
          %gather3A_218 = tpu.vector_load_idx %arg13[%max3A_217] : memref<16xi32, #tpu.memory_space<vmem>>[vector<16xi32>], vector<16xi32>,
          %add3A_219 = arith.constant 1 : i32
          %add3A_220 = vector.broadcast %add3A_219 : i32 to vector<16xi32>
          %add3A_221 = arith.addi %iota3A_211, %add3A_220 : vector<16xi32>
          %min3A_222 = arith.constant 15 : i32
          %min3A_223 = vector.broadcast %min3A_222 : i32 to vector<16xi32>
          %min3A_224 = arith.minsi %add3A_221, %min3A_223 : vector<16xi32>
          %gather3A_225 = tpu.vector_load_idx %arg13[%min3A_224] : memref<16xi32, #tpu.memory_space<vmem>>[vector<16xi32>], vector<16xi32>,
          %eq3A_226 = arith.constant 0 : i32
          %eq3A_227 = vector.broadcast %eq3A_226 : i32 to vector<16xi32>
          %eq3A_228 = arith.cmpi eq, %iota3A_211, %eq3A_227 : vector<16xi32>
          %ne3A_229 = arith.cmpi ne, %masked_sort3A_210, %gather3A_218 : vector<16xi32>
          %or3A = arith.ori %eq3A_228, %ne3A_229 : vector<16xi1>
          %eq3A_230 = arith.constant 15 : i32
          %eq3A_231 = vector.broadcast %eq3A_230 : i32 to vector<16xi32>
          %eq3A_232 = arith.cmpi eq, %iota3A_211, %eq3A_231 : vector<16xi32>
          %ne3A_233 = arith.cmpi ne, %masked_sort3A_210, %gather3A_225 : vector<16xi32>
          %or3A_234 = arith.ori %eq3A_232, %ne3A_233 : vector<16xi1>
          %broadcast_in_dim3A_235 = arith.constant true
          %broadcast_in_dim3A_236 = vector.broadcast %broadcast_in_dim3A_235 : i1 to vector<16xi1>
          %masked_cumsum3A = tpu.scan <sum>, %masked_sort3A_209 masked %broadcast_in_dim3A_236 : vector<16xf32>, vector<16xi1> -> vector<16xf32>
          %swap3A_237 = arith.constant 0 : index
          %swap3A_238 = tpu.vector_load %arg14[%swap3A_237] {strides = array<i32>} : memref<16xf32, #tpu.memory_space<vmem>>, vector<16xf32>,
          tpu.vector_store %arg14[%swap3A_237], %masked_cumsum3A {strides = array<i32>} : memref<16xf32, #tpu.memory_space<vmem>>, vector<16xf32>,
          %swap3A_239 = arith.constant 0 : index
          %swap3A_240 = tpu.vector_load %arg15[%swap3A_239] {strides = array<i32>} : memref<16xf32, #tpu.memory_space<vmem>>, vector<16xf32>,
          tpu.vector_store %arg15[%swap3A_239], %masked_sort3A_209 {strides = array<i32>} : memref<16xf32, #tpu.memory_space<vmem>>, vector<16xf32>,
          %jit3A_241 = arith.constant 0 : i32
          %broadcast_in_dim3A_242 = vector.broadcast %jit3A_241 : i32 to vector<16xi32>
          %select_n3A_243 = arith.select %or3A, %iota3A_211, %broadcast_in_dim3A_242 : vector<16xi1>, vector<16xi32>
          %broadcast_in_dim3A_244 = arith.constant true
          %broadcast_in_dim3A_245 = vector.broadcast %broadcast_in_dim3A_244 : i1 to vector<16xi1>
          %masked_cummax3A = arith.constant -2147483648 : i32
          %masked_cummax3A_246 = vector.broadcast %masked_cummax3A : i32 to vector<16xi32>
          %masked_cummax3A_247 = arith.xori %select_n3A_243, %masked_cummax3A_246 : vector<16xi32>
          %masked_cummax3A_248 = tpu.scan <max>, %masked_cummax3A_247 masked %broadcast_in_dim3A_245 : vector<16xi32>, vector<16xi1> -> vector<16xi32>
          %masked_cummax3A_249 = arith.xori %masked_cummax3A_248, %masked_cummax3A_246 : vector<16xi32>
          %gather3A_250 = tpu.vector_load_idx %arg14[%masked_cummax3A_249] : memref<16xf32, #tpu.memory_space<vmem>>[vector<16xi32>], vector<16xf32>,
          %gather3A_251 = tpu.vector_load_idx %arg15[%masked_cummax3A_249] : memref<16xf32, #tpu.memory_space<vmem>>[vector<16xi32>], vector<16xf32>,
          %sub3A_252 = arith.subf %gather3A_250, %gather3A_251 : vector<16xf32>
          %sub3A_253 = arith.subf %masked_cumsum3A, %sub3A_252 : vector<16xf32>
          %ne3A_254 = arith.constant 2147483647 : i32
          %ne3A_255 = vector.broadcast %ne3A_254 : i32 to vector<16xi32>
          %ne3A_256 = arith.cmpi ne, %masked_sort3A_210, %ne3A_255 : vector<16xi32>
          %and3A_257 = arith.andi %or3A_234, %ne3A_256 : vector<16xi1>
          %jit3A_258 = arith.constant 2304 : i32
          %div3A_259 = vector.broadcast %jit3A_258 : i32 to vector<16xi32>
          %div3A_260 = arith.divsi %masked_sort3A_210, %div3A_259 : vector<16xi32>
          %sign3A_261 = arith.constant 0 : i32
          %sign3A_262 = vector.broadcast %sign3A_261 : i32 to vector<16xi32>
          %sign3A_263 = arith.cmpi sgt, %masked_sort3A_210, %sign3A_262 : vector<16xi32>
          %sign3A_264 = arith.extui %sign3A_263 : vector<16xi1> to vector<16xi32>
          %sign3A_265 = arith.constant 0 : i32
          %sign3A_266 = vector.broadcast %sign3A_265 : i32 to vector<16xi32>
          %sign3A_267 = arith.cmpi slt, %masked_sort3A_210, %sign3A_266 : vector<16xi32>
          %sign3A_268 = arith.extui %sign3A_267 : vector<16xi1> to vector<16xi32>
          %sign3A_269 = arith.subi %sign3A_264, %sign3A_268 : vector<16xi32>
          %sign3A_270 = arith.constant 0 : i32
          %sign3A_271 = arith.cmpi sgt, %jit3A_258, %sign3A_270 : i32
          %sign3A_272 = arith.extui %sign3A_271 : i1 to i32
          %sign3A_273 = arith.constant 0 : i32
          %sign3A_274 = arith.cmpi slt, %jit3A_258, %sign3A_273 : i32
          %sign3A_275 = arith.extui %sign3A_274 : i1 to i32
          %sign3A_276 = arith.subi %sign3A_272, %sign3A_275 : i32
          %ne3A_277 = vector.broadcast %sign3A_276 : i32 to vector<16xi32>
          %ne3A_278 = arith.cmpi ne, %sign3A_269, %ne3A_277 : vector<16xi32>
          %rem3A_279 = vector.broadcast %jit3A_258 : i32 to vector<16xi32>
          %rem3A_280 = arith.remsi %masked_sort3A_210, %rem3A_279 : vector<16xi32>
          %ne3A_281 = arith.constant 0 : i32
          %ne3A_282 = vector.broadcast %ne3A_281 : i32 to vector<16xi32>
          %ne3A_283 = arith.cmpi ne, %rem3A_280, %ne3A_282 : vector<16xi32>
          %and3A_284 = arith.andi %ne3A_278, %ne3A_283 : vector<16xi1>
          %sub3A_285 = arith.constant 1 : i32
          %sub3A_286 = vector.broadcast %sub3A_285 : i32 to vector<16xi32>
          %sub3A_287 = arith.subi %div3A_260, %sub3A_286 : vector<16xi32>
          %select_n3A_288 = arith.select %and3A_284, %sub3A_287, %div3A_260 : vector<16xi1>, vector<16xi32>
          %jit3A_289 = arith.constant 2304 : i32
          %eq3A_290 = arith.constant 0 : i32
          %eq3A_291 = arith.cmpi eq, %jit3A_289, %eq3A_290 : i32
          %jit3A_292 = arith.constant 1 : i32
          %select_n3A_293 = arith.select %eq3A_291, %jit3A_292, %jit3A_289 : i32
          %rem3A_294 = vector.broadcast %select_n3A_293 : i32 to vector<16xi32>
          %rem3A_295 = arith.remsi %masked_sort3A_210, %rem3A_294 : vector<16xi32>
          %ne3A_296 = arith.constant 0 : i32
          %ne3A_297 = vector.broadcast %ne3A_296 : i32 to vector<16xi32>
          %ne3A_298 = arith.cmpi ne, %rem3A_295, %ne3A_297 : vector<16xi32>
          %lt3A_299 = arith.constant 0 : i32
          %lt3A_300 = vector.broadcast %lt3A_299 : i32 to vector<16xi32>
          %lt3A_301 = arith.cmpi slt, %rem3A_295, %lt3A_300 : vector<16xi32>
          %lt3A_302 = arith.constant 0 : i32
          %lt3A_303 = arith.cmpi slt, %select_n3A_293, %lt3A_302 : i32
          %ne3A_304 = vector.broadcast %lt3A_303 : i1 to vector<16xi1>
          %ne3A_305 = vector.broadcast %ne3A_304 : vector<16xi1> to vector<16xi1>
          %ne3A_306 = arith.xori %lt3A_301, %ne3A_305 : vector<16xi1>
          %and3A_307 = arith.andi %ne3A_306, %ne3A_298 : vector<16xi1>
          %add3A_308 = vector.broadcast %select_n3A_293 : i32 to vector<16xi32>
          %add3A_309 = arith.addi %rem3A_295, %add3A_308 : vector<16xi32>
          %select_n3A_310 = arith.select %and3A_307, %add3A_309, %rem3A_295 : vector<16xi1>, vector<16xi32>
          %jit3A_311 = arith.constant 0 : i32
          %broadcast_in_dim3A_312 = vector.broadcast %jit3A_311 : i32 to vector<16xi32>
          %select_n3A_313 = arith.select %and3A_257, %select_n3A_288, %broadcast_in_dim3A_312 : vector<16xi1>, vector<16xi32>
          %jit3A_314 = arith.constant 0 : i32
          %broadcast_in_dim3A_315 = vector.broadcast %jit3A_314 : i32 to vector<16xi32>
          %select_n3A_316 = arith.select %and3A_257, %select_n3A_310, %broadcast_in_dim3A_315 : vector<16xi1>, vector<16xi32>
          tpu.vector_store_idx %arg8[%select_n3A_313, %select_n3A_316], %sub3A_253 masked %and3A_257 {add = true} : memref<32x2304xf32, #tpu.memory_space<vmem>>[vector<16xi32>, vector<16xi32>], vector<16xf32>, vector<16xi1>
          %cond3A_317 = arith.constant 0 : i32
          scf.yield %cond3A_317 : i32
        } else {
          %cond3A_186 = arith.constant 0 : i32
          scf.yield %cond3A_186 : i32
        }
        %while3A_185 = arith.constant 0 : i32
        scf.yield %while3A_185 : i32
      }
      %while3A_149 = arith.constant 1 : i32
      %while3A_150 = scf.for %while3A_152 = %while3A_146 to %while3A_142 step %while3A_149 iter_args(%while3A_153 = %while3A_148) -> (i32)  : i32 {
        %mul3A_154 = arith.constant 16 : i32
        %mul3A_155 = arith.muli %while3A_152, %mul3A_154 : i32
        %iota3A = tpu.iota {dimensions = array<i32: 0>} : vector<16xi32>
        %add3A_156 = vector.broadcast %mul3A_155 : i32 to vector<16xi32>
        %add3A_157 = arith.addi %add3A_156, %iota3A : vector<16xi32>
        %lt3A = vector.broadcast %scan3A_59 : i32 to vector<16xi32>
        %lt3A_158 = arith.cmpi slt, %add3A_157, %lt3A : vector<16xi32>
        %mul3A_159 = arith.constant 16 : i32
        %mul3A_160 = arith.muli %while3A_152, %mul3A_159 : i32
        %get3A = arith.index_cast %mul3A_160 : i32 to index
        %get3A_161 = tpu.vector_load %arg11[%get3A] {strides = array<i32>} : memref<16384xi32, #tpu.memory_space<vmem>>, vector<16xi32>,
        %jit3A_162 = arith.constant 0 : i32
        %broadcast_in_dim3A = vector.broadcast %jit3A_162 : i32 to vector<16xi32>
        %select_n3A_163 = arith.select %lt3A_158, %get3A_161, %broadcast_in_dim3A : vector<16xi1>, vector<16xi32>
        %gather3A = tpu.vector_load_idx %arg9[%select_n3A_163] : memref<16384xi32, #tpu.memory_space<vmem>>[vector<16xi32>], vector<16xi32>,
        %ge3A_164 = vector.broadcast %mul3A_125 : i32 to vector<16xi32>
        %ge3A_165 = arith.cmpi sge, %gather3A, %ge3A_164 : vector<16xi32>
        %and3A_166 = arith.andi %lt3A_158, %ge3A_165 : vector<16xi1>
        %lt3A_167 = vector.broadcast %mul3A_127 : i32 to vector<16xi32>
        %lt3A_168 = arith.cmpi slt, %gather3A, %lt3A_167 : vector<16xi32>
        %and3A_169 = arith.andi %and3A_166, %lt3A_168 : vector<16xi1>
        %reduce_or3A = arith.constant 1.000000e+00 : f32
        %reduce_or3A_170 = arith.constant 0.000000e+00 : f32
        %reduce_or3A_171 = vector.broadcast %reduce_or3A : f32 to vector<16xf32>
        %reduce_or3A_172 = vector.broadcast %reduce_or3A_170 : f32 to vector<16xf32>
        %reduce_or3A_173 = arith.select %and3A_169, %reduce_or3A_171, %reduce_or3A_172 : vector<16xi1>, vector<16xf32>
        %reduce_or3A_174 = arith.constant true
        %reduce_or3A_175 = vector.broadcast %reduce_or3A_174 : i1 to vector<16xi1>
        %reduce_or3A_176 = tpu.scan <max>, %reduce_or3A_173 masked %reduce_or3A_175 : vector<16xf32>, vector<16xi1> -> vector<16xf32>
        %reduce_or3A_177 = vector.extract %reduce_or3A_176[15] : f32 from vector<16xf32>
        %reduce_or3A_178 = arith.constant 0.000000e+00 : f32
        %reduce_or3A_179 = arith.cmpf ogt, %reduce_or3A_177, %reduce_or3A_178 : f32
        %convert_element_type3A_180 = arith.extui %reduce_or3A_179 : i1 to i32
        %cond3A_181 = arith.constant 0 : i32
        %cond3A_182 = arith.constant 0 : i32
        %cond3A_183 = arith.cmpi ne, %convert_element_type3A_180, %cond3A_182 : i32
        %cond3A_184 = scf.if %cond3A_183 -> (i32) {
          %gather3A_186 = tpu.vector_load_idx %arg10[%select_n3A_163] : memref<16384xf32, #tpu.memory_space<vmem>>[vector<16xi32>], vector<16xf32>,
          %shift_right_logical3A = arith.constant 5 : i32
          %shift_right_logical3A_187 = vector.broadcast %shift_right_logical3A : i32 to vector<16xi32>
          %shift_right_logical3A_188 = arith.shrui %gather3A, %shift_right_logical3A_187 : vector<16xi32>
          %and3A_189 = arith.constant 31 : i32
          %and3A_190 = vector.broadcast %and3A_189 : i32 to vector<16xi32>
          %and3A_191 = arith.andi %gather3A, %and3A_190 : vector<16xi32>
          %mul3A_192 = arith.constant 2304 : i32
          %mul3A_193 = vector.broadcast %mul3A_192 : i32 to vector<16xi32>
          %mul3A_194 = arith.muli %and3A_191, %mul3A_193 : vector<16xi32>
          %sub3A_195 = vector.broadcast %mul3A_119 : i32 to vector<16xi32>
          %sub3A_196 = arith.subi %shift_right_logical3A_188, %sub3A_195 : vector<16xi32>
          %add3A_197 = arith.addi %mul3A_194, %sub3A_196 : vector<16xi32>
          %jit3A_198 = arith.constant 2147483647 : i32
          %broadcast_in_dim3A_199 = vector.broadcast %jit3A_198 : i32 to vector<16xi32>
          %select_n3A_200 = arith.select %and3A_169, %add3A_197, %broadcast_in_dim3A_199 : vector<16xi1>, vector<16xi32>
          %jit3A_201 = arith.constant 0.000000e+00 : f32
          %broadcast_in_dim3A_202 = vector.broadcast %jit3A_201 : f32 to vector<16xf32>
          %select_n3A_203 = arith.select %and3A_169, %gather3A_186, %broadcast_in_dim3A_202 : vector<16xi1>, vector<16xf32>
          %masked_sort3A = arith.constant dense<true> : vector<16xi1>
          %masked_sort3A_204 = arith.constant -2147483648 : i32
          %masked_sort3A_205 = vector.broadcast %masked_sort3A_204 : i32 to vector<16xi32>
          %masked_sort3A_206 = arith.xori %select_n3A_200, %masked_sort3A_205 : vector<16xi32>
          %masked_sort3A_207, %masked_sort3A_208, %masked_sort3A_209 = tpu.sort %masked_sort3A_206, %select_n3A_203 masked %masked_sort3A : (vector<16xi32>, vector<16xf32>, vector<16xi1>) -> (vector<16xi1>, vector<16xi32>, vector<16xf32>)
          %masked_sort3A_210 = arith.xori %masked_sort3A_208, %masked_sort3A_205 : vector<16xi32>
          %iota3A_211 = tpu.iota {dimensions = array<i32: 0>} : vector<16xi32>
          %swap3A = arith.constant 0 : index
          %swap3A_212 = tpu.vector_load %arg13[%swap3A] {strides = array<i32>} : memref<16xi32, #tpu.memory_space<vmem>>, vector<16xi32>,
          tpu.vector_store %arg13[%swap3A], %masked_sort3A_210 {strides = array<i32>} : memref<16xi32, #tpu.memory_space<vmem>>, vector<16xi32>,
          %sub3A_213 = arith.constant 1 : i32
          %sub3A_214 = vector.broadcast %sub3A_213 : i32 to vector<16xi32>
          %sub3A_215 = arith.subi %iota3A_211, %sub3A_214 : vector<16xi32>
          %max3A = arith.constant 0 : i32
          %max3A_216 = vector.broadcast %max3A : i32 to vector<16xi32>
          %max3A_217 = arith.maxsi %sub3A_215, %max3A_216 : vector<16xi32>
          %gather3A_218 = tpu.vector_load_idx %arg13[%max3A_217] : memref<16xi32, #tpu.memory_space<vmem>>[vector<16xi32>], vector<16xi32>,
          %add3A_219 = arith.constant 1 : i32
          %add3A_220 = vector.broadcast %add3A_219 : i32 to vector<16xi32>
          %add3A_221 = arith.addi %iota3A_211, %add3A_220 : vector<16xi32>
          %min3A_222 = arith.constant 15 : i32
          %min3A_223 = vector.broadcast %min3A_222 : i32 to vector<16xi32>
          %min3A_224 = arith.minsi %add3A_221, %min3A_223 : vector<16xi32>
          %gather3A_225 = tpu.vector_load_idx %arg13[%min3A_224] : memref<16xi32, #tpu.memory_space<vmem>>[vector<16xi32>], vector<16xi32>,
          %eq3A_226 = arith.constant 0 : i32
          %eq3A_227 = vector.broadcast %eq3A_226 : i32 to vector<16xi32>
          %eq3A_228 = arith.cmpi eq, %iota3A_211, %eq3A_227 : vector<16xi32>
          %ne3A_229 = arith.cmpi ne, %masked_sort3A_210, %gather3A_218 : vector<16xi32>
          %or3A = arith.ori %eq3A_228, %ne3A_229 : vector<16xi1>
          %eq3A_230 = arith.constant 15 : i32
          %eq3A_231 = vector.broadcast %eq3A_230 : i32 to vector<16xi32>
          %eq3A_232 = arith.cmpi eq, %iota3A_211, %eq3A_231 : vector<16xi32>
          %ne3A_233 = arith.cmpi ne, %masked_sort3A_210, %gather3A_225 : vector<16xi32>
          %or3A_234 = arith.ori %eq3A_232, %ne3A_233 : vector<16xi1>
          %broadcast_in_dim3A_235 = arith.constant true
          %broadcast_in_dim3A_236 = vector.broadcast %broadcast_in_dim3A_235 : i1 to vector<16xi1>
          %masked_cumsum3A = tpu.scan <sum>, %masked_sort3A_209 masked %broadcast_in_dim3A_236 : vector<16xf32>, vector<16xi1> -> vector<16xf32>
          %swap3A_237 = arith.constant 0 : index
          %swap3A_238 = tpu.vector_load %arg14[%swap3A_237] {strides = array<i32>} : memref<16xf32, #tpu.memory_space<vmem>>, vector<16xf32>,
          tpu.vector_store %arg14[%swap3A_237], %masked_cumsum3A {strides = array<i32>} : memref<16xf32, #tpu.memory_space<vmem>>, vector<16xf32>,
          %swap3A_239 = arith.constant 0 : index
          %swap3A_240 = tpu.vector_load %arg15[%swap3A_239] {strides = array<i32>} : memref<16xf32, #tpu.memory_space<vmem>>, vector<16xf32>,
          tpu.vector_store %arg15[%swap3A_239], %masked_sort3A_209 {strides = array<i32>} : memref<16xf32, #tpu.memory_space<vmem>>, vector<16xf32>,
          %jit3A_241 = arith.constant 0 : i32
          %broadcast_in_dim3A_242 = vector.broadcast %jit3A_241 : i32 to vector<16xi32>
          %select_n3A_243 = arith.select %or3A, %iota3A_211, %broadcast_in_dim3A_242 : vector<16xi1>, vector<16xi32>
          %broadcast_in_dim3A_244 = arith.constant true
          %broadcast_in_dim3A_245 = vector.broadcast %broadcast_in_dim3A_244 : i1 to vector<16xi1>
          %masked_cummax3A = arith.constant -2147483648 : i32
          %masked_cummax3A_246 = vector.broadcast %masked_cummax3A : i32 to vector<16xi32>
          %masked_cummax3A_247 = arith.xori %select_n3A_243, %masked_cummax3A_246 : vector<16xi32>
          %masked_cummax3A_248 = tpu.scan <max>, %masked_cummax3A_247 masked %broadcast_in_dim3A_245 : vector<16xi32>, vector<16xi1> -> vector<16xi32>
          %masked_cummax3A_249 = arith.xori %masked_cummax3A_248, %masked_cummax3A_246 : vector<16xi32>
          %gather3A_250 = tpu.vector_load_idx %arg14[%masked_cummax3A_249] : memref<16xf32, #tpu.memory_space<vmem>>[vector<16xi32>], vector<16xf32>,
          %gather3A_251 = tpu.vector_load_idx %arg15[%masked_cummax3A_249] : memref<16xf32, #tpu.memory_space<vmem>>[vector<16xi32>], vector<16xf32>,
          %sub3A_252 = arith.subf %gather3A_250, %gather3A_251 : vector<16xf32>
          %sub3A_253 = arith.subf %masked_cumsum3A, %sub3A_252 : vector<16xf32>
          %ne3A_254 = arith.constant 2147483647 : i32
          %ne3A_255 = vector.broadcast %ne3A_254 : i32 to vector<16xi32>
          %ne3A_256 = arith.cmpi ne, %masked_sort3A_210, %ne3A_255 : vector<16xi32>
          %and3A_257 = arith.andi %or3A_234, %ne3A_256 : vector<16xi1>
          %jit3A_258 = arith.constant 2304 : i32
          %div3A_259 = vector.broadcast %jit3A_258 : i32 to vector<16xi32>
          %div3A_260 = arith.divsi %masked_sort3A_210, %div3A_259 : vector<16xi32>
          %sign3A_261 = arith.constant 0 : i32
          %sign3A_262 = vector.broadcast %sign3A_261 : i32 to vector<16xi32>
          %sign3A_263 = arith.cmpi sgt, %masked_sort3A_210, %sign3A_262 : vector<16xi32>
          %sign3A_264 = arith.extui %sign3A_263 : vector<16xi1> to vector<16xi32>
          %sign3A_265 = arith.constant 0 : i32
          %sign3A_266 = vector.broadcast %sign3A_265 : i32 to vector<16xi32>
          %sign3A_267 = arith.cmpi slt, %masked_sort3A_210, %sign3A_266 : vector<16xi32>
          %sign3A_268 = arith.extui %sign3A_267 : vector<16xi1> to vector<16xi32>
          %sign3A_269 = arith.subi %sign3A_264, %sign3A_268 : vector<16xi32>
          %sign3A_270 = arith.constant 0 : i32
          %sign3A_271 = arith.cmpi sgt, %jit3A_258, %sign3A_270 : i32
          %sign3A_272 = arith.extui %sign3A_271 : i1 to i32
          %sign3A_273 = arith.constant 0 : i32
          %sign3A_274 = arith.cmpi slt, %jit3A_258, %sign3A_273 : i32
          %sign3A_275 = arith.extui %sign3A_274 : i1 to i32
          %sign3A_276 = arith.subi %sign3A_272, %sign3A_275 : i32
          %ne3A_277 = vector.broadcast %sign3A_276 : i32 to vector<16xi32>
          %ne3A_278 = arith.cmpi ne, %sign3A_269, %ne3A_277 : vector<16xi32>
          %rem3A_279 = vector.broadcast %jit3A_258 : i32 to vector<16xi32>
          %rem3A_280 = arith.remsi %masked_sort3A_210, %rem3A_279 : vector<16xi32>
          %ne3A_281 = arith.constant 0 : i32
          %ne3A_282 = vector.broadcast %ne3A_281 : i32 to vector<16xi32>
          %ne3A_283 = arith.cmpi ne, %rem3A_280, %ne3A_282 : vector<16xi32>
          %and3A_284 = arith.andi %ne3A_278, %ne3A_283 : vector<16xi1>
          %sub3A_285 = arith.constant 1 : i32
          %sub3A_286 = vector.broadcast %sub3A_285 : i32 to vector<16xi32>
          %sub3A_287 = arith.subi %div3A_260, %sub3A_286 : vector<16xi32>
          %select_n3A_288 = arith.select %and3A_284, %sub3A_287, %div3A_260 : vector<16xi1>, vector<16xi32>
          %jit3A_289 = arith.constant 2304 : i32
          %eq3A_290 = arith.constant 0 : i32
          %eq3A_291 = arith.cmpi eq, %jit3A_289, %eq3A_290 : i32
          %jit3A_292 = arith.constant 1 : i32
          %select_n3A_293 = arith.select %eq3A_291, %jit3A_292, %jit3A_289 : i32
          %rem3A_294 = vector.broadcast %select_n3A_293 : i32 to vector<16xi32>
          %rem3A_295 = arith.remsi %masked_sort3A_210, %rem3A_294 : vector<16xi32>
          %ne3A_296 = arith.constant 0 : i32
          %ne3A_297 = vector.broadcast %ne3A_296 : i32 to vector<16xi32>
          %ne3A_298 = arith.cmpi ne, %rem3A_295, %ne3A_297 : vector<16xi32>
          %lt3A_299 = arith.constant 0 : i32
          %lt3A_300 = vector.broadcast %lt3A_299 : i32 to vector<16xi32>
          %lt3A_301 = arith.cmpi slt, %rem3A_295, %lt3A_300 : vector<16xi32>
          %lt3A_302 = arith.constant 0 : i32
          %lt3A_303 = arith.cmpi slt, %select_n3A_293, %lt3A_302 : i32
          %ne3A_304 = vector.broadcast %lt3A_303 : i1 to vector<16xi1>
          %ne3A_305 = vector.broadcast %ne3A_304 : vector<16xi1> to vector<16xi1>
          %ne3A_306 = arith.xori %lt3A_301, %ne3A_305 : vector<16xi1>
          %and3A_307 = arith.andi %ne3A_306, %ne3A_298 : vector<16xi1>
          %add3A_308 = vector.broadcast %select_n3A_293 : i32 to vector<16xi32>
          %add3A_309 = arith.addi %rem3A_295, %add3A_308 : vector<16xi32>
          %select_n3A_310 = arith.select %and3A_307, %add3A_309, %rem3A_295 : vector<16xi1>, vector<16xi32>
          %jit3A_311 = arith.constant 0 : i32
          %broadcast_in_dim3A_312 = vector.broadcast %jit3A_311 : i32 to vector<16xi32>
          %select_n3A_313 = arith.select %and3A_257, %select_n3A_288, %broadcast_in_dim3A_312 : vector<16xi1>, vector<16xi32>
          %jit3A_314 = arith.constant 0 : i32
          %broadcast_in_dim3A_315 = vector.broadcast %jit3A_314 : i32 to vector<16xi32>
          %select_n3A_316 = arith.select %and3A_257, %select_n3A_310, %broadcast_in_dim3A_315 : vector<16xi1>, vector<16xi32>
          tpu.vector_store_idx %arg8[%select_n3A_313, %select_n3A_316], %sub3A_253 masked %and3A_257 {add = true} : memref<32x2304xf32, #tpu.memory_space<vmem>>[vector<16xi32>, vector<16xi32>], vector<16xf32>, vector<16xi1>
          %cond3A_317 = arith.constant 0 : i32
          scf.yield %cond3A_317 : i32
        } else {
          %cond3A_186 = arith.constant 0 : i32
          scf.yield %cond3A_186 : i32
        }
        %while3A_185 = arith.constant 0 : i32
        scf.yield %while3A_185 : i32
      }
      "tpu.region"() ({
        %run_scoped3A = tpu.sem_alloc : memref<!tpu.dma_semaphore, #tpu.memory_space<semaphore_mem>>
        %dma_start3A = arith.constant 0 : i32
        %dma_start3A_152 = tpu.memref_slice %arg6[%dma_start3A, %mul3A_119] : memref<32x1000000xf32, #tpu.memory_space<hbm>> -> memref<32x2304xf32, #tpu.memory_space<hbm>>
        %dma_start3A_153 = arith.constant 0 : i32
        %dma_start3A_154 = tpu.memref_slice %arg6[%dma_start3A_153, %mul3A_119] : memref<32x1000000xf32, #tpu.memory_space<hbm>> -> memref<32x2304xf32, #tpu.memory_space<hbm>>
        tpu.enqueue_dma source(%arg8 : memref<32x2304xf32, #tpu.memory_space<vmem>>) target(%dma_start3A_154 : memref<32x2304xf32, #tpu.memory_space<hbm>>) target_semaphore(%run_scoped3A : memref<!tpu.dma_semaphore, #tpu.memory_space<semaphore_mem>>)
        %dma_wait3A = arith.constant 0 : i32
        %dma_wait3A_155 = tpu.memref_slice %arg6[%dma_wait3A, %mul3A_119] : memref<32x1000000xf32, #tpu.memory_space<hbm>> -> memref<32x2304xf32, #tpu.memory_space<hbm>>
        %dma_wait3A_156 = arith.constant 0 : i32
        %dma_wait3A_157 = tpu.memref_slice %arg6[%dma_wait3A_156, %mul3A_119] : memref<32x1000000xf32, #tpu.memory_space<hbm>> -> memref<32x2304xf32, #tpu.memory_space<hbm>>
        tpu.wait_dma2 semaphore(%run_scoped3A : memref<!tpu.dma_semaphore, #tpu.memory_space<semaphore_mem>>) src(%arg8 : memref<32x2304xf32, #tpu.memory_space<vmem>>) dst(%dma_wait3A_157 : memref<32x2304xf32, #tpu.memory_space<hbm>>)
        tpu.yield
      }) : () -> ()
      %scan3A_151 = arith.constant 0 : i32
      scf.yield %scan3A_151 : i32
    }
    %scan3A_95 = arith.constant 14 : i32
    %eq3A = arith.constant 0 : i32
    %eq3A_96 = arith.cmpi eq, %add3A, %eq3A : i32
    %convert_element_type3A = arith.extui %eq3A_96 : i1 to i32
    %cond3A = arith.constant 0 : i32
    %cond3A_97 = arith.cmpi ne, %convert_element_type3A, %cond3A : i32
    scf.if %cond3A_97 {
      "tpu.region"() ({
        %run_scoped3A = tpu.sem_alloc : memref<!tpu.dma_semaphore, #tpu.memory_space<semaphore_mem>>
        tpu.enqueue_dma source(%arg3 : memref<2048xf32, #tpu.memory_space<hbm>>) target(%arg12 : memref<2048xf32, #tpu.memory_space<vmem>>) target_semaphore(%run_scoped3A : memref<!tpu.dma_semaphore, #tpu.memory_space<semaphore_mem>>)
        tpu.wait_dma2 semaphore(%run_scoped3A : memref<!tpu.dma_semaphore, #tpu.memory_space<semaphore_mem>>) src(%arg3 : memref<2048xf32, #tpu.memory_space<hbm>>) dst(%arg12 : memref<2048xf32, #tpu.memory_space<vmem>>)
        tpu.yield
      }) : () -> ()
      %scan3A_98 = arith.constant 0 : i32
      %scan3A_99 = arith.constant 0 : i32
      %scan3A_100 = arith.constant 1024 : i32
      %scan3A_101 = arith.addi %scan3A_99, %scan3A_100 : i32
      %scan3A_102 = arith.constant 1 : i32
      %scan3A_103 = scf.for %scan3A_112 = %scan3A_99 to %scan3A_101 step %scan3A_102 iter_args(%scan3A_113 = %scan3A_98) -> (i32)  : i32 {
        %mul3A_114 = arith.constant 16 : i32
        %mul3A_115 = arith.muli %scan3A_112, %mul3A_114 : i32
        %get3A = arith.index_cast %mul3A_115 : i32 to index
        %get3A_116 = tpu.vector_load %arg9[%get3A] {strides = array<i32>} : memref<16384xi32, #tpu.memory_space<vmem>>, vector<16xi32>,
        %ge3A = arith.constant 31997952 : i32
        %ge3A_117 = vector.broadcast %ge3A : i32 to vector<16xi32>
        %ge3A_118 = arith.cmpi sge, %get3A_116, %ge3A_117 : vector<16xi32>
        %reduce_or3A = arith.constant 1.000000e+00 : f32
        %reduce_or3A_119 = arith.constant 0.000000e+00 : f32
        %reduce_or3A_120 = vector.broadcast %reduce_or3A : f32 to vector<16xf32>
        %reduce_or3A_121 = vector.broadcast %reduce_or3A_119 : f32 to vector<16xf32>
        %reduce_or3A_122 = arith.select %ge3A_118, %reduce_or3A_120, %reduce_or3A_121 : vector<16xi1>, vector<16xf32>
        %reduce_or3A_123 = arith.constant true
        %reduce_or3A_124 = vector.broadcast %reduce_or3A_123 : i1 to vector<16xi1>
        %reduce_or3A_125 = tpu.scan <max>, %reduce_or3A_122 masked %reduce_or3A_124 : vector<16xf32>, vector<16xi1> -> vector<16xf32>
        %reduce_or3A_126 = vector.extract %reduce_or3A_125[15] : f32 from vector<16xf32>
        %reduce_or3A_127 = arith.constant 0.000000e+00 : f32
        %reduce_or3A_128 = arith.cmpf ogt, %reduce_or3A_126, %reduce_or3A_127 : f32
        %convert_element_type3A_129 = arith.extui %reduce_or3A_128 : i1 to i32
        %cond3A_130 = arith.constant 0 : i32
        %cond3A_131 = arith.constant 0 : i32
        %cond3A_132 = arith.cmpi ne, %convert_element_type3A_129, %cond3A_131 : i32
        %cond3A_133 = scf.if %cond3A_132 -> (i32) {
          %sub3A_135 = arith.constant 31997952 : i32
          %sub3A_136 = vector.broadcast %sub3A_135 : i32 to vector<16xi32>
          %sub3A_137 = arith.subi %get3A_116, %sub3A_136 : vector<16xi32>
          %jit3A_138 = arith.constant 0 : i32
          %broadcast_in_dim3A = vector.broadcast %jit3A_138 : i32 to vector<16xi32>
          %select_n3A_139 = arith.select %ge3A_118, %sub3A_137, %broadcast_in_dim3A : vector<16xi1>, vector<16xi32>
          %gather3A = tpu.vector_load_idx %arg12[%select_n3A_139] : memref<2048xf32, #tpu.memory_space<vmem>>[vector<16xi32>], vector<16xf32>,
          %get3A_140 = arith.index_cast %mul3A_115 : i32 to index
          %get3A_141 = tpu.vector_load %arg10[%get3A_140] {strides = array<i32>} : memref<16384xf32, #tpu.memory_space<vmem>>, vector<16xf32>,
          %sub3A_142 = arith.subf %get3A_141, %gather3A : vector<16xf32>
          %mul3A_143 = arith.constant 0.00999999977 : f32
          %mul3A_144 = vector.broadcast %mul3A_143 : f32 to vector<16xf32>
          %mul3A_145 = arith.mulf %mul3A_144, %sub3A_142 : vector<16xf32>
          %select_n3A_146 = arith.select %ge3A_118, %mul3A_145, %get3A_141 : vector<16xi1>, vector<16xf32>
          %swap3A = arith.index_cast %mul3A_115 : i32 to index
          %swap3A_147 = tpu.vector_load %arg10[%swap3A] {strides = array<i32>} : memref<16384xf32, #tpu.memory_space<vmem>>, vector<16xf32>,
          tpu.vector_store %arg10[%swap3A], %select_n3A_146 {strides = array<i32>} : memref<16384xf32, #tpu.memory_space<vmem>>, vector<16xf32>,
          %cond3A_148 = arith.constant 0 : i32
          scf.yield %cond3A_148 : i32
        } else {
          %cond3A_135 = arith.constant 0 : i32
          scf.yield %cond3A_135 : i32
        }
        %scan3A_134 = arith.constant 0 : i32
        scf.yield %scan3A_134 : i32
      }
      %scan3A_104 = arith.constant 1024 : i32
      %scan3A_105 = arith.constant 0 : i32
      %scan3A_106 = arith.constant 0 : i32
      %scan3A_107 = arith.constant 1024 : i32
      %scan3A_108 = arith.addi %scan3A_106, %scan3A_107 : i32
      %scan3A_109 = arith.constant 1 : i32
      %scan3A_110 = scf.for %scan3A_112 = %scan3A_106 to %scan3A_108 step %scan3A_109 iter_args(%scan3A_113 = %scan3A_105) -> (i32)  : i32 {
        %mul3A_114 = arith.constant 16 : i32
        %mul3A_115 = arith.muli %scan3A_112, %mul3A_114 : i32
        %get3A = arith.index_cast %mul3A_115 : i32 to index
        %get3A_116 = tpu.vector_load %arg9[%get3A] {strides = array<i32>} : memref<16384xi32, #tpu.memory_space<vmem>>, vector<16xi32>,
        %ge3A = arith.constant 31997952 : i32
        %ge3A_117 = vector.broadcast %ge3A : i32 to vector<16xi32>
        %ge3A_118 = arith.cmpi sge, %get3A_116, %ge3A_117 : vector<16xi32>
        %reduce_or3A = arith.constant 1.000000e+00 : f32
        %reduce_or3A_119 = arith.constant 0.000000e+00 : f32
        %reduce_or3A_120 = vector.broadcast %reduce_or3A : f32 to vector<16xf32>
        %reduce_or3A_121 = vector.broadcast %reduce_or3A_119 : f32 to vector<16xf32>
        %reduce_or3A_122 = arith.select %ge3A_118, %reduce_or3A_120, %reduce_or3A_121 : vector<16xi1>, vector<16xf32>
        %reduce_or3A_123 = arith.constant true
        %reduce_or3A_124 = vector.broadcast %reduce_or3A_123 : i1 to vector<16xi1>
        %reduce_or3A_125 = tpu.scan <max>, %reduce_or3A_122 masked %reduce_or3A_124 : vector<16xf32>, vector<16xi1> -> vector<16xf32>
        %reduce_or3A_126 = vector.extract %reduce_or3A_125[15] : f32 from vector<16xf32>
        %reduce_or3A_127 = arith.constant 0.000000e+00 : f32
        %reduce_or3A_128 = arith.cmpf ogt, %reduce_or3A_126, %reduce_or3A_127 : f32
        %convert_element_type3A_129 = arith.extui %reduce_or3A_128 : i1 to i32
        %cond3A_130 = arith.constant 0 : i32
        %cond3A_131 = arith.constant 0 : i32
        %cond3A_132 = arith.cmpi ne, %convert_element_type3A_129, %cond3A_131 : i32
        %cond3A_133 = scf.if %cond3A_132 -> (i32) {
          %mul3A_135 = arith.constant 16 : i32
          %mul3A_136 = arith.muli %scan3A_112, %mul3A_135 : i32
          %get3A_137 = arith.index_cast %mul3A_136 : i32 to index
          %get3A_138 = tpu.vector_load %arg10[%get3A_137] {strides = array<i32>} : memref<16384xf32, #tpu.memory_space<vmem>>, vector<16xf32>,
          %sub3A_139 = arith.constant 31997952 : i32
          %sub3A_140 = vector.broadcast %sub3A_139 : i32 to vector<16xi32>
          %sub3A_141 = arith.subi %get3A_116, %sub3A_140 : vector<16xi32>
          %jit3A_142 = arith.constant 2147483647 : i32
          %broadcast_in_dim3A = vector.broadcast %jit3A_142 : i32 to vector<16xi32>
          %select_n3A_143 = arith.select %ge3A_118, %sub3A_141, %broadcast_in_dim3A : vector<16xi1>, vector<16xi32>
          %jit3A_144 = arith.constant 0.000000e+00 : f32
          %broadcast_in_dim3A_145 = vector.broadcast %jit3A_144 : f32 to vector<16xf32>
          %select_n3A_146 = arith.select %ge3A_118, %get3A_138, %broadcast_in_dim3A_145 : vector<16xi1>, vector<16xf32>
          %masked_sort3A = arith.constant dense<true> : vector<16xi1>
          %masked_sort3A_147 = arith.constant -2147483648 : i32
          %masked_sort3A_148 = vector.broadcast %masked_sort3A_147 : i32 to vector<16xi32>
          %masked_sort3A_149 = arith.xori %select_n3A_143, %masked_sort3A_148 : vector<16xi32>
          %masked_sort3A_150, %masked_sort3A_151, %masked_sort3A_152 = tpu.sort %masked_sort3A_149, %select_n3A_146 masked %masked_sort3A : (vector<16xi32>, vector<16xf32>, vector<16xi1>) -> (vector<16xi1>, vector<16xi32>, vector<16xf32>)
          %masked_sort3A_153 = arith.xori %masked_sort3A_151, %masked_sort3A_148 : vector<16xi32>
          %iota3A = tpu.iota {dimensions = array<i32: 0>} : vector<16xi32>
          %swap3A = arith.constant 0 : index
          %swap3A_154 = tpu.vector_load %arg13[%swap3A] {strides = array<i32>} : memref<16xi32, #tpu.memory_space<vmem>>, vector<16xi32>,
          tpu.vector_store %arg13[%swap3A], %masked_sort3A_153 {strides = array<i32>} : memref<16xi32, #tpu.memory_space<vmem>>, vector<16xi32>,
          %sub3A_155 = arith.constant 1 : i32
          %sub3A_156 = vector.broadcast %sub3A_155 : i32 to vector<16xi32>
          %sub3A_157 = arith.subi %iota3A, %sub3A_156 : vector<16xi32>
          %max3A = arith.constant 0 : i32
          %max3A_158 = vector.broadcast %max3A : i32 to vector<16xi32>
          %max3A_159 = arith.maxsi %sub3A_157, %max3A_158 : vector<16xi32>
          %gather3A = tpu.vector_load_idx %arg13[%max3A_159] : memref<16xi32, #tpu.memory_space<vmem>>[vector<16xi32>], vector<16xi32>,
          %add3A_160 = arith.constant 1 : i32
          %add3A_161 = vector.broadcast %add3A_160 : i32 to vector<16xi32>
          %add3A_162 = arith.addi %iota3A, %add3A_161 : vector<16xi32>
          %min3A = arith.constant 15 : i32
          %min3A_163 = vector.broadcast %min3A : i32 to vector<16xi32>
          %min3A_164 = arith.minsi %add3A_162, %min3A_163 : vector<16xi32>
          %gather3A_165 = tpu.vector_load_idx %arg13[%min3A_164] : memref<16xi32, #tpu.memory_space<vmem>>[vector<16xi32>], vector<16xi32>,
          %eq3A_166 = arith.constant 0 : i32
          %eq3A_167 = vector.broadcast %eq3A_166 : i32 to vector<16xi32>
          %eq3A_168 = arith.cmpi eq, %iota3A, %eq3A_167 : vector<16xi32>
          %ne3A_169 = arith.cmpi ne, %masked_sort3A_153, %gather3A : vector<16xi32>
          %or3A = arith.ori %eq3A_168, %ne3A_169 : vector<16xi1>
          %eq3A_170 = arith.constant 15 : i32
          %eq3A_171 = vector.broadcast %eq3A_170 : i32 to vector<16xi32>
          %eq3A_172 = arith.cmpi eq, %iota3A, %eq3A_171 : vector<16xi32>
          %ne3A_173 = arith.cmpi ne, %masked_sort3A_153, %gather3A_165 : vector<16xi32>
          %or3A_174 = arith.ori %eq3A_172, %ne3A_173 : vector<16xi1>
          %broadcast_in_dim3A_175 = arith.constant true
          %broadcast_in_dim3A_176 = vector.broadcast %broadcast_in_dim3A_175 : i1 to vector<16xi1>
          %masked_cumsum3A = tpu.scan <sum>, %masked_sort3A_152 masked %broadcast_in_dim3A_176 : vector<16xf32>, vector<16xi1> -> vector<16xf32>
          %swap3A_177 = arith.constant 0 : index
          %swap3A_178 = tpu.vector_load %arg14[%swap3A_177] {strides = array<i32>} : memref<16xf32, #tpu.memory_space<vmem>>, vector<16xf32>,
          tpu.vector_store %arg14[%swap3A_177], %masked_cumsum3A {strides = array<i32>} : memref<16xf32, #tpu.memory_space<vmem>>, vector<16xf32>,
          %swap3A_179 = arith.constant 0 : index
          %swap3A_180 = tpu.vector_load %arg15[%swap3A_179] {strides = array<i32>} : memref<16xf32, #tpu.memory_space<vmem>>, vector<16xf32>,
          tpu.vector_store %arg15[%swap3A_179], %masked_sort3A_152 {strides = array<i32>} : memref<16xf32, #tpu.memory_space<vmem>>, vector<16xf32>,
          %jit3A_181 = arith.constant 0 : i32
          %broadcast_in_dim3A_182 = vector.broadcast %jit3A_181 : i32 to vector<16xi32>
          %select_n3A_183 = arith.select %or3A, %iota3A, %broadcast_in_dim3A_182 : vector<16xi1>, vector<16xi32>
          %broadcast_in_dim3A_184 = arith.constant true
          %broadcast_in_dim3A_185 = vector.broadcast %broadcast_in_dim3A_184 : i1 to vector<16xi1>
          %masked_cummax3A = arith.constant -2147483648 : i32
          %masked_cummax3A_186 = vector.broadcast %masked_cummax3A : i32 to vector<16xi32>
          %masked_cummax3A_187 = arith.xori %select_n3A_183, %masked_cummax3A_186 : vector<16xi32>
          %masked_cummax3A_188 = tpu.scan <max>, %masked_cummax3A_187 masked %broadcast_in_dim3A_185 : vector<16xi32>, vector<16xi1> -> vector<16xi32>
          %masked_cummax3A_189 = arith.xori %masked_cummax3A_188, %masked_cummax3A_186 : vector<16xi32>
          %gather3A_190 = tpu.vector_load_idx %arg14[%masked_cummax3A_189] : memref<16xf32, #tpu.memory_space<vmem>>[vector<16xi32>], vector<16xf32>,
          %gather3A_191 = tpu.vector_load_idx %arg15[%masked_cummax3A_189] : memref<16xf32, #tpu.memory_space<vmem>>[vector<16xi32>], vector<16xf32>,
          %sub3A_192 = arith.subf %gather3A_190, %gather3A_191 : vector<16xf32>
          %sub3A_193 = arith.subf %masked_cumsum3A, %sub3A_192 : vector<16xf32>
          %ne3A_194 = arith.constant 2147483647 : i32
          %ne3A_195 = vector.broadcast %ne3A_194 : i32 to vector<16xi32>
          %ne3A_196 = arith.cmpi ne, %masked_sort3A_153, %ne3A_195 : vector<16xi32>
          %and3A_197 = arith.andi %or3A_174, %ne3A_196 : vector<16xi1>
          %jit3A_198 = arith.constant 0 : i32
          %broadcast_in_dim3A_199 = vector.broadcast %jit3A_198 : i32 to vector<16xi32>
          %select_n3A_200 = arith.select %and3A_197, %masked_sort3A_153, %broadcast_in_dim3A_199 : vector<16xi1>, vector<16xi32>
          tpu.vector_store_idx %arg12[%select_n3A_200], %sub3A_193 masked %and3A_197 {add = true} : memref<2048xf32, #tpu.memory_space<vmem>>[vector<16xi32>], vector<16xf32>, vector<16xi1>
          %cond3A_201 = arith.constant 0 : i32
          scf.yield %cond3A_201 : i32
        } else {
          %cond3A_135 = arith.constant 0 : i32
          scf.yield %cond3A_135 : i32
        }
        %scan3A_134 = arith.constant 0 : i32
        scf.yield %scan3A_134 : i32
      }
      %scan3A_111 = arith.constant 1024 : i32
      "tpu.region"() ({
        %run_scoped3A = tpu.sem_alloc : memref<!tpu.dma_semaphore, #tpu.memory_space<semaphore_mem>>
        tpu.enqueue_dma source(%arg12 : memref<2048xf32, #tpu.memory_space<vmem>>) target(%arg7 : memref<2048xf32, #tpu.memory_space<hbm>>) target_semaphore(%run_scoped3A : memref<!tpu.dma_semaphore, #tpu.memory_space<semaphore_mem>>)
        tpu.wait_dma2 semaphore(%run_scoped3A : memref<!tpu.dma_semaphore, #tpu.memory_space<semaphore_mem>>) src(%arg12 : memref<2048xf32, #tpu.memory_space<vmem>>) dst(%arg7 : memref<2048xf32, #tpu.memory_space<hbm>>)
        tpu.yield
      }) : () -> ()
    } else {
    }
    return
  }
}

</mosaic_0001>

<sc_bundles>
// kernel: kernel.11.cloned.1.call-start
scs
__scs_entry_jumppad:
0x0: {  	(pc) =	sbr.rel $0x88, $3  }
0x1: {  	(tag) =	ssettag $0x0;
	lr =	simm.s32 $0x1  }
0x2: {  	[smem:$0x3F9C] =	sst lr;
	_ =	strace $0xD0000000  }
0x3: {  	_ = 	snop  }
0x4: {  	_ = 	snop  }
0x5: {  	_ = 	snop  }
0x6: {  	_ = 	snop  }
0x7: {  	_ = 	snop  }
__scs_overlays_trampoline_lowered:
0x8: {  	[smem:$0x3FAB] =	sst s0  }
0x9: {  	[smem:$0x3FAC] =	sst s1  }
0xa: {  	[smem:$0x3FAD] =	sst s2  }
0xb: {  	[smem:$0x3FAE] =	sst s3  }
0xc: {  	[smem:$0x3FAF] =	sst s4  }
0xd: {  	[smem:$0x3FB0] =	sst s5  }
0xe: {  	[smem:$0x3FB1] =	sst s6  }
0xf: {  	[smem:$0x3FB2] =	sst s7  }
0x10: {  	[smem:$0x3FB3] =	sst s8  }
0x11: {  	[smem:$0x3FB4] =	sst s9;
	s0 =	simm.s32 @!p0 $0x0  }
0x12: {  	s1 =	sld [smem:$0x3F9A];
	s0 =	simm.s32 @p0 $0x1  }
0x13: {  	[smem:$0x3FB5] =	sst s0;
	s0 =	simm.s32 @!p1 $0x0  }
0x14: {  	s2 =	sld [smem:$0x3F99];
	s0 =	simm.s32 @p1 $0x1  }
0x15: {  	[smem:$0x3FB6] =	sst s0;
	s0 =	simm.s32 @!p2 $0x0  }
0x16: {  	s3 =	sld [smem:$0x3FDB];
	s0 =	simm.s32 @p2 $0x1  }
0x17: {  	s4 =	simm.s32 $0x1BF5;
	[smem:$0x3FB8] =	sst s0  }
0x18: {  	s0 =	sld [smem:$0x3F9B];
	_ =	swait.ge [sflag:s4], $0x0  }
0x19: {  	s7 =	sld [smem:$0x3F9C]  }
0x1a: {  	s8 =	sadd.s32 $0xFFFFE003, lr  }
0x1b: {  	s9 =	sadd.s32 $0xFFFFFEF7, lr;
	s5 =	simm.s32 $0xFFFFFFFF;
	p2 =	slt.u32 s8, $0xFFFFF086  }
0x1c: {  	p1 =	slt.u32 s9, $0xF7A;
	s5 =	simm.s32 @!p2 $0x0  }
0x1d: {  	s5 =	simm.s32 @p1 $0x1;
	p0 =	seq.s32 s7, s2  }
0x1e: {  	s7 =	smul.u32 @!p0 $0xF7A, s2;
	p2 =	seq.s32 @!p0 s5, $0x0  }
0x1f: {  	s9 =	smul.u32 $0xF7A, s1;
	s8 =	simm.s32 @!p0 $0x1BF5;
	p2 =	por !p2, p0  }
0x20: {  	[sflag:s8] =	ssyncset.s32 @!p0 $0xFFFFF086;
	s6 =	sadd.s32 @!p0 s3, s7;
	s7 =	simm.s32 @!p0 $0x108  }
0x21: {  	s3 =	sadd.s32 s3, s9;
	s6 =	sadd.s32 @!p0 $0x88, s6;
	s7 =	simm.s32 @p2 $0x1082  }
0x22: {  	[simem:s7], [sflag:s8] =	dma.local @!p0 [hbm:s6], $0xF7A  }
0x23: {  	s9 =	sor.u32 $0xD0000000, s2;
	s6 =	simm.s32 $0x108;
	_ =	swait.ge @!p0 [sflag:s8], $0x0  }
0x24: {  	s3 =	sadd.s32 $0x88, s3;
	s6 =	simm.s32 @!p1 $0x1082;
	[sflag:s4] =	ssyncset.s32 $0xFFFFF086  }
0x25: {  	[simem:s6], [sflag:s4] =	dma.local [hbm:s3], $0xF7A  }
0x26: {  	[smem:$0x3F9C] =	sst s1;
	(tag) =	ssettag s2;
	_ =	strace s9  }
0x27: {  	s1 =	sld [smem:$0x3FAC]  }
0x28: {  	s2 =	sld [smem:$0x3FAD]  }
0x29: {  	s4 =	sld [smem:$0x3FAF]  }
0x2a: {  	p0 =	seq.s32 s5, $0x0;
	s5 =	sld [smem:$0x3FB0]  }
0x2b: {  	s6 =	sld [smem:$0x3FB1]  }
0x2c: {  	s7 =	sld [smem:$0x3FB2]  }
0x2d: {  	s3 =	simm.s32 $0x108;
	s8 =	sld [smem:$0x3FB3]  }
0x2e: {  	s3 =	simm.s32 @!p0 $0x1082;
	s9 =	sld [smem:$0x3FB4]  }
0x2f: {  	lr =	sadd.s32 s0, s3;
	s0 =	sld [smem:$0x3FAB]  }
0x30: {  	s3 =	sld [smem:$0x3FAE]  }
0x31: {  	[smem:$0x3FB7] =	sst s10  }
0x32: {  	s10 =	sld [smem:$0x3FB5];
	_ =	sdelay $0x3  }
0x33: {  	p0 =	seq.s32 s10, $0x1;
	s10 =	sld [smem:$0x3FB7];
	_ =	sdelay $0x3  }
0x34: {  	[smem:$0x3FB7] =	sst s10  }
0x35: {  	s10 =	sld [smem:$0x3FB6];
	_ =	sdelay $0x3  }
0x36: {  	p1 =	seq.s32 s10, $0x1;
	s10 =	sld [smem:$0x3FB7];
	_ =	sdelay $0x3  }
0x37: {  	[smem:$0x3FB7] =	sst s10  }
0x38: {  	s10 =	sld [smem:$0x3FB8]  }
0x39: {  	_ = 	snop;
	(pc) =	sbr.ind lr, $3  }
0x3a: {  	_ = 	snop  }
0x3b: {  	_ = 	snop  }
0x3c: {  	p2 =	seq.s32 s10, $0x1;
	s10 =	sld [smem:$0x3FB7]  }
0x3d: {  	_ =	shalt  }
0x3e: {  	_ =	shalt  }
0x3f: {  	_ =	shalt  }
0x40: {  	_ =	shalt  }
0x41: {  	_ =	shalt  }
0x42: {  	_ =	shalt  }
0x43: {  	_ =	shalt  }
0x44: {  	_ =	shalt  }
0x45: {  	_ =	shalt  }
0x46: {  	_ =	shalt  }
0x47: {  	_ =	shalt  }
0x48: {  	_ =	shalt  }
0x49: {  	_ =	shalt  }
0x4a: {  	_ =	shalt  }
0x4b: {  	_ =	shalt  }
0x4c: {  	_ =	shalt  }
0x4d: {  	_ =	shalt  }
0x4e: {  	_ =	shalt  }
0x4f: {  	_ =	shalt  }
0x50: {  	_ =	shalt  }
0x51: {  	_ =	shalt  }
0x52: {  	_ =	shalt  }
0x53: {  	_ =	shalt  }
0x54: {  	_ =	shalt  }
0x55: {  	_ =	shalt  }
0x56: {  	_ =	shalt  }
0x57: {  	_ =	shalt  }
0x58: {  	_ =	shalt  }
0x59: {  	_ =	shalt  }
0x5a: {  	_ =	shalt  }
0x5b: {  	_ =	shalt  }
0x5c: {  	_ =	shalt  }
0x5d: {  	_ =	shalt  }
0x5e: {  	_ =	shalt  }
0x5f: {  	_ =	shalt  }
0x60: {  	_ =	shalt  }
0x61: {  	_ =	shalt  }
0x62: {  	_ =	shalt  }
0x63: {  	_ =	shalt  }
0x64: {  	_ =	shalt  }
0x65: {  	_ =	shalt  }
0x66: {  	_ =	shalt  }
0x67: {  	_ =	shalt  }
0x68: {  	_ =	shalt  }
0x69: {  	_ =	shalt  }
0x6a: {  	_ =	shalt  }
0x6b: {  	_ =	shalt  }
0x6c: {  	_ =	shalt  }
0x6d: {  	_ =	shalt  }
0x6e: {  	_ =	shalt  }
0x6f: {  	_ =	shalt  }
0x70: {  	_ =	shalt  }
0x71: {  	_ =	shalt  }
0x72: {  	_ =	shalt  }
0x73: {  	_ =	shalt  }
0x74: {  	_ =	shalt  }
0x75: {  	_ =	shalt  }
0x76: {  	_ =	shalt  }
0x77: {  	_ =	shalt  }
0x78: {  	_ =	shalt  }
0x79: {  	_ =	shalt  }
0x7a: {  	_ =	shalt  }
0x7b: {  	_ =	shalt  }
0x7c: {  	_ =	shalt  }
0x7d: {  	_ =	shalt  }
0x7e: {  	_ =	shalt  }
0x7f: {  	_ =	shalt  }
0x80: {  	_ =	shalt  }
0x81: {  	_ =	shalt  }
0x82: {  	_ =	shalt  }
0x83: {  	_ =	shalt  }
0x84: {  	_ =	shalt  }
0x85: {  	_ =	shalt  }
0x86: {  	_ =	shalt  }
0x87: {  	_ =	shalt  }
.Lfunc_end0:
.L_simem_size_0:
called_computation.2_lowered:
.L_overlay_start_0:
0x88: {  	s2 =	sld [smem:$0x3FD9]  }
0x89: {  	s3 =	sld [smem:$0x3FFE];
	_ =	sdelay $0x1  }
0x8a: {  	s1 =	srdreg.scid  }
0x8b: {  	s0 =	sand.u32 $0x1, s1  }
0x8c: {  	s17 =	sshll.u32 s0, $0xA;
	s2 =	sadd.s32 s3, s2  }
0x8d: {  	s2 =	sadd.s32 s2, s17  }
0x8e: {  	[smem:$0x3FC3] =	sst s2  }
0x8f: {  	_ = 	snop  }
0x90: {  	s2 =	sld [smem:$0x3FC5]  }
0x91: {  	s18 =	sld [smem:$0x3FD0];
	(tm) =	ssettm $0x1  }
0x92: {  	s4 =	sld [smem:$0x3FFB];
	_ =	sdelay $0x3  }
0x93: {  	_ =	strace s4  }
0x94: {  	s4 =	sld [smem:$0x3FFC];
	_ =	sdelay $0x3  }
0x95: {  	_ =	strace s4  }
0x96: {  	s4 =	sld [smem:$0x3FFD];
	_ =	sdelay $0x3  }
0x97: {  	_ =	strace s4  }
0x98: {  	_ =	strace $0x8FFFFFFF  }
0x99: {  	s19 =	sld [smem:$0x3FDB];
	_ =	sdelay $0x1  }
0x9a: {  	s5 =	simm.s32 $_scs_section_size  }
0x9b: {  	s6 =	simm.s32 $_size__tile_overlayer_lowered;
	s7 =	simm.s32 $_tile_overlayer_lowered  }
0x9c: {  	s22 =	simm.s32 $0x1BFF;
	s21 =	sshll.u32 s7, $0x1;
	s4 =	sadd.s32 s5, s19  }
0x9d: {  	s8 =	simm.s32 $0x0;
	s20 =	sshll.u32 s6, $0x1;
	s6 =	sadd.s32 s21, s4  }
0x9e: {  	[timem:s8], [sflag:s22] =	dma.local [hbm:s6], s20  }
0x9f: {  	_ =	swait.ge [sflag:s22], s20  }
0xa0: {  	s5 =	ssub.s32 $0x0, s20;
	[sflag:s22] =	ssyncset.done $0x0  }
0xa1: {  	[sflag:s22] =	ssyncadd.s32 s5;
	_ =	sdelay $0x1  }
0xa2: {  	s23 =	simm.s32 $0x1B8B  }
0xa3: {  	_ =	swait.ge [sflag:s23], $0x1  }
0xa4: {  	[sflag:s23] =	ssyncset.done $0x0  }
0xa5: {  	s25 =	simm.s32 $0x1B8E;
	s24 =	sld [smem:$0x3FFE];
	[sflag:s23] =	ssyncadd.s32 $0xFFFFFFFF  }
0xa6: {  	s26 =	simm.s32 $execute0_lowered;
	[smem:$0x3FD2] =	sst s25  }
0xa7: {  	s6 =	sshll.u32 s26, $0x1;
	_ =	strace $0x8000004C;
	[dreg:$0x1] =	wrdreg $0xFFFFFFFF  }
0xa8: {  	s28 =	simm.s32 $_size_execute0_lowered;
	s4 =	sadd.s32 s4, s6;
	[dreg:$0x0] =	wrdreg $0x0  }
0xa9: {  	s6 =	sshll.u32 s28, $0x1;
	[dreg:$0x2] =	wrdreg s4  }
0xaa: {  	[dreg:$0x3] =	wrdreg s6  }
0xab: {  	[dreg:$0x4] =	wrdreg $0xC0  }
0xac: {  	_ =	task [dreg:s8], $0x5FFFF  }
0xad: {  	[dreg:$0x1] =	wrdreg $0xFFFFFFFF  }
0xae: {  	[dreg:$0x0] =	wrdreg $0x60  }
0xaf: {  	[dreg:$0x2] =	wrdreg s2  }
0xb0: {  	[dreg:$0x3] =	wrdreg s24  }
0xb1: {  	[dreg:$0x4] =	wrdreg s18  }
0xb2: {  	[dreg:$0x5] =	wrdreg $0x9  }
0xb3: {  	_ =	task.clear_ibuf [dreg:s8], $0x6FFFF;
	_ =	strace $0x9000004C  }
0xb4: {  	s29 =	simm.s32 $0x9;
	_ =	strace $0x8000004E  }
0xb5: {  	_ =	swait.ge [sflag:s29], $0x1  }
0xb6: {  	[sflag:s29] =	ssyncadd.s32 $0xFFFFFFFF  }
0xb7: {  	_ =	strace $0x9000004E  }
0xb8: {  	_ =	sfence  }
0xb9: {  	s30 =	sld [smem:$0x0];
	_ =	sdelay $0x2  }
0xba: {  	s31 =	sshll.u32 s1, $0xD;
	s1 =	sshrl.u32 s1, $0x2  }
0xbb: {  	s3 =	sand.u32 $0x4000, s31;
	s1 =	sadd.s32 s1, s30  }
0xbc: {  	s0 =	sor.u32 s3, s0;
	s1 =	sshll.u32 s1, $0x11  }
0xbd: {  	s0 =	sor.u32 s1, s0  }
0xbe: {  	s0 =	sadd.s32 $0x8F2B, s0  }
0xbf: {  	[sflag:s0] =	ssyncadd.remote.s32 $0x1  }
0xc0: {  	_ =	sfence.sel $0xFFFF  }
0xc1: {  	[dreg:$0x0] =	wrdreg $0xFFFFFFFF;
	(pc) =	sbr.abs _section_cstart, $3  }
0xc2: {  	[dreg:$0x1] =	wrdreg $0xFFFFFFFF  }
0xc3: {  	_ =	task.clear_ibuf [dreg:s8], $0x2FFFF;
	_ =	strace $0x9FFFFFFF  }
0xc4: {  	(tm) =	ssettm $0x7FFFFFFF  }
0xc5: {  	_ =	shalt  }
tec
execute0_lowered:
.L_overlay_start_1:
0x0: {  	(tag) =	ssettag $0x1  }
0x1: {  	s0 =	srdreg.scid;
	s1 =	stileid.u32  }
0x2: {  	s4 =	sand.u32 $0x1, s0;
	s22 =	sshll.u32 s1, $0x1  }
0x3: {  	v0 =	vimm.s32 $0xFFEDCBA9;
	v1 =	vimm.s32 $0x87654321;
	s0 =	sor.u32 s4, s22  }
0x4: {  	v2 =	vimm.s32 $0xEDCBA987;
	v3 =	vimm.s32 $0x65432100;
	s2 =	smul.u32 $0x1E84, s0  }
0x5: {  	s7 =	rddreg [dreg:$0x1];
	vm1 =	vcmask $0xB08;
	vm2 =	vcmask $0x1310;
	vm3 =	vcmask $0x1B18  }
0x6: {  	vm4 =	vcmask $0x300;
	vm5 =	vcmask $0x2320;
	s10 =	simm.s32 $0x7A1400;
	s11 =	simm.s32 $0x12000;
	s3 =	sadd.s32 $0x1E84, s2  }
0x7: {  	vm6 =	vcmask $0x2B28;
	vm7 =	vcmask $0x3330;
	vm8 =	vcmask $0x3B38;
	s5 =	sadd.s32 $0x1400, s7;
	s24 =	sshrl.u32 s3, $0x5;
	s3 =	simm.s32 $0x0  }
0x8: {  	vm9 =	vmmov $0xff;
	vm14 =	vcmask $0x2724;
	vm15 =	vcmask $0x2F2C;
	s25 =	sadd.s32 $0x1600, s7;
	s26 =	sadd.s32 $0x1E00, s7;
	[smem:$0x7FF] =	sst s3  }
0x9: {  	v0 =	vunpack.c.l.s4.s8 v0;
	v1 =	vunpack.c.l.s4.s8 v1;
	v2 =	vunpack.c.l.s4.s8 v2;
	s29 =	sadd.s32 $0x2600, s7;
	_ =	strace $0x8000004D;
	[dreg:$0x6] =	wrdreg s5  }
0xa: {  	v9 =	vimm.s32 $0x0;
	vm0 =	vcmask $0x3734;
	v3 =	vunpack.c.l.s4.s8 v3;
	s1 =	simm.s32 $0x0;
	s4 =	ssub.s32 $0x2, s4;
	[dreg:$0x7] =	wrdreg s25  }
0xb: {  	v4 =	vunpack.c.0.s8.s32 v0;
	v5 =	vunpack.c.0.s8.s32 v1;
	v6 =	vunpack.c.0.s8.s32 v2;
	s28 =	sshrl.u32 s4, $0x1;
	s23 =	sshrl.u32 s2, $0x5;
	[dreg:$0x8] =	wrdreg s26  }
.Ltmp0:
0xc: {  	vm13 =	vcmask $0x3F3C;
	v2 =	vlaneseq.u32;
	v7 =	vunpack.c.0.s8.s32 v3;
	s4 =	ssub.s32 s4, s28;
	[dreg:$0x4] =	wrdreg s23;
	(pc) =	sbr.rel .LBB2_1-.Ltmp0, $4  }
0xd: {  	p0 =	sne.s32 s0, $0x0;
	v5 =	vcombine.low v5, v4;
	v4 =	vand.u32 $0xF, v6;
	v6 =	vimm.s32 $0xECA86420;
	s31 =	smax.u32 s4, $0x1;
	[dreg:$0x5] =	wrdreg s24  }
0xe: {  	v3 =	vimm.f32 $0.0e+00;
	s6 =	sshll.u32 s23, $0xC;
	v4 =	vcombine.low v7, v4;
	v7 =	vunpack.c.l.s4.s8 v6;
	s9 =	ssub.s32 s24, s23;
	[dreg:$0x9] =	wrdreg s29  }
0xf: {  	v8 =	vmul.u32 $0x2, v2;
	v6 =	vor.u32 $0x80000000, v2;
	s8 =	sshll.u32 s24, $0xC;
	v0 =	vmov s6;
	s30 =	sadd.s32 $0xFFFFFFEE, s9;
	[dreg:$0xb] =	wrdreg s31  }
0x10: {  	v5 =	vand.u32 $0xF, v5;
	s6 =	simm.s32 $0x4800;
	v1 =	vmov s8;
	v7 =	vunpack.c.0.s8.s32 v7;
	s5 =	simm.s32 $0x1;
	[dreg:$0xa] =	wrdreg s30  }
.LBB2_12:
.Ltmp1:
0x11: {  	(pc) =	sbr.rel @!p0 .LBB2_13-.Ltmp1, $2  }
0x12: {  	_ =	sdelay $0x2  }
0x13: {  	s1 =	rddreg [dreg:$0xc]  }
.LBB2_18:
0x14: {  	s1 =	sadd.s32 $0x1, s1;
	s0 =	rddreg [dreg:$0xb]  }
0x15: {  	p1 =	sne.s32 s1, s0  }
.Ltmp2:
0x16: {  	_ = 	snop;
	(pc) =	sbr.rel @!p1 .LBB2_19-.Ltmp2, $1  }
0x17: {  	_ =	sdelay $0x3  }
.LBB2_1:
0x18: {  	[dreg:$0xc] =	wrdreg s1  }
0x19: {  	s0 =	rddreg [dreg:$0x7]  }
0x1a: {  	[tilespmem:s11], [sflag:$0x1] =	stream.linear.gather [hbm4b:s0+s3], $0x4000, $0x38;
	[tilespmem:$0x1E980] =	vst v63  }
0x1b: {  	_ =	swait.ge [sflag:s5], $0x4000  }
0x1c: {  	[sflag:s5] =	ssyncset.done $0x0  }
0x1d: {  	s31 =	simm.s32 $0x16000;
	s30 =	rddreg [dreg:$0x8];
	[sflag:s5] =	ssyncadd.s32 $0xFFFFC000  }
0x1e: {  	[tilespmem:s31], [sflag:$0x1] =	stream.linear.gather [hbm4b:s30+s3], $0x4000, $0x38;
	[tilespmem:$0x1E980] =	vst v63  }
0x1f: {  	_ =	swait.ge [sflag:s5], $0x4000  }
0x20: {  	[sflag:s5] =	ssyncset.done $0x0  }
0x21: {  	[sflag:s5] =	ssyncadd.s32 $0xFFFFC000  }
0x22: {  	v10 =	vld [tilespmem:s11+$0x0];
	_ =	sdelay $0x4  }
0x23: {  	vm11 =	vge.s32 v10, v0;
	vm10 =	vlt.s32 v10, v1  }
0x24: {  	vm10 =	vmand vm11, vm10  }
0x25: {  	v10 =	vmpcnt.ones.xlane vm10;
	_ =	sdelay $0x1  }
0x26: {  	v10 =	vxor.u32 $0x80000000, v10  }
0x27: {  	(xrf0) =	vmax.scan.msk.u32 $0xffff, v10;
	_ =	sdelay $0x5  }
0x28: {  	v10 =	vor.u32 s3, v2;
	v11, _, _ =	vpop (xrf0)  }
0x29: {  	s7 =	simm.s32 $0x12010;
	[tilespmem:s3+$0x1A000] =	vst.msk vm10, v10;
	(v2sf) =	vpush v11, $0xF  }
0x2a: {  	s8 =	simm.s32 $0x20;
	s4 =	simm.s32 $0x0;
	s0 =	simm.s32 $0x10;
	v10 =	vld [tilespmem:s7+$0x0]  }
.LBB2_2:
0x2b: {  	p1 =	sne.s32 s8, $0x3FF0;
	_ =	sdelay $0x3  }
0x2c: {  	vm10 =	vge.s32 v10, v0;
	vm11 =	vlt.s32 v10, v1  }
0x2d: {  	vm10 =	vmand vm10, vm11  }
0x2e: {  	v10 =	vmpcnt.ones.xlane vm10;
	_ =	sdelay $0x1  }
0x2f: {  	v10 =	vxor.u32 $0x80000000, v10  }
0x30: {  	(xrf0) =	vmax.scan.msk.u32 $0xffff, v10;
	_ =	sdelay $0x3  }
.Ltmp3:
0x31: {  	s9 =	spop (v2sf);
	(pc) =	sbr.rel @p1 .LBB2_2-.Ltmp3, $4  }
0x32: {  	s4 =	sadd.s32 s9, s4  }
0x33: {  	v10 =	vor.u32 s0, v2;
	s0 =	smov.u32 s8;
	v11, _, _ =	vpop (xrf0);
	s4 =	sadd.s32 $0x80000000, s4  }
0x34: {  	s7 =	sadd.s32 $0x10, s7;
	[tilespmem:s4+$0x1A000] =	vst.msk vm10, v10;
	(v2sf) =	vpush v11, $0xF  }
0x35: {  	s8 =	sadd.s32 $0x10, s8;
	v10 =	vld [tilespmem:s7+$0x0]  }
0x36: {  	_ =	sdelay $0x3  }
0x37: {  	vm10 =	vge.s32 v10, v0;
	vm11 =	vlt.s32 v10, v1  }
0x38: {  	vm10 =	vmand vm10, vm11  }
0x39: {  	v10 =	vmpcnt.ones.xlane vm10;
	_ =	sdelay $0x1  }
0x3a: {  	v10 =	vxor.u32 $0x80000000, v10  }
0x3b: {  	(xrf0) =	vmax.scan.msk.u32 $0xffff, v10;
	_ =	sdelay $0x5  }
0x3c: {  	v10, _, _ =	vpop (xrf0)  }
0x3d: {  	(v2sf) =	vpush v10, $0xF;
	_ =	sdelay $0xc  }
0x3e: {  	s7 =	spop (v2sf)  }
0x3f: {  	s4 =	sadd.s32 s7, s4  }
0x40: {  	s4 =	sadd.s32 $0x80000000, s4;
	s30 =	spop (v2sf)  }
0x41: {  	s7 =	sadd.s32 s30, s4  }
0x42: {  	s7 =	sadd.s32 $0x80000000, s7  }
0x43: {  	s8 =	sadd.s32 $0xF, s7  }
0x44: {  	s9 =	sand.u32 $0xF, s8  }
0x45: {  	s31 =	sshra.s32 s8, $0x1F;
	p2 =	slt.s32 s8, $0x1;
	p1 =	sne.s32 s9, $0x0  }
.Ltmp4:
0x46: {  	s9 =	sshrl.u32 s31, $0x1C;
	p1 =	por !p2, !p1;
	(pc) =	sbr.rel .LBB2_4-.Ltmp4, $4  }
0x47: {  	s8 =	sadd.s32 s9, s8;
	s9 =	simm.s32 $0x1;
	p1 =	por !p1, !p1  }
0x48: {  	s8 =	sshra.s32 s8, $0x4;
	s9 =	simm.s32 @!p1 $0x0  }
0x49: {  	v10 =	vor.u32 s0, v2;
	s1 =	ssub.s32 s8, s9  }
0x4a: {  	s0 =	simm.s32 $0x0;
	[tilespmem:s4+$0x1A000] =	vst.msk vm10, v10;
	v10 =	vmov s7;
	[dreg:$0xd] =	wrdreg s1;
	p1 =	slt.s32 s1, $0x1  }
.LBB2_11:
0x4b: {  	s0 =	rddreg [dreg:$0x2]  }
0x4c: {  	s1 =	rddreg [dreg:$0xf];
	s6 =	simm.s32 $0x4800  }
0x4d: {  	s10 =	simm.s32 $0x7A1400;
	s5 =	simm.s32 $0x1;
	s0 =	sadd.s32 s0, s1  }
0x4e: {  	[hbm4b:s0+s6] =	stream.strided.scatter [tilespmem:s3], [sflag:$0x1], $0x12000, s10, s6, $0x38;
	[tilespmem:$0x1E980] =	vst v63  }
0x4f: {  	_ =	swait.ge [sflag:s5], $0x12000  }
0x50: {  	s0 =	rddreg [dreg:$0xe]  }
0x51: {  	p2 =	sne.s32 s0, $0xE  }
.Ltmp5:
0x52: {  	_ = 	snop;
	(pc) =	sbr.rel @!p2 .LBB2_12-.Ltmp5, $3  }
0x53: {  	_ =	sdelay $0x1  }
0x54: {  	[sflag:s5] =	ssyncset.done $0x0  }
0x55: {  	[sflag:s5] =	ssyncadd.s32 $0xFFFEE000  }
.LBB2_4:
0x56: {  	s4 =	smul.u32 $0x12, s0  }
0x57: {  	s7 =	rddreg [dreg:$0xa]  }
0x58: {  	p2 =	slt.s32 s4, s7  }
0x59: {  	s1 =	rddreg [dreg:$0x4];
	s7 =	smov.u32 @p2 s4  }
0x5a: {  	s7 =	sadd.s32 s1, s7  }
0x5b: {  	s4 =	sshll.u32 s7, $0x7  }
0x5c: {  	s30 =	rddreg [dreg:$0x0];
	s2 =	sand.u32 $0x1FFFFF80, s4  }
.Ltmp6:
0x5d: {  	[dreg:$0xf] =	wrdreg s2;
	s8 =	sadd.s32 s30, s2;
	(pc) =	sbr.rel @p1 .LBB2_11-.Ltmp6, $4  }
0x5e: {  	[tilespmem:s3], [sflag:$0x1] =	stream.strided.gather [hbm4b:s8+s6], $0x12000, s10, s6, $0x38;
	[tilespmem:$0x1E980] =	vst v63  }
0x5f: {  	_ =	swait.ge [sflag:s5], $0x12000  }
0x60: {  	s31 =	sadd.s32 $0x1, s0;
	[sflag:s5] =	ssyncset.done $0x0  }
0x61: {  	[dreg:$0xe] =	wrdreg s31;
	[sflag:s5] =	ssyncadd.s32 $0xFFFEE000  }
0x62: {  	s1 =	rddreg [dreg:$0xe]  }
0x63: {  	s8 =	smul.u32 $0x12, s1  }
0x64: {  	s9 =	rddreg [dreg:$0xa]  }
0x65: {  	p2 =	slt.s32 s8, s9  }
0x66: {  	s31 =	rddreg [dreg:$0x4];
	s9 =	smov.u32 @p2 s8  }
0x67: {  	s1 =	rddreg [dreg:$0x5];
	p2 =	seq.s32 s0, $0xD;
	s0 =	sadd.s32 s31, s9  }
0x68: {  	s0 =	smov.u32 @p2 s1  }
0x69: {  	s7 =	sshll.u32 s7, $0xC;
	s0 =	sshll.u32 s0, $0xC  }
0x6a: {  	v13 =	vmov s4;
	s4 =	simm.s32 $0x0;
	v11 =	vmov s7;
	s7 =	rddreg [dreg:$0xd];
	v12 =	vmov s0;
	s0 =	simm.s32 $0x1A000  }
.LBB2_6:
0x6b: {  	v14 =	vld [tilespmem:s0+$0x0];
	_ =	sdelay $0x2  }
0x6c: {  	v15 =	vor.u32 s4, v2  }
0x6d: {  	vm10 =	vlt.s32 v15, v10  }
0x6e: {  	v14 =	vnsel vm10, $0x0, v14;
	_ =	sdelay $0x4  }
0x6f: {  	v15 =	vld.idx.msk [tilespmem:v14+s11+$0x0], $0xffff;
	_ =	sdelay $0x4  }
0x70: {  	vm11 =	vlt.s32 v15, v12  }
0x71: {  	vm12 =	vge.s32 v15, v11;
	vm10 =	vmand vm11, vm10  }
0x72: {  	vm10 =	vmand vm10, vm12  }
0x73: {  	v16 =	vsel vm10, $0x3F800000, v3  }
0x74: {  	(xrf0) =	vmax.scan.msk.f32 $0xffff, v16;
	_ =	sdelay $0x5  }
0x75: {  	v16, _, _ =	vpop (xrf0)  }
0x76: {  	(v2sf) =	vpush v16, $0xF;
	_ =	sdelay $0xe  }
0x77: {  	s8 =	spop (v2sf)  }
0x78: {  	p2 =	sgt.f32 s8, $0.0e+00;
	_ =	sdelay $0x1  }
0x79: {  	v16 =	vshrl.u32 @p2 v15, $0x5  }
0x7a: {  	v17 =	vshrl.u32 @p2 v15, $0x3;
	v16 =	vsub.s32 @p2 v16, v13  }
0x7b: {  	v17 =	vand.u32 @p2 $0x3, v17;
	v16 =	vnsel @p2 vm10, $0x0, v16  }
0x7c: {  	v17 =	vmul.u32 @p2 $0x4800, v17;
	v18 =	vshll.u32 @p2 v16, $0x3  }
0x7d: {  	v15 =	vshll.u32 @p2 v15, $0x7;
	v18 =	vand.u32 @p2 $0xFFFFFC00, v18  }
0x7e: {  	v15 =	vand.u32 @p2 $0x380, v15;
	v17 =	vadd.s32 @p2 v17, v18  }
0x7f: {  	v16 =	vand.u32 @p2 $0x7F, v16;
	v15 =	vor.u32 @p2 v15, v17  }
0x80: {  	v15 =	vor.u32 @p2 v16, v15;
	_ =	sdelay $0x3  }
0x81: {  	s8 =	simm.s32 @p2 $0x0  }
0x82: {  	v15 =	vld.idx.msk @p2 [tilespmem:v15+s8+$0x0], $0xffff;
	s8 =	simm.s32 @p2 $0x16000  }
0x83: {  	v16 =	vld.idx.msk @p2 [tilespmem:v14+s8+$0x0], $0xffff;
	_ =	sdelay $0x2  }
0x84: {  	s7 =	sadd.s32 $0xFFFFFFFF, s7  }
0x85: {  	p3 =	seq.s32 s7, $0x0  }
.Ltmp7:
0x86: {  	v15 =	vsub.f32 @p2 v16, v15;
	(pc) =	sbr.rel @!p3 .LBB2_6-.Ltmp7, $3  }
0x87: {  	_ = 	snop  }
0x88: {  	v15 =	vmul.f32 @p2 $9.999999770e-03, v15;
	_ =	sdelay $0x1  }
0x89: {  	s0 =	sadd.s32 $0x10, s0;
	s4 =	sadd.s32 $0x10, s4;
	[tilespmem:v14+s8+$0x0] =	vst.idx.msk @p2 vm10, v15  }
.Ltmp8:
0x8a: {  	(pc) =	sbr.rel .LBB2_8-.Ltmp8, $3  }
0x8b: {  	_ =	sdelay $0x1  }
0x8c: {  	v13 =	vsub.s32 $0x0, v13  }
0x8d: {  	s26 =	simm.s32 $0x1A000;
	s28 =	simm.s32 $0x0;
	s29 =	rddreg [dreg:$0xd];
	v13 =	vbroadcast v13, $0x0  }
.LBB2_10:
0x8e: {  	s29 =	sadd.s32 $0xFFFFFFFF, s29  }
0x8f: {  	p2 =	sne.s32 s29, $0x0  }
.Ltmp9:
0x90: {  	_ = 	snop;
	(pc) =	sbr.rel @!p2 .LBB2_11-.Ltmp9, $2  }
0x91: {  	_ =	sdelay $0x2  }
0x92: {  	s26 =	sadd.s32 $0x10, s26;
	s28 =	sadd.s32 $0x10, s28  }
.LBB2_8:
0x93: {  	v14 =	vld [tilespmem:s26+$0x0];
	_ =	sdelay $0x2  }
0x94: {  	v15 =	vor.u32 s28, v2  }
0x95: {  	vm10 =	vlt.s32 v15, v10  }
0x96: {  	v15 =	vnsel vm10, $0x0, v14;
	_ =	sdelay $0x4  }
0x97: {  	v14 =	vld.idx.msk [tilespmem:v15+s11+$0x0], $0xffff;
	_ =	sdelay $0x4  }
0x98: {  	vm11 =	vlt.s32 v14, v12  }
0x99: {  	vm12 =	vge.s32 v14, v11;
	vm10 =	vmand vm11, vm10  }
0x9a: {  	vm10 =	vmand vm10, vm12  }
0x9b: {  	v16 =	vsel vm10, $0x3F800000, v3  }
0x9c: {  	(xrf0) =	vmax.scan.msk.f32 $0xffff, v16;
	_ =	sdelay $0x5  }
0x9d: {  	v16, _, _ =	vpop (xrf0)  }
0x9e: {  	(v2sf) =	vpush v16, $0xF;
	_ =	sdelay $0xe  }
0x9f: {  	s0 =	spop (v2sf)  }
0xa0: {  	p2 =	sgt.f32 s0, $0.0e+00  }
.Ltmp10:
0xa1: {  	_ = 	snop;
	(pc) =	sbr.rel @!p2 .LBB2_10-.Ltmp10, $1  }
0xa2: {  	_ =	sdelay $0x3  }
0xa3: {  	_ =	sdelay $0x2  }
0xa4: {  	s0 =	simm.s32 $0x16000  }
0xa5: {  	v16 =	vand.u32 $0x1F, v14;
	v15 =	vld.idx.msk [tilespmem:v15+s0+$0x0], $0xffff  }
0xa6: {  	v14 =	vshrl.u32 v14, $0x5;
	v16 =	vmul.u32 $0x900, v16  }
0xa7: {  	v14 =	vadd.s32 v13, v14  }
0xa8: {  	v14 =	vadd.s32 v16, v14  }
0xa9: {  	v14 =	vxor.u32 $0x80000000, v14  }
0xaa: {  	v14 =	vnsel vm10, $0xFFFFFFFF, v14;
	v15 =	vnsel vm10, $0x0, v15  }
0xab: {  	(xrf1) =	vsort.ascd.msk.u32 $0xffff, v14, v15;
	_ =	sdelay $0xd  }
0xac: {  	v15, v14, _ =	vpop (xrf1)  }
0xad: {  	v53 =	vxor.u32 $0x80000000, v15  }
0xae: {  	(v2sf) =	vpush v53, $0xD;
	_ =	sdelay $0x1  }
0xaf: {  	(v2sf) =	vpush v53, $0xC;
	_ =	sdelay $0x1  }
0xb0: {  	(v2sf) =	vpush v53, $0xE;
	_ =	sdelay $0x1  }
0xb1: {  	(v2sf) =	vpush v53, $0xF;
	_ =	sdelay $0x1  }
0xb2: {  	(v2sf) =	vpush v53, $0x9;
	_ =	sdelay $0x1  }
0xb3: {  	(v2sf) =	vpush v53, $0x8;
	_ =	sdelay $0x1  }
0xb4: {  	(v2sf) =	vpush v53, $0xA;
	_ =	sdelay $0x1  }
0xb5: {  	(v2sf) =	vpush v53, $0xB  }
0xb6: {  	(v2sf) =	vpush v53, $0x0;
	s1 =	spop (v2sf)  }
0xb7: {  	s4 =	smulhi.u32 $0x38E38E39, s1;
	s0 =	sshra.s32 s1, $0x1F  }
0xb8: {  	(v2sf) =	vpush v53, $0x1;
	s7 =	spop (v2sf);
	s0 =	smul.u32 $0x38E38E39, s0  }
0xb9: {  	s8 =	smulhi.u32 $0x38E38E39, s7;
	s7 =	sshra.s32 s7, $0x1F  }
0xba: {  	(v2sf) =	vpush v53, $0x2;
	s9 =	spop (v2sf);
	s7 =	smul.u32 $0x38E38E39, s7  }
0xbb: {  	s12 =	smulhi.u32 $0x38E38E39, s9;
	s9 =	sshra.s32 s9, $0x1F  }
0xbc: {  	(v2sf) =	vpush v53, $0x3;
	s10 =	spop (v2sf);
	s30 =	smul.u32 $0x38E38E39, s9  }
0xbd: {  	(v2sf) =	vpush v53, $0x4;
	s1 =	smulhi.u32 $0x38E38E39, s10;
	s10 =	sshra.s32 s10, $0x1F  }
0xbe: {  	(v2sf) =	vpush v53, $0x5;
	s21 =	spop (v2sf);
	s10 =	smul.u32 $0x38E38E39, s10  }
0xbf: {  	(v2sf) =	vpush v53, $0x6;
	s5 =	smulhi.u32 $0x38E38E39, s21;
	s21 =	sshra.s32 s21, $0x1F  }
0xc0: {  	(v2sf) =	vpush v53, $0x7;
	s2 =	spop (v2sf);
	s21 =	smul.u32 $0x38E38E39, s21  }
0xc1: {  	s16 =	smulhi.u32 $0x38E38E39, s2;
	s9 =	sshra.s32 s2, $0x1F  }
0xc2: {  	s7 =	sadd.s32 s7, s8;
	s22 =	spop (v2sf);
	s23 =	smul.u32 $0x38E38E39, s9  }
0xc3: {  	s25 =	sshrl.u32 s7, $0x1F;
	s11 =	smulhi.u32 $0x38E38E39, s22;
	s6 =	sshra.s32 s22, $0x1F  }
0xc4: {  	s7 =	sshra.s32 s7, $0x9;
	s31 =	spop (v2sf);
	s19 =	smul.u32 $0x38E38E39, s6  }
0xc5: {  	s3 =	spop (v2sf);
	s20 =	smulhi.u32 $0x38E38E39, s31;
	s6 =	sshra.s32 s31, $0x1F  }
0xc6: {  	s31 =	sadd.s32 s0, s4;
	s0 =	sadd.s32 s30, s12;
	s4 =	smul.u32 $0x38E38E39, s6  }
0xc7: {  	s30 =	sadd.s32 s10, s1;
	s15 =	spop (v2sf);
	s6 =	smulhi.u32 $0x38E38E39, s3  }
0xc8: {  	s8 =	sshra.s32 s3, $0x1F;
	s3 =	sshrl.u32 s31, $0x1F;
	s17 =	sshrl.u32 s30, $0x1F  }
0xc9: {  	s31 =	sshra.s32 s31, $0x9;
	s2 =	spop (v2sf);
	s24 =	smul.u32 $0x38E38E39, s8  }
0xca: {  	s18 =	smulhi.u32 $0x38E38E39, s15;
	s12 =	sshra.s32 s15, $0x1F;
	s15 =	sshrl.u32 s0, $0x1F  }
0xcb: {  	s8 =	sadd.s32 s21, s5;
	s10 =	sadd.s32 s19, s11;
	s13 =	spop (v2sf)  }
0xcc: {  	s0 =	sshra.s32 s0, $0x9;
	s1 =	smul.u32 $0x38E38E39, s12;
	s14 =	spop (v2sf)  }
0xcd: {  	s5 =	smulhi.u32 $0x38E38E39, s2;
	s12 =	sadd.s32 s23, s16;
	s22 =	spop (v2sf)  }
0xce: {  	s16 =	smulhi.u32 $0x38E38E39, s13;
	s13 =	sshra.s32 s13, $0x1F;
	s9 =	spop (v2sf)  }
0xcf: {  	s21 =	sadd.s32 s4, s20;
	s20 =	smul.u32 $0x38E38E39, s13;
	s23 =	spop (v2sf)  }
0xd0: {  	s6 =	sadd.s32 s24, s6;
	s24 =	smulhi.u32 $0x38E38E39, s23;
	s13 =	sshra.s32 s23, $0x1F  }
0xd1: {  	s2 =	sshra.s32 s2, $0x1F;
	s19 =	sshrl.u32 s8, $0x1F;
	s13 =	smul.u32 $0x38E38E39, s13  }
0xd2: {  	s8 =	sshra.s32 s8, $0x9;
	s2 =	smul.u32 $0x38E38E39, s2;
	s1 =	sadd.s32 s1, s18  }
0xd3: {  	v17 =	vmov s25;
	s18 =	sshrl.u32 s12, $0x1F;
	s25 =	sshra.s32 s6, $0x9;
	s4 =	sadd.s32 s13, s24  }
0xd4: {  	vm10 =	vcmask $0x704;
	v21 =	vmov s7;
	v17 =	vsel vm1, s3, v17;
	s2 =	sadd.s32 s2, s5;
	s11 =	sadd.s32 s20, s16;
	s16 =	sshra.s32 s4, $0x1F  }
0xd5: {  	v21 =	vsel vm1, s31, v21;
	v17 =	vsel vm2, s15, v17;
	s5 =	sshrl.u32 s10, $0x1F;
	s15 =	sshrl.u32 s1, $0x1F;
	s23 =	smulhi.u32 $0x38E38E39, s14;
	v18 =	vmov s16  }
0xd6: {  	v17 =	vsel vm3, s17, v17;
	v20 =	vmov s18;
	s14 =	sshra.s32 s14, $0x1F;
	s24 =	sshrl.u32 s6, $0x1F;
	s6 =	sshra.s32 s6, $0x1F;
	v18 =	vsel vm4, s25, v18  }
0xd7: {  	s20 =	sshrl.u32 s21, $0x1F;
	v20 =	vsel vm1, s19, v20;
	s14 =	smul.u32 $0x38E38E39, s14;
	v19 =	vmov s24;
	s24 =	sshra.s32 s1, $0x9;
	v18 =	vsel vm10, s6, v18  }
0xd8: {  	s19 =	sshra.s32 s2, $0x9;
	s17 =	sshra.s32 s22, $0x1F;
	s1 =	sshra.s32 s1, $0x1F;
	v19 =	vnsel vm4, $0x0, v19;
	vm10 =	vcmask $0xF0C;
	v18 =	vsel vm1, s24, v18  }
0xd9: {  	v20 =	vsel vm2, s5, v20;
	s3 =	sadd.s32 s14, s23;
	s14 =	smul.u32 $0x38E38E39, s17;
	s16 =	sshrl.u32 s2, $0x1F;
	v19 =	vsel vm1, s15, v19;
	v18 =	vsel vm10, s1, v18  }
0xda: {  	s23 =	sshrl.u32 s11, $0x1F;
	s2 =	sshra.s32 s2, $0x1F;
	s25 =	smulhi.u32 $0x38E38E39, s22;
	v19 =	vsel vm2, s16, v19;
	vm10 =	vcmask $0x1714;
	v18 =	vsel vm2, s19, v18  }
0xdb: {  	v20 =	vsel vm3, s20, v20;
	s17 =	sshra.s32 s21, $0x9;
	s13 =	sshra.s32 s3, $0x9;
	v19 =	vsel vm3, s23, v19;
	s23 =	sshra.s32 s11, $0x9;
	v18 =	vsel vm10, s2, v18  }
0xdc: {  	v17 =	vcombine.low v20, v17;
	s22 =	sshra.s32 s9, $0x1F;
	s6 =	sadd.s32 s14, s25;
	s25 =	sshra.s32 s11, $0x1F;
	vm10 =	vcmask $0x1F1C;
	v18 =	vsel vm3, s23, v18  }
0xdd: {  	[tilespmem:$0x1E800] =	vst v53;
	v21 =	vsel vm2, s0, v21;
	s5 =	smul.u32 $0x38E38E39, s22;
	s24 =	sshra.s32 s12, $0x9;
	s12 =	simm.s32 $0x1E800;
	v18 =	vsel vm10, s25, v18  }
0xde: {  	v17 =	vperm.xlane v17, v7;
	s18 =	sshrl.u32 s3, $0x1F;
	s15 =	sshra.s32 s3, $0x1F;
	s1 =	smulhi.u32 $0x38E38E39, s9;
	v54 =	vld.idx.msk [tilespmem:v4+s12+$0x0], $0xffff;
	v22 =	vmov s24;
	v18 =	vsel vm5, s13, v18  }
0xdf: {  	s16 =	sshra.s32 s30, $0x9;
	s14 =	sshra.s32 s10, $0x9;
	v19 =	vsel vm5, s18, v19;
	s18 =	sshra.s32 s6, $0x9;
	v22 =	vsel vm1, s8, v22;
	v18 =	vsel vm14, s15, v18  }
0xe0: {  	v21 =	vsel vm3, s16, v21;
	s20 =	sshra.s32 s6, $0x1F;
	s19 =	sshrl.u32 s6, $0x1F;
	v22 =	vsel vm2, s14, v22;
	s1 =	sadd.s32 s5, s1;
	v18 =	vsel vm6, s18, v18  }
0xe1: {  	v19 =	vsel vm6, s19, v19;
	v22 =	vsel vm3, s17, v22;
	s21 =	sshrl.u32 s1, $0x1F;
	s22 =	sshra.s32 s1, $0x9;
	v18 =	vsel vm15, s20, v18  }
0xe2: {  	s23 =	sshrl.u32 s4, $0x1F;
	s24 =	sshra.s32 s1, $0x1F;
	v21 =	vcombine.low v22, v21;
	v19 =	vsel vm7, s21, v19;
	v18 =	vsel vm7, s22, v18  }
0xe3: {  	s25 =	sshra.s32 s4, $0x9;
	vm10 =	veq.s32 v53, v54;
	v19 =	vsel vm8, s23, v19;
	v18 =	vsel vm0, s24, v18  }
0xe4: {  	(xrf2) =	vadd.scan.msk.f32 $0xffff, v14;
	v20 =	vsel vm10, $0x80000000, v6;
	v19 =	vperm.xlane v19, v8;
	v18 =	vsel vm8, s25, v18  }
0xe5: {  	v21 =	vperm.xlane v21, v7;
	(xrf0) =	vmax.scan.msk.u32 $0xffff, v20;
	v18 =	vperm.xlane v18, v8;
	_ =	sdelay $0x1  }
0xe6: {  	v55 =	vld.idx.msk [tilespmem:v5+s12+$0x0], $0xffff;
	v17 =	vsel vm9, v19, v17;
	v18 =	vsel vm9, v18, v21  }
0xe7: {  	v17 =	vadd.s32 v17, v18  }
0xe8: {  	v18 =	vmul.u32 $0xFFFFF700, v17  }
0xe9: {  	vm12 =	vgt.s32 v15, $0xFFFFFFFF;
	vm11 =	vlt.s32 v53, $0x1  }
0xea: {  	vm11 =	vmor vm12, vm11;
	v56, _, _ =	vpop (xrf0);
	v16 =	vadd.s32 v53, v18  }
0xeb: {  	vm10 =	vne.s32 v53, v55;
	v57 =	vxor.u32 $0x80000000, v56;
	vm12 =	vne.s32 v16, $0x0  }
0xec: {  	vm10 =	vmor vm10, vm13;
	vm11 =	vmand vm11, vm12  }
0xed: {  	v59 =	vadd.s32 $0x900, v16;
	vm12 =	vne.s32 v15, $0xFFFFFFFF;
	v58 =	vsel vm11, $0xFFFFFFFF, v9  }
0xee: {  	[tilespmem:$0x1E900] =	vst v14;
	v15, _, _ =	vpop (xrf2);
	vm10 =	vmand vm12, vm10;
	vm11 =	vlt.s32 v16, $0x0;
	v17 =	vadd.s32 v58, v17  }
0xef: {  	s30 =	simm.s32 $0x1E880;
	[tilespmem:$0x1E880] =	vst v15;
	v16 =	vsel vm11, v59, v16;
	v14 =	vnsel vm10, $0x0, v17  }
0xf0: {  	s31 =	simm.s32 $0x1E900;
	v60 =	vld.idx.msk [tilespmem:v57+s30+$0x0], $0xffff;
	v16 =	vnsel vm10, $0x0, v16;
	v61 =	vshrl.u32 v14, $0x3  }
0xf1: {  	v18 =	vld.idx.msk [tilespmem:v57+s31+$0x0], $0xffff;
	v62 =	vshll.u32 v16, $0x3;
	v19 =	vmul.u32 $0x4800, v61  }
0xf2: {  	v14 =	vshll.u32 v14, $0x7;
	v20 =	vand.u32 $0xFFFFFC00, v62  }
0xf3: {  	v14 =	vand.u32 $0x380, v14;
	v19 =	vadd.s32 v20, v19  }
0xf4: {  	v16 =	vand.u32 $0x7F, v16;
	v14 =	vor.u32 v14, v19  }
0xf5: {  	v14 =	vor.u32 v16, v14  }
.Ltmp11:
0xf6: {  	v63 =	vsub.f32 v60, v18;
	(pc) =	sbr.rel .LBB2_10-.Ltmp11, $4  }
0xf7: {  	_ = 	snop  }
0xf8: {  	v15 =	vsub.f32 v15, v63  }
0xf9: {  	s3 =	simm.s32 $0x0  }
0xfa: {  	s11 =	simm.s32 $0x12000;
	[tilespmem:v14+s3+$0x0] =	vst.idx.add.f32.msk vm10, v15  }
.LBB2_13:
0xfb: {  	s0 =	simm.s32 $0x0;
	s1 =	rddreg [dreg:$0x6];
	s2 =	simm.s32 $0x1E000  }
0xfc: {  	[tilespmem:s2], [sflag:$0x1] =	stream.linear.gather [hbm4b:s1+s0], $0x800, $0x38;
	[tilespmem:$0x1E980] =	vst v63  }
0xfd: {  	_ =	swait.ge [sflag:s5], $0x800  }
0xfe: {  	[sflag:s5] =	ssyncset.done $0x0  }
0xff: {  	s30 =	simm.s32 $0x0;
	[sflag:s5] =	ssyncadd.s32 $0xFFFFF800  }
0x100: {  	v10 =	vld [tilespmem:s30+$0x12000];
	_ =	sdelay $0x4  }
0x101: {  	vm10 =	vgt.s32 v10, $0x1E83FFF  }
0x102: {  	v11 =	vsel vm10, $0x3F800000, v3  }
0x103: {  	(xrf0) =	vmax.scan.msk.f32 $0xffff, v11;
	_ =	sdelay $0x5  }
0x104: {  	v11, _, _ =	vpop (xrf0)  }
0x105: {  	(v2sf) =	vpush v11, $0xF;
	_ =	sdelay $0xe  }
0x106: {  	s31 =	spop (v2sf)  }
0x107: {  	p2 =	sgt.f32 s31, $0.0e+00;
	_ =	sdelay $0x1  }
0x108: {  	vm10 =	vgt.s32 @p2 v10, $0x1E84000  }
0x109: {  	v11 =	vnsel @p2 vm10, $0x1E84000, v10  }
0x10a: {  	v11 =	vadd.s32 @p2 $0xFE17C000, v11;
	_ =	sdelay $0x2  }
0x10b: {  	s4 =	simm.s32 @p2 $0x0  }
0x10c: {  	s0 =	simm.s32 @p2 $0x1E000;
	v12 =	vld @p2 [tilespmem:s4+$0x16000]  }
0x10d: {  	v11 =	vld.idx.msk @p2 [tilespmem:v11+s0+$0x0], $0xffff;
	_ =	sdelay $0x4  }
0x10e: {  	v11 =	vsub.f32 @p2 v12, v11;
	_ =	sdelay $0x1  }
0x10f: {  	v11 =	vmul.f32 @p2 $9.999999770e-03, v11  }
0x110: {  	vm10 =	vgt.s32 @p2 v10, $0x1E83FFF  }
0x111: {  	s23 =	simm.s32 $0x40;
	s24 =	simm.s32 $0x40;
	s0 =	simm.s32 $0x80;
	v10 =	vsel @p2 vm10, v11, v12  }
.LBB2_14:
0x112: {  	s1 =	sshra.s32 s24, $0x2;
	[tilespmem:s4+$0x16000] =	vst @p2 v10;
	s2 =	smov.u32 s0;
	s0 =	sadd.s32 $0x40, s0  }
0x113: {  	p1 =	sne.s32 s0, $0x10000;
	v10 =	vld [tilespmem:s1+$0x12000];
	_ =	sdelay $0x4  }
0x114: {  	vm10 =	vgt.s32 v10, $0x1E83FFF  }
0x115: {  	v11 =	vsel vm10, $0x3F800000, v3  }
0x116: {  	(xrf0) =	vmax.scan.msk.f32 $0xffff, v11;
	_ =	sdelay $0x5  }
0x117: {  	v11, _, _ =	vpop (xrf0)  }
0x118: {  	(v2sf) =	vpush v11, $0xF;
	_ =	sdelay $0xe  }
0x119: {  	s1 =	spop (v2sf)  }
0x11a: {  	p2 =	sgt.f32 s1, $0.0e+00;
	_ =	sdelay $0x1  }
0x11b: {  	vm10 =	vgt.s32 @p2 v10, $0x1E83FFF;
	vm11 =	vgt.s32 @p2 v10, $0x1E84000  }
0x11c: {  	v10 =	vnsel @p2 vm11, $0x1E84000, v10  }
0x11d: {  	v10 =	vadd.s32 @p2 $0xFE17C000, v10;
	_ =	sdelay $0x3  }
0x11e: {  	s1 =	simm.s32 @p2 $0x1E000  }
0x11f: {  	s4 =	sshra.s32 @p2 s24, $0x2;
	s24 =	smov.u32 s2;
	v10 =	vld.idx.msk @p2 [tilespmem:v10+s1+$0x0], $0xffff  }
0x120: {  	v11 =	vld @p2 [tilespmem:s4+$0x16000];
	_ =	sdelay $0x4  }
.Ltmp12:
0x121: {  	v10 =	vsub.f32 @p2 v11, v10;
	(pc) =	sbr.rel @p1 .LBB2_14-.Ltmp12, $3  }
0x122: {  	_ = 	snop  }
0x123: {  	v10 =	vmul.f32 @p2 $9.999999770e-03, v10;
	_ =	sdelay $0x1  }
0x124: {  	v10 =	vsel @p2 vm10, v10, v11  }
0x125: {  	s0 =	sshra.s32 s24, $0x2;
	[tilespmem:s4+$0x16000] =	vst @p2 v10  }
0x126: {  	v10 =	vld [tilespmem:s0+$0x12000];
	_ =	sdelay $0x4  }
0x127: {  	vm10 =	vgt.s32 v10, $0x1E83FFF  }
0x128: {  	v11 =	vsel vm10, $0x3F800000, v3  }
0x129: {  	(xrf0) =	vmax.scan.msk.f32 $0xffff, v11;
	_ =	sdelay $0x5  }
0x12a: {  	v11, _, _ =	vpop (xrf0)  }
0x12b: {  	(v2sf) =	vpush v11, $0xF;
	_ =	sdelay $0xe  }
0x12c: {  	s29 =	spop (v2sf)  }
0x12d: {  	p1 =	sgt.f32 s29, $0.0e+00;
	_ =	sdelay $0x1  }
0x12e: {  	vm10 =	vgt.s32 @p1 v10, $0x1E84000  }
0x12f: {  	v11 =	vnsel @p1 vm10, $0x1E84000, v10  }
0x130: {  	v11 =	vadd.s32 @p1 $0xFE17C000, v11;
	_ =	sdelay $0x3  }
0x131: {  	s0 =	simm.s32 @p1 $0x1E000  }
0x132: {  	v11 =	vld.idx.msk @p1 [tilespmem:v11+s0+$0x0], $0xffff;
	s0 =	sshra.s32 @p1 s24, $0x2  }
0x133: {  	v12 =	vld @p1 [tilespmem:s0+$0x16000];
	_ =	sdelay $0x4  }
0x134: {  	v11 =	vsub.f32 @p1 v12, v11;
	_ =	sdelay $0x1  }
0x135: {  	v11 =	vmul.f32 @p1 $9.999999770e-03, v11  }
0x136: {  	vm10 =	vgt.s32 @p1 v10, $0x1E83FFF  }
0x137: {  	v10 =	vsel @p1 vm10, v11, v12  }
0x138: {  	s30 =	simm.s32 $0x0;
	[tilespmem:s0+$0x16000] =	vst @p1 v10  }
0x139: {  	v10 =	vld [tilespmem:s30+$0x12000];
	_ =	sdelay $0x4  }
0x13a: {  	vm10 =	vgt.s32 v10, $0x1E83FFF  }
0x13b: {  	v11 =	vsel vm10, $0x3F800000, v3  }
0x13c: {  	(xrf0) =	vmax.scan.msk.f32 $0xffff, v11;
	_ =	sdelay $0x5  }
0x13d: {  	v11, _, _ =	vpop (xrf0)  }
0x13e: {  	(v2sf) =	vpush v11, $0xF;
	_ =	sdelay $0xe  }
0x13f: {  	s31 =	spop (v2sf)  }
0x140: {  	p1 =	sgt.f32 s31, $0.0e+00;
	_ =	sdelay $0x1  }
0x141: {  	s0 =	simm.s32 @p1 $0x0  }
0x142: {  	v11 =	vld @p1 [tilespmem:s0+$0x16000];
	_ =	sdelay $0x3  }
0x143: {  	vm10 =	vgt.s32 @p1 v10, $0x1E83FFF;
	v10 =	vadd.s32 @p1 $0x7E17C000, v10  }
0x144: {  	v10 =	vnsel @p1 vm10, $0xFFFFFFFF, v10;
	v11 =	vnsel @p1 vm10, $0x0, v11  }
0x145: {  	(xrf1) =	vsort.ascd.msk.u32 @p1 $0xffff, v10, v11;
	_ =	sdelay $0x4  }
0x146: {  	v10 =	vimm.s32 @p1 $0xEDCBA987  }
0x147: {  	v11 =	vimm.s32 @p1 $0x65432100;
	v10 =	vunpack.c.l.s4.s8 @p1 v10  }
0x148: {  	v11 =	vunpack.c.l.s4.s8 @p1 v11  }
0x149: {  	v10 =	vunpack.c.0.s8.s32 @p1 v10  }
0x14a: {  	v11 =	vunpack.c.0.s8.s32 @p1 v11  }
0x14b: {  	v10 =	vand.u32 @p1 $0xF, v10  }
0x14c: {  	v10 =	vcombine.low @p1 v11, v10;
	_ =	sdelay $0x2  }
0x14d: {  	v11, v12, _ =	vpop @p1 (xrf1)  }
0x14e: {  	v13 =	vxor.u32 @p1 $0x80000000, v11  }
0x14f: {  	s0 =	simm.s32 @p1 $0x1E800;
	[tilespmem:$0x1E800] =	vst @p1 v13  }
0x150: {  	v10 =	vld.idx.msk @p1 [tilespmem:v10+s0+$0x0], $0xffff;
	_ =	sdelay $0x2  }
0x151: {  	v14 =	vimm.s32 @p1 $0xFFEDCBA9  }
0x152: {  	v15 =	vimm.s32 @p1 $0x87654321;
	v16 =	vlaneseq.u32 @p1;
	v14 =	vunpack.c.l.s4.s8 @p1 v14  }
0x153: {  	v15 =	vunpack.c.l.s4.s8 @p1 v15;
	v16 =	vor.u32 @p1 $0x80000000, v16;
	vm10 =	veq.s32 @p1 v13, v10  }
0x154: {  	(xrf2) =	vadd.scan.msk.f32 @p1 $0xffff, v12;
	v10 =	vsel @p1 vm10, $0x80000000, v16  }
0x155: {  	v14 =	vunpack.c.0.s8.s32 @p1 v14;
	v15 =	vunpack.c.0.s8.s32 @p1 v15;
	(xrf0) =	vmax.scan.msk.u32 @p1 $0xffff, v10;
	_ =	sdelay $0x1  }
0x156: {  	v10 =	vcombine.low @p1 v15, v14;
	_ =	sdelay $0x1  }
0x157: {  	v10 =	vand.u32 @p1 $0xF, v10;
	_ =	sdelay $0x1  }
0x158: {  	v14, _, _ =	vpop @p1 (xrf0)  }
0x159: {  	v14 =	vxor.u32 @p1 $0x80000000, v14;
	_ =	sdelay $0x1  }
0x15a: {  	v15, _, _ =	vpop @p1 (xrf2);
	v10 =	vld.idx.msk @p1 [tilespmem:v10+s0+$0x0], $0xffff  }
0x15b: {  	[tilespmem:$0x1E880] =	vst @p1 v15  }
0x15c: {  	[tilespmem:$0x1E900] =	vst @p1 v12;
	s0 =	simm.s32 @p1 $0x1E880  }
0x15d: {  	s1 =	simm.s32 @p1 $0x1E900;
	v12 =	vld.idx.msk @p1 [tilespmem:v14+s0+$0x0], $0xffff  }
0x15e: {  	v14 =	vld.idx.msk @p1 [tilespmem:v14+s1+$0x0], $0xffff  }
0x15f: {  	vm11 =	vcmask @p1 $0x3F3C;
	vm10 =	vne.s32 @p1 v13, v10  }
0x160: {  	vm12 =	vne.s32 @p1 v11, $0xFFFFFFFF;
	vm10 =	vmor @p1 vm10, vm11  }
0x161: {  	vm10 =	vmand @p1 vm12, vm10  }
0x162: {  	v10 =	vnsel @p1 vm10, $0x0, v13  }
0x163: {  	v11 =	vsub.f32 @p1 v12, v14;
	_ =	sdelay $0x1  }
0x164: {  	s0 =	simm.s32 @p1 $0x1E000;
	v11 =	vsub.f32 @p1 v15, v11  }
.LBB2_16:
0x165: {  	s1 =	smov.u32 s23;
	s23 =	sadd.s32 $0x40, s23  }
0x166: {  	s2 =	sshra.s32 s1, $0x2;
	p2 =	sne.s32 s23, $0x10000;
	[tilespmem:v10+s0+$0x0] =	vst.idx.add.f32.msk @p1 vm10, v11  }
0x167: {  	v10 =	vld [tilespmem:s2+$0x12000];
	_ =	sdelay $0x4  }
0x168: {  	vm10 =	vgt.s32 v10, $0x1E83FFF  }
0x169: {  	v11 =	vsel vm10, $0x3F800000, v3  }
0x16a: {  	(xrf0) =	vmax.scan.msk.f32 $0xffff, v11;
	_ =	sdelay $0x5  }
0x16b: {  	v11, _, _ =	vpop (xrf0)  }
0x16c: {  	(v2sf) =	vpush v11, $0xF;
	_ =	sdelay $0xe  }
0x16d: {  	s0 =	spop (v2sf)  }
0x16e: {  	p1 =	sgt.f32 s0, $0.0e+00;
	_ =	sdelay $0x1  }
0x16f: {  	vm10 =	vgt.s32 @p1 v10, $0x1E83FFF;
	s0 =	sshra.s32 @p1 s1, $0x2;
	v10 =	vadd.s32 @p1 $0x7E17C000, v10;
	v11 =	vimm.s32 @p1 $0xEDCBA987  }
0x170: {  	v13 =	vimm.s32 @p1 $0x65432100;
	v12 =	vld @p1 [tilespmem:s0+$0x16000];
	v10 =	vnsel @p1 vm10, $0xFFFFFFFF, v10;
	v11 =	vunpack.c.l.s4.s8 @p1 v11  }
0x171: {  	v14 =	vimm.s32 @p1 $0xFFEDCBA9;
	v15 =	vimm.s32 @p1 $0x87654321;
	v13 =	vunpack.c.l.s4.s8 @p1 v13  }
0x172: {  	v14 =	vunpack.c.l.s4.s8 @p1 v14;
	v15 =	vunpack.c.l.s4.s8 @p1 v15;
	v11 =	vunpack.c.0.s8.s32 @p1 v11  }
0x173: {  	v16 =	vlaneseq.u32 @p1;
	v13 =	vunpack.c.0.s8.s32 @p1 v13  }
0x174: {  	v14 =	vunpack.c.0.s8.s32 @p1 v14;
	v15 =	vunpack.c.0.s8.s32 @p1 v15;
	v11 =	vand.u32 @p1 $0xF, v11  }
0x175: {  	v12 =	vnsel @p1 vm10, $0x0, v12;
	v11 =	vcombine.low @p1 v13, v11;
	v13 =	vor.u32 @p1 $0x80000000, v16  }
0x176: {  	v14 =	vcombine.low @p1 v15, v14;
	(xrf1) =	vsort.ascd.msk.u32 @p1 $0xffff, v10, v12;
	_ =	sdelay $0xd  }
0x177: {  	v10, v12, _ =	vpop @p1 (xrf1)  }
0x178: {  	v15 =	vxor.u32 @p1 $0x80000000, v10;
	vm10 =	vne.s32 @p1 v10, $0xFFFFFFFF;
	(xrf2) =	vadd.scan.msk.f32 @p1 $0xffff, v12  }
0x179: {  	s0 =	simm.s32 @p1 $0x1E800;
	[tilespmem:$0x1E800] =	vst @p1 v15  }
0x17a: {  	v10 =	vld.idx.msk @p1 [tilespmem:v11+s0+$0x0], $0xffff;
	_ =	sdelay $0x2  }
0x17b: {  	v11 =	vand.u32 @p1 $0xF, v14;
	_ =	sdelay $0x2  }
0x17c: {  	vm11 =	veq.s32 @p1 v15, v10  }
0x17d: {  	v10 =	vsel @p1 vm11, $0x80000000, v13  }
0x17e: {  	v11 =	vld.idx.msk @p1 [tilespmem:v11+s0+$0x0], $0xffff;
	v13, _, _ =	vpop @p1 (xrf2);
	(xrf0) =	vmax.scan.msk.u32 @p1 $0xffff, v10  }
0x17f: {  	[tilespmem:$0x1E880] =	vst @p1 v13  }
0x180: {  	[tilespmem:$0x1E900] =	vst @p1 v12;
	_ =	sdelay $0x3  }
0x181: {  	vm12 =	vcmask @p1 $0x3F3C;
	vm11 =	vne.s32 @p1 v15, v11;
	v10, _, _ =	vpop @p1 (xrf0)  }
0x182: {  	vm11 =	vmor @p1 vm11, vm12;
	v11 =	vxor.u32 @p1 $0x80000000, v10  }
0x183: {  	vm10 =	vmand @p1 vm10, vm11  }
0x184: {  	v10 =	vnsel @p1 vm10, $0x0, v15;
	_ =	sdelay $0x1  }
0x185: {  	s1 =	simm.s32 @p1 $0x1E900;
	s0 =	simm.s32 @p1 $0x1E880  }
0x186: {  	v12 =	vld.idx.msk @p1 [tilespmem:v11+s0+$0x0], $0xffff  }
0x187: {  	v11 =	vld.idx.msk @p1 [tilespmem:v11+s1+$0x0], $0xffff;
	_ =	sdelay $0x3  }
.Ltmp13:
0x188: {  	(pc) =	sbr.rel @p2 .LBB2_16-.Ltmp13, $3  }
0x189: {  	_ = 	snop  }
0x18a: {  	v11 =	vsub.f32 @p1 v12, v11;
	_ =	sdelay $0x1  }
0x18b: {  	s0 =	simm.s32 @p1 $0x1E000;
	v11 =	vsub.f32 @p1 v13, v11  }
0x18c: {  	_ =	sdelay $0x4  }
.Ltmp14:
0x18d: {  	s31 =	rddreg [dreg:$0x9];
	s1 =	simm.s32 $0x1E000;
	[tilespmem:v10+s0+$0x0] =	vst.idx.add.f32.msk @p1 vm10, v11;
	(pc) =	sbr.rel .LBB2_18-.Ltmp14, $4  }
0x18e: {  	[hbm4b:s31+s3] =	stream.linear.scatter [tilespmem:s1], [sflag:$0x1], $0x800, $0x38;
	[tilespmem:$0x1E980] =	vst v63  }
0x18f: {  	_ =	swait.ge [sflag:s5], $0x800  }
0x190: {  	[sflag:s5] =	ssyncset.done $0x0  }
0x191: {  	s1 =	rddreg [dreg:$0xc];
	[sflag:s5] =	ssyncadd.s32 $0xFFFFF800  }
.LBB2_19:
0x192: {  	_ =	sfence.sel $0x180000  }
0x193: {  	[bflag:$0x0] =	sbarrier.arrive $0xFFFF  }
0x194: {  	_ =	strace $0x9000004D  }
0x195: {  	s0 =	stileid.u32;
	[bflag:$0x2] =	sbarrier.arrive $0xFFFF  }
0x196: {  	p0 =	sne.s32 s0, $0x0;
	s0 =	rddreg [dreg:$0x3]  }
0x197: {  	s0 =	sadd.s32 @!p0 $0x100000, s0  }
0x198: {  	[sflag:s0] =	ssyncadd.tile.s32 @!p0 $0x1;
	_ =	shalt  }
.Lfunc_end2:
_tile_overlayer_lowered:
.L_overlay_start_2:
0x199: {  	(tag) =	ssettag $0x2  }
0x19a: {  	s0 =	rddreg [dreg:$0x0];
	s2 =	stileid.u32  }
0x19b: {  	s1 =	rddreg [dreg:$0x1];
	p0 =	sne.s32 s2, $0x0  }
0x19c: {  	s3 =	rddreg [dreg:$0x2];
	[bflag:$0x3] =	sbarrier.arrive $0xFFFF;
	s2 =	simm.s32 @!p0 $0x1C01  }
0x19d: {  	[timem:s3], [sflag:s2] =	dma.local @!p0 [hbm:s0], s1  }
0x19e: {  	s0 =	simm.s32 @!p0 $0x1  }
0x19f: {  	_ =	swait.ge @!p0 [sflag:s0], s1  }
0x1a0: {  	s1 =	ssub.s32 @!p0 $0x0, s1;
	[sflag:s0] =	ssyncset.done @!p0 $0x0  }
0x1a1: {  	[sflag:s0] =	ssyncadd.s32 @!p0 s1  }
0x1a2: {  	[bflag:$0x3] =	sbarrier.arrive $0xFFFF  }
0x1a3: {  	_ =	shalt  }

// kernel: kernel.5.cloned.1.call-start
scs
__scs_entry_jumppad:
0x0: {  	(pc) =	sbr.rel $0x88, $3  }
0x1: {  	(tag) =	ssettag $0x0;
	lr =	simm.s32 $0x1  }
0x2: {  	[smem:$0x3F9C] =	sst lr;
	_ =	strace $0xD0000000  }
0x3: {  	_ = 	snop  }
0x4: {  	_ = 	snop  }
0x5: {  	_ = 	snop  }
0x6: {  	_ = 	snop  }
0x7: {  	_ = 	snop  }
__scs_overlays_trampoline_lowered:
0x8: {  	[smem:$0x3FAB] =	sst s0  }
0x9: {  	[smem:$0x3FAC] =	sst s1  }
0xa: {  	[smem:$0x3FAD] =	sst s2  }
0xb: {  	[smem:$0x3FAE] =	sst s3  }
0xc: {  	[smem:$0x3FAF] =	sst s4  }
0xd: {  	[smem:$0x3FB0] =	sst s5  }
0xe: {  	[smem:$0x3FB1] =	sst s6  }
0xf: {  	[smem:$0x3FB2] =	sst s7  }
0x10: {  	[smem:$0x3FB3] =	sst s8  }
0x11: {  	[smem:$0x3FB4] =	sst s9;
	s0 =	simm.s32 @!p0 $0x0  }
0x12: {  	s1 =	sld [smem:$0x3F9A];
	s0 =	simm.s32 @p0 $0x1  }
0x13: {  	[smem:$0x3FB5] =	sst s0;
	s0 =	simm.s32 @!p1 $0x0  }
0x14: {  	s2 =	sld [smem:$0x3F99];
	s0 =	simm.s32 @p1 $0x1  }
0x15: {  	[smem:$0x3FB6] =	sst s0;
	s0 =	simm.s32 @!p2 $0x0  }
0x16: {  	s3 =	sld [smem:$0x3FDB];
	s0 =	simm.s32 @p2 $0x1  }
0x17: {  	s4 =	simm.s32 $0x1BF5;
	[smem:$0x3FB8] =	sst s0  }
0x18: {  	s0 =	sld [smem:$0x3F9B];
	_ =	swait.ge [sflag:s4], $0x0  }
0x19: {  	s7 =	sld [smem:$0x3F9C]  }
0x1a: {  	s8 =	sadd.s32 $0xFFFFE003, lr  }
0x1b: {  	s9 =	sadd.s32 $0xFFFFFEF7, lr;
	s5 =	simm.s32 $0xFFFFFFFF;
	p2 =	slt.u32 s8, $0xFFFFF086  }
0x1c: {  	p1 =	slt.u32 s9, $0xF7A;
	s5 =	simm.s32 @!p2 $0x0  }
0x1d: {  	s5 =	simm.s32 @p1 $0x1;
	p0 =	seq.s32 s7, s2  }
0x1e: {  	s7 =	smul.u32 @!p0 $0xF7A, s2;
	p2 =	seq.s32 @!p0 s5, $0x0  }
0x1f: {  	s9 =	smul.u32 $0xF7A, s1;
	s8 =	simm.s32 @!p0 $0x1BF5;
	p2 =	por !p2, p0  }
0x20: {  	[sflag:s8] =	ssyncset.s32 @!p0 $0xFFFFF086;
	s6 =	sadd.s32 @!p0 s3, s7;
	s7 =	simm.s32 @!p0 $0x108  }
0x21: {  	s3 =	sadd.s32 s3, s9;
	s6 =	sadd.s32 @!p0 $0x88, s6;
	s7 =	simm.s32 @p2 $0x1082  }
0x22: {  	[simem:s7], [sflag:s8] =	dma.local @!p0 [hbm:s6], $0xF7A  }
0x23: {  	s9 =	sor.u32 $0xD0000000, s2;
	s6 =	simm.s32 $0x108;
	_ =	swait.ge @!p0 [sflag:s8], $0x0  }
0x24: {  	s3 =	sadd.s32 $0x88, s3;
	s6 =	simm.s32 @!p1 $0x1082;
	[sflag:s4] =	ssyncset.s32 $0xFFFFF086  }
0x25: {  	[simem:s6], [sflag:s4] =	dma.local [hbm:s3], $0xF7A  }
0x26: {  	[smem:$0x3F9C] =	sst s1;
	(tag) =	ssettag s2;
	_ =	strace s9  }
0x27: {  	s1 =	sld [smem:$0x3FAC]  }
0x28: {  	s2 =	sld [smem:$0x3FAD]  }
0x29: {  	s4 =	sld [smem:$0x3FAF]  }
0x2a: {  	p0 =	seq.s32 s5, $0x0;
	s5 =	sld [smem:$0x3FB0]  }
0x2b: {  	s6 =	sld [smem:$0x3FB1]  }
0x2c: {  	s7 =	sld [smem:$0x3FB2]  }
0x2d: {  	s3 =	simm.s32 $0x108;
	s8 =	sld [smem:$0x3FB3]  }
0x2e: {  	s3 =	simm.s32 @!p0 $0x1082;
	s9 =	sld [smem:$0x3FB4]  }
0x2f: {  	lr =	sadd.s32 s0, s3;
	s0 =	sld [smem:$0x3FAB]  }
0x30: {  	s3 =	sld [smem:$0x3FAE]  }
0x31: {  	[smem:$0x3FB7] =	sst s10  }
0x32: {  	s10 =	sld [smem:$0x3FB5];
	_ =	sdelay $0x3  }
0x33: {  	p0 =	seq.s32 s10, $0x1;
	s10 =	sld [smem:$0x3FB7];
	_ =	sdelay $0x3  }
0x34: {  	[smem:$0x3FB7] =	sst s10  }
0x35: {  	s10 =	sld [smem:$0x3FB6];
	_ =	sdelay $0x3  }
0x36: {  	p1 =	seq.s32 s10, $0x1;
	s10 =	sld [smem:$0x3FB7];
	_ =	sdelay $0x3  }
0x37: {  	[smem:$0x3FB7] =	sst s10  }
0x38: {  	s10 =	sld [smem:$0x3FB8]  }
0x39: {  	_ = 	snop;
	(pc) =	sbr.ind lr, $3  }
0x3a: {  	_ = 	snop  }
0x3b: {  	_ = 	snop  }
0x3c: {  	p2 =	seq.s32 s10, $0x1;
	s10 =	sld [smem:$0x3FB7]  }
0x3d: {  	_ =	shalt  }
0x3e: {  	_ =	shalt  }
0x3f: {  	_ =	shalt  }
0x40: {  	_ =	shalt  }
0x41: {  	_ =	shalt  }
0x42: {  	_ =	shalt  }
0x43: {  	_ =	shalt  }
0x44: {  	_ =	shalt  }
0x45: {  	_ =	shalt  }
0x46: {  	_ =	shalt  }
0x47: {  	_ =	shalt  }
0x48: {  	_ =	shalt  }
0x49: {  	_ =	shalt  }
0x4a: {  	_ =	shalt  }
0x4b: {  	_ =	shalt  }
0x4c: {  	_ =	shalt  }
0x4d: {  	_ =	shalt  }
0x4e: {  	_ =	shalt  }
0x4f: {  	_ =	shalt  }
0x50: {  	_ =	shalt  }
0x51: {  	_ =	shalt  }
0x52: {  	_ =	shalt  }
0x53: {  	_ =	shalt  }
0x54: {  	_ =	shalt  }
0x55: {  	_ =	shalt  }
0x56: {  	_ =	shalt  }
0x57: {  	_ =	shalt  }
0x58: {  	_ =	shalt  }
0x59: {  	_ =	shalt  }
0x5a: {  	_ =	shalt  }
0x5b: {  	_ =	shalt  }
0x5c: {  	_ =	shalt  }
0x5d: {  	_ =	shalt  }
0x5e: {  	_ =	shalt  }
0x5f: {  	_ =	shalt  }
0x60: {  	_ =	shalt  }
0x61: {  	_ =	shalt  }
0x62: {  	_ =	shalt  }
0x63: {  	_ =	shalt  }
0x64: {  	_ =	shalt  }
0x65: {  	_ =	shalt  }
0x66: {  	_ =	shalt  }
0x67: {  	_ =	shalt  }
0x68: {  	_ =	shalt  }
0x69: {  	_ =	shalt  }
0x6a: {  	_ =	shalt  }
0x6b: {  	_ =	shalt  }
0x6c: {  	_ =	shalt  }
0x6d: {  	_ =	shalt  }
0x6e: {  	_ =	shalt  }
0x6f: {  	_ =	shalt  }
0x70: {  	_ =	shalt  }
0x71: {  	_ =	shalt  }
0x72: {  	_ =	shalt  }
0x73: {  	_ =	shalt  }
0x74: {  	_ =	shalt  }
0x75: {  	_ =	shalt  }
0x76: {  	_ =	shalt  }
0x77: {  	_ =	shalt  }
0x78: {  	_ =	shalt  }
0x79: {  	_ =	shalt  }
0x7a: {  	_ =	shalt  }
0x7b: {  	_ =	shalt  }
0x7c: {  	_ =	shalt  }
0x7d: {  	_ =	shalt  }
0x7e: {  	_ =	shalt  }
0x7f: {  	_ =	shalt  }
0x80: {  	_ =	shalt  }
0x81: {  	_ =	shalt  }
0x82: {  	_ =	shalt  }
0x83: {  	_ =	shalt  }
0x84: {  	_ =	shalt  }
0x85: {  	_ =	shalt  }
0x86: {  	_ =	shalt  }
0x87: {  	_ =	shalt  }
.Lfunc_end0:
.L_simem_size_0:
called_computation_lowered:
.L_overlay_start_0:
0x88: {  	s2 =	sld [smem:$0x3FD9]  }
0x89: {  	s3 =	sld [smem:$0x3FFE];
	_ =	sdelay $0x1  }
0x8a: {  	s1 =	srdreg.scid  }
0x8b: {  	s0 =	sand.u32 $0x1, s1  }
0x8c: {  	s17 =	sshll.u32 s0, $0xA;
	s2 =	sadd.s32 s3, s2  }
0x8d: {  	s2 =	sadd.s32 s2, s17  }
0x8e: {  	[smem:$0x3FC3] =	sst s2  }
0x8f: {  	_ = 	snop  }
0x90: {  	s2 =	sld [smem:$0x3FC6]  }
0x91: {  	s18 =	sld [smem:$0x3FC5]  }
0x92: {  	s4 =	sld [smem:$0x3FD0];
	(tm) =	ssettm $0x1  }
0x93: {  	s5 =	sld [smem:$0x3FFB];
	_ =	sdelay $0x3  }
0x94: {  	_ =	strace s5  }
0x95: {  	s5 =	sld [smem:$0x3FFC];
	_ =	sdelay $0x3  }
0x96: {  	_ =	strace s5  }
0x97: {  	s5 =	sld [smem:$0x3FFD];
	_ =	sdelay $0x3  }
0x98: {  	_ =	strace s5  }
0x99: {  	_ =	strace $0x8FFFFFFF  }
0x9a: {  	s19 =	sld [smem:$0x3FDB];
	_ =	sdelay $0x1  }
0x9b: {  	s6 =	simm.s32 $_scs_section_size  }
0x9c: {  	s7 =	simm.s32 $_size__tile_overlayer_lowered;
	s8 =	simm.s32 $_tile_overlayer_lowered  }
0x9d: {  	s22 =	simm.s32 $0x1BFF;
	s21 =	sshll.u32 s8, $0x1;
	s5 =	sadd.s32 s6, s19  }
0x9e: {  	s9 =	simm.s32 $0x0;
	s20 =	sshll.u32 s7, $0x1;
	s7 =	sadd.s32 s21, s5  }
0x9f: {  	[timem:s9], [sflag:s22] =	dma.local [hbm:s7], s20  }
0xa0: {  	_ =	swait.ge [sflag:s22], s20  }
0xa1: {  	s6 =	ssub.s32 $0x0, s20;
	[sflag:s22] =	ssyncset.done $0x0  }
0xa2: {  	[sflag:s22] =	ssyncadd.s32 s6;
	_ =	sdelay $0x1  }
0xa3: {  	s23 =	simm.s32 $0x1B8B  }
0xa4: {  	_ =	swait.ge [sflag:s23], $0x1  }
0xa5: {  	[sflag:s23] =	ssyncset.done $0x0  }
0xa6: {  	s25 =	simm.s32 $0x1B8E;
	s24 =	sld [smem:$0x3FFE];
	[sflag:s23] =	ssyncadd.s32 $0xFFFFFFFF  }
0xa7: {  	s26 =	simm.s32 $execute0_lowered;
	[smem:$0x3FD2] =	sst s25  }
0xa8: {  	s7 =	sshll.u32 s26, $0x1;
	_ =	strace $0x80000046;
	[dreg:$0x1] =	wrdreg $0xFFFFFFFF  }
0xa9: {  	s28 =	simm.s32 $_size_execute0_lowered;
	s5 =	sadd.s32 s5, s7;
	[dreg:$0x0] =	wrdreg $0x0  }
0xaa: {  	s7 =	sshll.u32 s28, $0x1;
	[dreg:$0x2] =	wrdreg s5  }
0xab: {  	[dreg:$0x3] =	wrdreg s7  }
0xac: {  	[dreg:$0x4] =	wrdreg $0xC0  }
0xad: {  	_ =	task [dreg:s9], $0x5FFFF  }
0xae: {  	[dreg:$0x1] =	wrdreg $0xFFFFFFFF  }
0xaf: {  	[dreg:$0x0] =	wrdreg $0x60  }
0xb0: {  	[dreg:$0x2] =	wrdreg s2  }
0xb1: {  	[dreg:$0x3] =	wrdreg s24  }
0xb2: {  	[dreg:$0x4] =	wrdreg s18  }
0xb3: {  	[dreg:$0x5] =	wrdreg s4  }
0xb4: {  	[dreg:$0x6] =	wrdreg $0x0  }
0xb5: {  	[dreg:$0x7] =	wrdreg $0x9  }
0xb6: {  	_ =	task.clear_ibuf [dreg:s9], $0x8FFFF;
	_ =	strace $0x90000046  }
0xb7: {  	s29 =	simm.s32 $0x9;
	_ =	strace $0x80000048  }
0xb8: {  	_ =	swait.ge [sflag:s29], $0x1  }
0xb9: {  	[sflag:s29] =	ssyncadd.s32 $0xFFFFFFFF  }
0xba: {  	_ =	strace $0x90000048  }
0xbb: {  	_ =	sfence  }
0xbc: {  	s30 =	sld [smem:$0x0];
	_ =	sdelay $0x2  }
0xbd: {  	s31 =	sshll.u32 s1, $0xD;
	s1 =	sshrl.u32 s1, $0x2  }
0xbe: {  	s3 =	sand.u32 $0x4000, s31;
	s1 =	sadd.s32 s1, s30  }
0xbf: {  	s0 =	sor.u32 s3, s0;
	s1 =	sshll.u32 s1, $0x11  }
0xc0: {  	s0 =	sor.u32 s1, s0  }
0xc1: {  	s0 =	sadd.s32 $0x8F2B, s0  }
0xc2: {  	[sflag:s0] =	ssyncadd.remote.s32 $0x1  }
0xc3: {  	_ =	sfence.sel $0xFFFF  }
0xc4: {  	[dreg:$0x0] =	wrdreg $0xFFFFFFFF;
	(pc) =	sbr.abs _section_cstart, $3  }
0xc5: {  	[dreg:$0x1] =	wrdreg $0xFFFFFFFF  }
0xc6: {  	_ =	task.clear_ibuf [dreg:s9], $0x2FFFF;
	_ =	strace $0x9FFFFFFF  }
0xc7: {  	(tm) =	ssettm $0x7FFFFFFF  }
tec
execute0_lowered:
.L_overlay_start_1:
0x0: {  	(tag) =	ssettag $0x1  }
0x1: {  	s0 =	rddreg [dreg:$0x0]  }
0x2: {  	s3 =	rddreg [dreg:$0x1]  }
0x3: {  	s2 =	rddreg [dreg:$0x2]  }
0x4: {  	s11 =	rddreg [dreg:$0x3]  }
0x5: {  	s5 =	srdreg.scid;
	s1 =	stileid.u32  }
0x6: {  	s4 =	rddreg [dreg:$0x4];
	s13 =	simm.s32 $0x2;
	s14 =	simm.s32 $0x1F000  }
0x7: {  	s15 =	simm.s32 $0x5800;
	s16 =	simm.s32 $0x7A1400;
	s17 =	simm.s32 $0x400  }
0x8: {  	s18 =	simm.s32 $0x16400;
	s22 =	simm.s32 $0x1F480;
	s23 =	simm.s32 $0x0  }
0x9: {  	s9 =	sand.u32 $0x1, s5;
	s6 =	sshll.u32 s1, $0x1;
	s5 =	simm.s32 $0x0  }
0xa: {  	s10 =	sshll.u32 s1, $0xA;
	s19 =	sor.u32 s9, s6;
	[smem:$0x7FF] =	sst s5  }
0xb: {  	s7 =	ssub.s32 $0x2, s9;
	s6 =	sadd.s32 $0x1400, s3;
	s9 =	sshll.u32 s9, $0xE  }
0xc: {  	s8 =	smul.u32 $0x1E84, s19;
	_ =	strace $0x80000047;
	s30 =	sshrl.u32 s7, $0x1  }
0xd: {  	s12 =	sor.u32 s10, s9;
	s9 =	sadd.s32 s10, s4;
	p0 =	sne.s32 s19, $0x0  }
.Ltmp0:
0xe: {  	s19 =	simm.s32 $0x1E800;
	s3 =	ssub.s32 s7, s30;
	(pc) =	sbr.rel .LBB2_1-.Ltmp0, $4  }
0xf: {  	s12 =	sshrl.u32 s12, $0x3;
	s7 =	sshrl.u32 s8, $0x5;
	s8 =	sadd.s32 $0x1E84, s8  }
0x10: {  	s11 =	sadd.s32 s11, s12;
	s12 =	smax.u32 s3, $0x1;
	s8 =	sshrl.u32 s8, $0x5  }
0x11: {  	v2 =	vlaneseq.u32;
	v3 =	vimm.f32 $0.0e+00;
	s20 =	sshll.u32 s7, $0x7;
	s21 =	sshll.u32 s8, $0x7;
	s31 =	ssub.s32 s8, s7  }
0x12: {  	v4 =	vimm.s32 $0x0;
	v0 =	vmov s20;
	s20 =	simm.s32 $0x10;
	s10 =	sadd.s32 $0xFFFFFFEA, s31;
	v1 =	vmov s21;
	s21 =	simm.s32 $0x1F400  }
.LBB2_13:
.Ltmp1:
0x13: {  	(pc) =	sbr.rel @!p0 .LBB2_14-.Ltmp1, $1  }
0x14: {  	_ =	sdelay $0x3  }
.LBB2_18:
0x15: {  	s23 =	sadd.s32 $0x1, s23  }
0x16: {  	s3 =	sshll.u32 s1, $0x6;
	[bflag:$0x0] =	sbarrier.arrive $0xFFFF;
	p1 =	sne.s32 s23, s12  }
.Ltmp2:
0x17: {  	s24 =	sshrl.u32 s9, $0x3;
	s3 =	sor.u32 $0x1C02, s3;
	(pc) =	sbr.rel @!p1 .LBB2_19-.Ltmp2, $4  }
0x18: {  	[hbm:s11], [sflag:s3] =	dma.local [spmem:s24], $0x80  }
0x19: {  	_ =	swait.ge [sflag:s13], $0x80  }
0x1a: {  	[sflag:s13] =	ssyncset.done $0x0  }
0x1b: {  	[sflag:s13] =	ssyncadd.s32 $0xFFFFFF80  }
.LBB2_1:
0x1c: {  	[tilespmem:s18], [sflag:$0x2] =	stream.linear.gather [hbm4b:s0+s5], $0x4000, $0x38;
	[tilespmem:$0x1F500] =	vst v63  }
0x1d: {  	_ =	swait.ge [sflag:s13], $0x4000  }
0x1e: {  	[sflag:s13] =	ssyncset.done $0x0  }
0x1f: {  	[sflag:s13] =	ssyncadd.s32 $0xFFFFC000  }
0x20: {  	v5 =	vld [tilespmem:s18+$0x0];
	_ =	sdelay $0x4  }
0x21: {  	vm0 =	vge.s32 v5, v0;
	vm1 =	vlt.s32 v5, v1  }
0x22: {  	vm0 =	vmand vm0, vm1  }
0x23: {  	v5 =	vmpcnt.ones.xlane vm0;
	_ =	sdelay $0x1  }
0x24: {  	v5 =	vxor.u32 $0x80000000, v5  }
0x25: {  	(xrf0) =	vmax.scan.msk.u32 $0xffff, v5;
	_ =	sdelay $0x5  }
0x26: {  	v5 =	vor.u32 s5, v2;
	v6, _, _ =	vpop (xrf0)  }
0x27: {  	s25 =	simm.s32 $0x16410;
	[tilespmem:s5+$0x1A400] =	vst.msk vm0, v5;
	(v2sf) =	vpush v6, $0xF  }
0x28: {  	s3 =	simm.s32 $0x10;
	s26 =	simm.s32 $0x20;
	s24 =	simm.s32 $0x0;
	v5 =	vld [tilespmem:s25+$0x0]  }
.LBB2_2:
0x29: {  	p1 =	sne.s32 s26, $0x3FF0;
	_ =	sdelay $0x3  }
0x2a: {  	vm0 =	vge.s32 v5, v0;
	vm1 =	vlt.s32 v5, v1  }
0x2b: {  	vm0 =	vmand vm0, vm1  }
0x2c: {  	v5 =	vmpcnt.ones.xlane vm0;
	_ =	sdelay $0x1  }
0x2d: {  	v5 =	vxor.u32 $0x80000000, v5  }
0x2e: {  	(xrf0) =	vmax.scan.msk.u32 $0xffff, v5;
	_ =	sdelay $0x3  }
.Ltmp3:
0x2f: {  	s28 =	spop (v2sf);
	(pc) =	sbr.rel @p1 .LBB2_2-.Ltmp3, $4  }
0x30: {  	s24 =	sadd.s32 s28, s24  }
0x31: {  	v5 =	vor.u32 s3, v2;
	s3 =	smov.u32 s26;
	v6, _, _ =	vpop (xrf0);
	s24 =	sadd.s32 $0x80000000, s24  }
0x32: {  	s25 =	sadd.s32 $0x10, s25;
	[tilespmem:s24+$0x1A400] =	vst.msk vm0, v5;
	(v2sf) =	vpush v6, $0xF  }
0x33: {  	s26 =	sadd.s32 $0x10, s26;
	v5 =	vld [tilespmem:s25+$0x0]  }
0x34: {  	_ =	sdelay $0x3  }
0x35: {  	vm0 =	vge.s32 v5, v0;
	vm1 =	vlt.s32 v5, v1  }
0x36: {  	vm0 =	vmand vm0, vm1  }
0x37: {  	v5 =	vmpcnt.ones.xlane vm0;
	_ =	sdelay $0x1  }
0x38: {  	v5 =	vxor.u32 $0x80000000, v5  }
0x39: {  	(xrf0) =	vmax.scan.msk.u32 $0xffff, v5;
	_ =	sdelay $0x5  }
0x3a: {  	v5, _, _ =	vpop (xrf0)  }
0x3b: {  	(v2sf) =	vpush v5, $0xF;
	_ =	sdelay $0xc  }
0x3c: {  	s25 =	spop (v2sf)  }
0x3d: {  	s24 =	sadd.s32 s25, s24  }
0x3e: {  	s24 =	sadd.s32 $0x80000000, s24;
	s30 =	spop (v2sf)  }
0x3f: {  	v5 =	vor.u32 s3, v2;
	s31 =	sadd.s32 s30, s24  }
0x40: {  	s25 =	simm.s32 $0x0;
	[tilespmem:s24+$0x1A400] =	vst.msk vm0, v5;
	s24 =	simm.s32 $0x40;
	s3 =	sadd.s32 $0x80000000, s31  }
.LBB2_4:
0x41: {  	p1 =	sne.s32 s24, $0xFC0;
	[tilespmem:s25+$0x1F000] =	vst v3;
	s25 =	smov.u32 s24;
	s24 =	sadd.s32 $0x40, s24  }
.Ltmp4:
0x42: {  	(pc) =	sbr.rel @p1 .LBB2_4-.Ltmp4, $2  }
0x43: {  	_ =	sdelay $0x2  }
0x44: {  	s25 =	sshra.s32 s25, $0x2  }
0x45: {  	[tilespmem:s25+$0x1F000] =	vst v3;
	s24 =	sadd.s32 $0x1FF, s3  }
0x46: {  	[spmem:s9] =	stream.linear.scatter [tilespmem:s14], [sflag:$0x2], $0x400, $0x38;
	[tilespmem:$0x1F500] =	vst v63  }
0x47: {  	s30 =	sand.u32 $0x1FF, s24  }
0x48: {  	s31 =	sshra.s32 s24, $0x1F;
	p2 =	slt.s32 s24, $0x1;
	p1 =	sne.s32 s30, $0x0  }
0x49: {  	s25 =	sshrl.u32 s31, $0x17;
	_ =	swait.ge [sflag:s13], $0x400;
	p1 =	por !p2, !p1  }
0x4a: {  	s24 =	sadd.s32 s25, s24;
	s25 =	simm.s32 $0x1;
	p1 =	por !p1, !p1  }
.Ltmp5:
0x4b: {  	s24 =	sshra.s32 s24, $0x9;
	s25 =	simm.s32 @!p1 $0x0;
	(pc) =	sbr.rel .LBB2_7-.Ltmp5, $4  }
0x4c: {  	[sflag:s13] =	ssyncset.done $0x0;
	s26 =	ssub.s32 s24, s25  }
0x4d: {  	[sflag:s13] =	ssyncadd.s32 $0xFFFFFC00;
	s24 =	sshll.u32 s26, $0x5  }
0x4e: {  	[bflag:$0x0] =	sbarrier.arrive $0xFFFF;
	p1 =	sgt.s32 s24, $0x1  }
0x4f: {  	v5 =	vmov s3;
	s25 =	simm.s32 $0x0;
	s24 =	simm.s32 @!p1 $0x1;
	p1 =	slt.s32 s26, $0x1  }
.LBB2_6:
0x50: {  	p2 =	seq.s32 s25, $0xC  }
.Ltmp6:
0x51: {  	_ = 	snop;
	(pc) =	sbr.rel @p2 .LBB2_13-.Ltmp6, $1  }
0x52: {  	_ =	sdelay $0x3  }
.LBB2_7:
0x53: {  	s3 =	smov.u32 s25;
	s25 =	smul.u32 $0x16, s25;
	_ =	sdelay $0x1  }
0x54: {  	s26 =	smov.u32 s10;
	p2 =	slt.s32 s25, s10  }
0x55: {  	s26 =	smov.u32 @p2 s25  }
0x56: {  	s25 =	sadd.s32 s7, s26  }
0x57: {  	s26 =	sshll.u32 s25, $0x7  }
0x58: {  	s25 =	sand.u32 $0x1FFFFF80, s26  }
.Ltmp7:
0x59: {  	s25 =	sadd.s32 s2, s25;
	(pc) =	sbr.rel @p1 .LBB2_6-.Ltmp7, $4  }
0x5a: {  	[tilespmem:s17], [sflag:$0x2] =	stream.strided.gather [hbm4b:s25+s15], $0x16000, s16, s15, $0x38;
	[tilespmem:$0x1F500] =	vst v63  }
0x5b: {  	_ =	swait.ge [sflag:s13], $0x16000  }
0x5c: {  	[sflag:s13] =	ssyncset.done $0x0  }
0x5d: {  	s25 =	sadd.s32 $0x1, s3;
	[sflag:s13] =	ssyncadd.s32 $0xFFFEA000  }
0x5e: {  	s28 =	smul.u32 $0x16, s25;
	_ =	sdelay $0x1  }
0x5f: {  	s29 =	smov.u32 s10;
	p2 =	slt.s32 s28, s10  }
.Ltmp8:
0x60: {  	s29 =	smov.u32 @p2 s28;
	(pc) =	sbr.rel .LBB2_9-.Ltmp8, $4  }
0x61: {  	p2 =	seq.s32 s3, $0xB;
	s3 =	sadd.s32 s7, s29  }
0x62: {  	s3 =	smov.u32 @p2 s8  }
0x63: {  	s3 =	sshll.u32 s3, $0x7  }
0x64: {  	v6 =	vmov s26;
	s26 =	simm.s32 $0x0;
	s28 =	simm.s32 $0x1A400;
	s29 =	simm.s32 $0x0;
	v7 =	vmov s3  }
.LBB2_11:
0x65: {  	s3 =	sshll.u32 s3, $0x7  }
0x66: {  	s3 =	sor.u32 s31, s3  }
0x67: {  	v8 =	vimm.f32 $0.0e+00;
	[tilespmem:s3+$0x1E400] =	vst v4  }
.LBB2_12:
0x68: {  	p2 =	sne.s32 s30, $0x1F  }
0x69: {  	[tilespmem:s3+$0x1E600] =	vst v8;
	s3 =	simm.s32 @!p2 $0x80;
	s30 =	simm.s32 @!p2 $0x1E400;
	s31 =	simm.s32 @!p2 $0x1E600  }
0x6a: {  	[spmem:s4] =	stream.indirect.scatter.add.f32 @!p2 [tilespmem:s31], [sflag:$0x1], $0x1, s30, s3, $0xb8;
	[tilespmem:$0x1F500] =	vst v63  }
0x6b: {  	s30 =	simm.s32 @!p2 $0x1E480;
	s31 =	simm.s32 @!p2 $0x1E680  }
0x6c: {  	[spmem:s4] =	stream.indirect.scatter.add.f32 @!p2 [tilespmem:s31], [sflag:$0x1], $0x1, s30, s3, $0xb8;
	[tilespmem:$0x1F500] =	vst v63  }
0x6d: {  	s30 =	simm.s32 @!p2 $0x1E500;
	s31 =	simm.s32 @!p2 $0x1E700  }
0x6e: {  	[spmem:s4] =	stream.indirect.scatter.add.f32 @!p2 [tilespmem:s31], [sflag:$0x1], $0x1, s30, s3, $0xb8;
	[tilespmem:$0x1F500] =	vst v63  }
0x6f: {  	s30 =	simm.s32 @!p2 $0x1E580;
	s31 =	simm.s32 @!p2 $0x1E780  }
0x70: {  	[spmem:s4] =	stream.indirect.scatter.add.f32 @!p2 [tilespmem:s31], [sflag:$0x1], $0x1, s30, s3, $0xb8;
	[tilespmem:$0x1F500] =	vst v63  }
0x71: {  	s3 =	simm.s32 @!p2 $0x1  }
0x72: {  	_ =	swait.ge @!p2 [sflag:s3], $0x80  }
0x73: {  	[sflag:s3] =	ssyncset.done @!p2 $0x0  }
0x74: {  	[sflag:s3] =	ssyncadd.s32 @!p2 $0xFFFFFF80  }
0x75: {  	_ =	swait.ge @!p2 [sflag:s3], $0x80  }
0x76: {  	[sflag:s3] =	ssyncset.done @!p2 $0x0  }
0x77: {  	s29 =	sadd.s32 $0x1, s29;
	[sflag:s3] =	ssyncadd.s32 @!p2 $0xFFFFFF80  }
0x78: {  	p3 =	seq.s32 s24, s29;
	_ =	swait.ge @!p2 [sflag:s3], $0x80  }
.Ltmp9:
0x79: {  	[sflag:s3] =	ssyncset.done @!p2 $0x0;
	(pc) =	sbr.rel @p3 .LBB2_6-.Ltmp9, $4  }
0x7a: {  	[sflag:s3] =	ssyncadd.s32 @!p2 $0xFFFFFF80  }
0x7b: {  	_ =	swait.ge @!p2 [sflag:s3], $0x80  }
0x7c: {  	[sflag:s3] =	ssyncset.done @!p2 $0x0  }
0x7d: {  	s26 =	sadd.s32 $0x10, s26;
	s28 =	sadd.s32 $0x10, s28;
	[sflag:s3] =	ssyncadd.s32 @!p2 $0xFFFFFF80  }
.LBB2_9:
0x7e: {  	v8 =	vld [tilespmem:s28+$0x0];
	_ =	sdelay $0x2  }
0x7f: {  	v9 =	vor.u32 s26, v2  }
0x80: {  	vm0 =	vlt.s32 v9, v5  }
0x81: {  	v9 =	vnsel vm0, $0x0, v8;
	_ =	sdelay $0x4  }
0x82: {  	v9 =	vld.idx.msk [tilespmem:v9+s18+$0x0], $0xffff;
	_ =	sdelay $0x4  }
0x83: {  	vm1 =	vlt.s32 v9, v7  }
0x84: {  	vm2 =	vge.s32 v9, v6;
	vm0 =	vmand vm1, vm0  }
0x85: {  	vm0 =	vmand vm0, vm2  }
0x86: {  	v10 =	vsel vm0, $0x3F800000, v3  }
0x87: {  	(xrf0) =	vmax.scan.msk.f32 $0xffff, v10;
	_ =	sdelay $0x5  }
0x88: {  	v10, _, _ =	vpop (xrf0)  }
0x89: {  	(v2sf) =	vpush v10, $0xF;
	_ =	sdelay $0xe  }
0x8a: {  	s3 =	spop (v2sf)  }
0x8b: {  	p2 =	sgt.f32 s3, $0.0e+00  }
.Ltmp10:
0x8c: {  	_ = 	snop;
	(pc) =	sbr.rel @!p2 .LBB2_11-.Ltmp10, $3  }
0x8d: {  	_ =	sdelay $0x1  }
0x8e: {  	s30 =	sand.u32 $0x1F, s29  }
0x8f: {  	s31 =	sand.u32 $0x70, s26;
	s3 =	sshrl.u32 s30, $0x3  }
0x90: {  	v9 =	vsub.s32 v9, v6  }
0x91: {  	v9 =	vnsel vm0, $0x0, v9  }
0x92: {  	v10 =	vshll.u32 v9, $0x3  }
0x93: {  	v9 =	vand.u32 $0x7F, v9;
	v10 =	vand.u32 $0xFFFFFC00, v10  }
0x94: {  	v9 =	vor.u32 v9, v10  }
0x95: {  	v10 =	vor.u32 $0x80, v9  }
0x96: {  	v11 =	vor.u32 $0x100, v9  }
0x97: {  	v12 =	vor.u32 $0x180, v9  }
0x98: {  	v13 =	vor.u32 $0x200, v9  }
0x99: {  	v15 =	vor.u32 $0x280, v9;
	v14 =	vld.idx.msk [tilespmem:v9+s17+$0x0], $0xffff  }
0x9a: {  	v16 =	vor.u32 $0x300, v9;
	v10 =	vld.idx.msk [tilespmem:v10+s17+$0x0], $0xffff  }
0x9b: {  	v17 =	vor.u32 $0x380, v9;
	v11 =	vld.idx.msk [tilespmem:v11+s17+$0x0], $0xffff  }
0x9c: {  	v18 =	vadd.s32 $0x5800, v9;
	v12 =	vld.idx.msk [tilespmem:v12+s17+$0x0], $0xffff  }
0x9d: {  	v19 =	vadd.s32 $0x5880, v9;
	v13 =	vld.idx.msk [tilespmem:v13+s17+$0x0], $0xffff  }
0x9e: {  	v20 =	vadd.s32 $0x5900, v9;
	v15 =	vld.idx.msk [tilespmem:v15+s17+$0x0], $0xffff  }
0x9f: {  	v25 =	vadd.s32 $0x5980, v9;
	v24 =	vld.idx.msk [tilespmem:v16+s17+$0x0], $0xffff;
	v10 =	vmax.f32 v14, v10  }
0xa0: {  	v26 =	vadd.s32 $0x5A00, v9;
	v10 =	vmax.f32 v10, v11;
	v11 =	vld.idx.msk [tilespmem:v17+s17+$0x0], $0xffff  }
0xa1: {  	v28 =	vadd.s32 $0x5A80, v9;
	v27 =	vld.idx.msk [tilespmem:v18+s17+$0x0], $0xffff;
	v10 =	vmax.f32 v10, v12  }
0xa2: {  	v30 =	vadd.s32 $0x5B00, v9;
	v29 =	vld.idx.msk [tilespmem:v19+s17+$0x0], $0xffff;
	v10 =	vmax.f32 v10, v13  }
0xa3: {  	v32 =	vadd.s32 $0x5B80, v9;
	v31 =	vld.idx.msk [tilespmem:v20+s17+$0x0], $0xffff;
	v10 =	vmax.f32 v10, v15  }
0xa4: {  	v34 =	vadd.s32 $0xB000, v9;
	v33 =	vld.idx.msk [tilespmem:v25+s17+$0x0], $0xffff;
	v10 =	vmax.f32 v10, v24  }
0xa5: {  	v35 =	vadd.s32 $0xB080, v9;
	v10 =	vmax.f32 v10, v11;
	v11 =	vld.idx.msk [tilespmem:v26+s17+$0x0], $0xffff  }
0xa6: {  	v37 =	vadd.s32 $0xB100, v9;
	v36 =	vld.idx.msk [tilespmem:v28+s17+$0x0], $0xffff;
	v10 =	vmax.f32 v10, v27  }
0xa7: {  	v39 =	vadd.s32 $0xB180, v9;
	v38 =	vld.idx.msk [tilespmem:v30+s17+$0x0], $0xffff;
	v10 =	vmax.f32 v10, v29  }
0xa8: {  	v41 =	vadd.s32 $0xB200, v9;
	v40 =	vld.idx.msk [tilespmem:v32+s17+$0x0], $0xffff;
	v10 =	vmax.f32 v10, v31  }
0xa9: {  	v43 =	vadd.s32 $0xB280, v9;
	v42 =	vld.idx.msk [tilespmem:v34+s17+$0x0], $0xffff;
	v10 =	vmax.f32 v10, v33  }
0xaa: {  	v44 =	vadd.s32 $0xB300, v9;
	v10 =	vmax.f32 v10, v11;
	v11 =	vld.idx.msk [tilespmem:v35+s17+$0x0], $0xffff  }
0xab: {  	v46 =	vadd.s32 $0xB380, v9;
	v45 =	vld.idx.msk [tilespmem:v37+s17+$0x0], $0xffff;
	v10 =	vmax.f32 v10, v36  }
0xac: {  	v48 =	vadd.s32 $0x10800, v9;
	v47 =	vld.idx.msk [tilespmem:v39+s17+$0x0], $0xffff;
	v10 =	vmax.f32 v10, v38  }
0xad: {  	v50 =	vadd.s32 $0x10880, v9;
	v49 =	vld.idx.msk [tilespmem:v41+s17+$0x0], $0xffff;
	v10 =	vmax.f32 v10, v40  }
0xae: {  	v52 =	vadd.s32 $0x10900, v9;
	v51 =	vld.idx.msk [tilespmem:v43+s17+$0x0], $0xffff;
	v10 =	vmax.f32 v10, v42  }
0xaf: {  	v53 =	vadd.s32 $0x10980, v9;
	v10 =	vmax.f32 v10, v11;
	v11 =	vld.idx.msk [tilespmem:v44+s17+$0x0], $0xffff  }
0xb0: {  	v55 =	vadd.s32 $0x10A00, v9;
	v54 =	vld.idx.msk [tilespmem:v46+s17+$0x0], $0xffff;
	v10 =	vmax.f32 v10, v45  }
0xb1: {  	v57 =	vadd.s32 $0x10A80, v9;
	v56 =	vld.idx.msk [tilespmem:v48+s17+$0x0], $0xffff;
	v10 =	vmax.f32 v10, v47  }
0xb2: {  	v59 =	vadd.s32 $0x10B00, v9;
	v58 =	vld.idx.msk [tilespmem:v50+s17+$0x0], $0xffff;
	v10 =	vmax.f32 v10, v49  }
0xb3: {  	v9 =	vadd.s32 $0x10B80, v9;
	v60 =	vld.idx.msk [tilespmem:v52+s17+$0x0], $0xffff;
	v10 =	vmax.f32 v10, v51  }
0xb4: {  	v10 =	vmax.f32 v10, v11;
	v11 =	vld.idx.msk [tilespmem:v53+s17+$0x0], $0xffff  }
0xb5: {  	v61 =	vld.idx.msk [tilespmem:v55+s17+$0x0], $0xffff;
	v10 =	vmax.f32 v10, v54  }
0xb6: {  	v62 =	vld.idx.msk [tilespmem:v57+s17+$0x0], $0xffff;
	v10 =	vmax.f32 v10, v56  }
0xb7: {  	v63 =	vld.idx.msk [tilespmem:v59+s17+$0x0], $0xffff;
	v10 =	vmax.f32 v10, v58  }
0xb8: {  	v9 =	vld.idx.msk [tilespmem:v9+s17+$0x0], $0xffff;
	v10 =	vmax.f32 v10, v60  }
0xb9: {  	v10 =	vmax.f32 v10, v11  }
.Ltmp11:
0xba: {  	v10 =	vmax.f32 v10, v61;
	(pc) =	sbr.rel .LBB2_12-.Ltmp11, $4  }
0xbb: {  	v10 =	vmax.f32 v10, v62  }
0xbc: {  	s3 =	sshll.u32 s3, $0x7;
	v10 =	vmax.f32 v10, v63  }
0xbd: {  	v8 =	vnsel vm0, $0x0, v8;
	s3 =	sor.u32 s31, s3;
	v9 =	vmax.f32 v10, v9  }
0xbe: {  	[tilespmem:s3+$0x1E400] =	vst v8;
	v8 =	vnsel vm0, $0x0, v9  }
.LBB2_14:
.Ltmp12:
0xbf: {  	s24 =	simm.s32 $0x0;
	(pc) =	sbr.rel .LBB2_15-.Ltmp12, $4  }
0xc0: {  	[tilespmem:s19], [sflag:$0x2] =	stream.linear.gather [hbm4b:s6+s24], $0x800, $0x38;
	[tilespmem:$0x1F500] =	vst v63  }
0xc1: {  	_ =	swait.ge [sflag:s13], $0x800  }
0xc2: {  	[sflag:s13] =	ssyncset.done $0x0  }
0xc3: {  	s25 =	simm.s32 $0x16400;
	[sflag:s13] =	ssyncadd.s32 $0xFFFFF800  }
.LBB2_17:
0xc4: {  	s24 =	sadd.s32 $0x10, s24  }
0xc5: {  	p1 =	sne.s32 s24, $0x4000  }
.Ltmp13:
0xc6: {  	_ = 	snop;
	(pc) =	sbr.rel @!p1 .LBB2_18-.Ltmp13, $2  }
0xc7: {  	_ =	sdelay $0x2  }
0xc8: {  	s25 =	sadd.s32 $0x10, s25  }
.LBB2_15:
0xc9: {  	v5 =	vld [tilespmem:s25+$0x0];
	_ =	sdelay $0x4  }
0xca: {  	vm0 =	vgt.s32 v5, $0xF41FF  }
0xcb: {  	v6 =	vsel vm0, $0x3F800000, v3  }
0xcc: {  	(xrf0) =	vmax.scan.msk.f32 $0xffff, v6;
	_ =	sdelay $0x5  }
0xcd: {  	v6, _, _ =	vpop (xrf0)  }
0xce: {  	(v2sf) =	vpush v6, $0xF;
	_ =	sdelay $0xe  }
0xcf: {  	s3 =	spop (v2sf)  }
0xd0: {  	p1 =	sgt.f32 s3, $0.0e+00  }
.Ltmp14:
0xd1: {  	_ = 	snop;
	(pc) =	sbr.rel @!p1 .LBB2_17-.Ltmp14, $1  }
0xd2: {  	_ =	sdelay $0x3  }
0xd3: {  	v5 =	vshll.u32 v5, $0x5  }
0xd4: {  	v5 =	vadd.s32 $0xFE17C000, v5  }
0xd5: {  	v5 =	vnsel vm0, $0x0, v5  }
0xd6: {  	v6 =	vor.u32 $0x1, v5  }
0xd7: {  	v7 =	vor.u32 $0x2, v5  }
0xd8: {  	v8 =	vor.u32 $0x3, v5  }
0xd9: {  	v9 =	vor.u32 $0x4, v5  }
0xda: {  	v11 =	vor.u32 $0x5, v5;
	v10 =	vld.idx.msk [tilespmem:v5+s19+$0x0], $0xffff  }
0xdb: {  	v12 =	vor.u32 $0x6, v5;
	v6 =	vld.idx.msk [tilespmem:v6+s19+$0x0], $0xffff  }
0xdc: {  	v13 =	vor.u32 $0x7, v5;
	v7 =	vld.idx.msk [tilespmem:v7+s19+$0x0], $0xffff  }
0xdd: {  	v14 =	vor.u32 $0x8, v5;
	v8 =	vld.idx.msk [tilespmem:v8+s19+$0x0], $0xffff  }
0xde: {  	v15 =	vor.u32 $0x9, v5;
	v9 =	vld.idx.msk [tilespmem:v9+s19+$0x0], $0xffff  }
0xdf: {  	v16 =	vor.u32 $0xA, v5;
	v11 =	vld.idx.msk [tilespmem:v11+s19+$0x0], $0xffff  }
0xe0: {  	v25 =	vor.u32 $0xB, v5;
	v24 =	vld.idx.msk [tilespmem:v12+s19+$0x0], $0xffff;
	v6 =	vmax.f32 v10, v6  }
0xe1: {  	v26 =	vor.u32 $0xC, v5;
	v6 =	vmax.f32 v6, v7;
	v7 =	vld.idx.msk [tilespmem:v13+s19+$0x0], $0xffff  }
0xe2: {  	v28 =	vor.u32 $0xD, v5;
	v27 =	vld.idx.msk [tilespmem:v14+s19+$0x0], $0xffff;
	v6 =	vmax.f32 v6, v8  }
0xe3: {  	v30 =	vor.u32 $0xE, v5;
	v29 =	vld.idx.msk [tilespmem:v15+s19+$0x0], $0xffff;
	v6 =	vmax.f32 v6, v9  }
0xe4: {  	v32 =	vor.u32 $0xF, v5;
	v31 =	vld.idx.msk [tilespmem:v16+s19+$0x0], $0xffff;
	v6 =	vmax.f32 v6, v11  }
0xe5: {  	v34 =	vor.u32 $0x10, v5;
	v33 =	vld.idx.msk [tilespmem:v25+s19+$0x0], $0xffff;
	v6 =	vmax.f32 v6, v24  }
0xe6: {  	v35 =	vor.u32 $0x11, v5;
	v6 =	vmax.f32 v6, v7;
	v7 =	vld.idx.msk [tilespmem:v26+s19+$0x0], $0xffff  }
0xe7: {  	v37 =	vor.u32 $0x12, v5;
	v36 =	vld.idx.msk [tilespmem:v28+s19+$0x0], $0xffff;
	v6 =	vmax.f32 v6, v27  }
0xe8: {  	v39 =	vor.u32 $0x13, v5;
	v38 =	vld.idx.msk [tilespmem:v30+s19+$0x0], $0xffff;
	v6 =	vmax.f32 v6, v29  }
0xe9: {  	v41 =	vor.u32 $0x14, v5;
	v40 =	vld.idx.msk [tilespmem:v32+s19+$0x0], $0xffff;
	v6 =	vmax.f32 v6, v31  }
0xea: {  	v43 =	vor.u32 $0x15, v5;
	v42 =	vld.idx.msk [tilespmem:v34+s19+$0x0], $0xffff;
	v6 =	vmax.f32 v6, v33  }
0xeb: {  	v44 =	vor.u32 $0x16, v5;
	v6 =	vmax.f32 v6, v7;
	v7 =	vld.idx.msk [tilespmem:v35+s19+$0x0], $0xffff  }
0xec: {  	v46 =	vor.u32 $0x17, v5;
	v45 =	vld.idx.msk [tilespmem:v37+s19+$0x0], $0xffff;
	v6 =	vmax.f32 v6, v36  }
0xed: {  	v48 =	vor.u32 $0x18, v5;
	v47 =	vld.idx.msk [tilespmem:v39+s19+$0x0], $0xffff;
	v6 =	vmax.f32 v6, v38  }
0xee: {  	v50 =	vor.u32 $0x19, v5;
	v49 =	vld.idx.msk [tilespmem:v41+s19+$0x0], $0xffff;
	v6 =	vmax.f32 v6, v40  }
0xef: {  	v52 =	vor.u32 $0x1A, v5;
	v51 =	vld.idx.msk [tilespmem:v43+s19+$0x0], $0xffff;
	v6 =	vmax.f32 v6, v42  }
0xf0: {  	v53 =	vor.u32 $0x1B, v5;
	v6 =	vmax.f32 v6, v7;
	v7 =	vld.idx.msk [tilespmem:v44+s19+$0x0], $0xffff  }
0xf1: {  	v55 =	vor.u32 $0x1C, v5;
	v54 =	vld.idx.msk [tilespmem:v46+s19+$0x0], $0xffff;
	v6 =	vmax.f32 v6, v45  }
0xf2: {  	v57 =	vor.u32 $0x1D, v5;
	v56 =	vld.idx.msk [tilespmem:v48+s19+$0x0], $0xffff;
	v6 =	vmax.f32 v6, v47  }
0xf3: {  	v59 =	vor.u32 $0x1E, v5;
	v58 =	vld.idx.msk [tilespmem:v50+s19+$0x0], $0xffff;
	v6 =	vmax.f32 v6, v49  }
0xf4: {  	v5 =	vor.u32 $0x1F, v5;
	v60 =	vld.idx.msk [tilespmem:v52+s19+$0x0], $0xffff;
	v6 =	vmax.f32 v6, v51  }
0xf5: {  	v6 =	vmax.f32 v6, v7;
	v7 =	vld.idx.msk [tilespmem:v53+s19+$0x0], $0xffff  }
0xf6: {  	v61 =	vld.idx.msk [tilespmem:v55+s19+$0x0], $0xffff;
	v6 =	vmax.f32 v6, v54  }
0xf7: {  	v62 =	vld.idx.msk [tilespmem:v57+s19+$0x0], $0xffff;
	v6 =	vmax.f32 v6, v56  }
0xf8: {  	v63 =	vld.idx.msk [tilespmem:v59+s19+$0x0], $0xffff;
	v6 =	vmax.f32 v6, v58  }
0xf9: {  	v5 =	vld.idx.msk [tilespmem:v5+s19+$0x0], $0xffff;
	v6 =	vmax.f32 v6, v60  }
0xfa: {  	v6 =	vmax.f32 v6, v7  }
0xfb: {  	v6 =	vmax.f32 v6, v61  }
0xfc: {  	v6 =	vmax.f32 v6, v62  }
0xfd: {  	v7 =	vor.u32 s24, v2;
	v6 =	vmax.f32 v6, v63  }
0xfe: {  	v5 =	vmax.f32 v6, v5;
	v6 =	vnsel vm0, $0x0, v7  }
0xff: {  	[tilespmem:$0x1F400] =	vst v6;
	v5 =	vnsel vm0, $0x0, v5  }
.Ltmp15:
0x100: {  	[tilespmem:$0x1F480] =	vst v5;
	(pc) =	sbr.rel .LBB2_17-.Ltmp15, $4  }
0x101: {  	[spmem:s4] =	stream.indirect.scatter.add.f32 [tilespmem:s22], [sflag:$0x2], $0x1, s21, s20, $0xb8;
	[tilespmem:$0x1F500] =	vst v63  }
0x102: {  	_ =	swait.ge [sflag:s13], $0x10  }
0x103: {  	[sflag:s13] =	ssyncset.done $0x0  }
0x104: {  	[sflag:s13] =	ssyncadd.s32 $0xFFFFFFF0  }
.LBB2_19:
0x105: {  	_ =	sfence.sel $0x180000  }
0x106: {  	[bflag:$0x0] =	sbarrier.arrive $0xFFFF  }
0x107: {  	_ =	strace $0x90000047  }
0x108: {  	[bflag:$0x2] =	sbarrier.arrive $0xFFFF  }
0x109: {  	p0 =	sne.s32 s1, $0x0;
	s0 =	rddreg [dreg:$0x5]  }
0x10a: {  	s0 =	sadd.s32 @!p0 $0x100000, s0  }
0x10b: {  	[sflag:s0] =	ssyncadd.tile.s32 @!p0 $0x1;
	_ =	shalt  }
.Lfunc_end2:
_tile_overlayer_lowered:
.L_overlay_start_2:
0x10c: {  	(tag) =	ssettag $0x2  }
0x10d: {  	s0 =	rddreg [dreg:$0x0];
	s2 =	stileid.u32  }
0x10e: {  	s1 =	rddreg [dreg:$0x1];
	p0 =	sne.s32 s2, $0x0  }
0x10f: {  	s3 =	rddreg [dreg:$0x2];
	[bflag:$0x3] =	sbarrier.arrive $0xFFFF;
	s2 =	simm.s32 @!p0 $0x1C02  }
0x110: {  	[timem:s3], [sflag:s2] =	dma.local @!p0 [hbm:s0], s1  }
0x111: {  	s0 =	simm.s32 @!p0 $0x2  }
0x112: {  	_ =	swait.ge @!p0 [sflag:s0], s1  }
0x113: {  	s1 =	ssub.s32 @!p0 $0x0, s1;
	[sflag:s0] =	ssyncset.done @!p0 $0x0  }
0x114: {  	[sflag:s0] =	ssyncadd.s32 @!p0 s1  }
0x115: {  	[bflag:$0x3] =	sbarrier.arrive $0xFFFF  }
0x116: {  	_ =	shalt  }

// kernel: kernel.8.cloned.1.call-start
scs
__scs_entry_jumppad:
0x0: {  	(pc) =	sbr.rel $0x88, $3  }
0x1: {  	(tag) =	ssettag $0x0;
	lr =	simm.s32 $0x1  }
0x2: {  	[smem:$0x3F9C] =	sst lr;
	_ =	strace $0xD0000000  }
0x3: {  	_ = 	snop  }
0x4: {  	_ = 	snop  }
0x5: {  	_ = 	snop  }
0x6: {  	_ = 	snop  }
0x7: {  	_ = 	snop  }
__scs_overlays_trampoline_lowered:
0x8: {  	[smem:$0x3FAB] =	sst s0  }
0x9: {  	[smem:$0x3FAC] =	sst s1  }
0xa: {  	[smem:$0x3FAD] =	sst s2  }
0xb: {  	[smem:$0x3FAE] =	sst s3  }
0xc: {  	[smem:$0x3FAF] =	sst s4  }
0xd: {  	[smem:$0x3FB0] =	sst s5  }
0xe: {  	[smem:$0x3FB1] =	sst s6  }
0xf: {  	[smem:$0x3FB2] =	sst s7  }
0x10: {  	[smem:$0x3FB3] =	sst s8  }
0x11: {  	[smem:$0x3FB4] =	sst s9;
	s0 =	simm.s32 @!p0 $0x0  }
0x12: {  	s1 =	sld [smem:$0x3F9A];
	s0 =	simm.s32 @p0 $0x1  }
0x13: {  	[smem:$0x3FB5] =	sst s0;
	s0 =	simm.s32 @!p1 $0x0  }
0x14: {  	s2 =	sld [smem:$0x3F99];
	s0 =	simm.s32 @p1 $0x1  }
0x15: {  	[smem:$0x3FB6] =	sst s0;
	s0 =	simm.s32 @!p2 $0x0  }
0x16: {  	s3 =	sld [smem:$0x3FDB];
	s0 =	simm.s32 @p2 $0x1  }
0x17: {  	s4 =	simm.s32 $0x1BF5;
	[smem:$0x3FB8] =	sst s0  }
0x18: {  	s0 =	sld [smem:$0x3F9B];
	_ =	swait.ge [sflag:s4], $0x0  }
0x19: {  	s7 =	sld [smem:$0x3F9C]  }
0x1a: {  	s8 =	sadd.s32 $0xFFFFE003, lr  }
0x1b: {  	s9 =	sadd.s32 $0xFFFFFEF7, lr;
	s5 =	simm.s32 $0xFFFFFFFF;
	p2 =	slt.u32 s8, $0xFFFFF086  }
0x1c: {  	p1 =	slt.u32 s9, $0xF7A;
	s5 =	simm.s32 @!p2 $0x0  }
0x1d: {  	s5 =	simm.s32 @p1 $0x1;
	p0 =	seq.s32 s7, s2  }
0x1e: {  	s7 =	smul.u32 @!p0 $0xF7A, s2;
	p2 =	seq.s32 @!p0 s5, $0x0  }
0x1f: {  	s9 =	smul.u32 $0xF7A, s1;
	s8 =	simm.s32 @!p0 $0x1BF5;
	p2 =	por !p2, p0  }
0x20: {  	[sflag:s8] =	ssyncset.s32 @!p0 $0xFFFFF086;
	s6 =	sadd.s32 @!p0 s3, s7;
	s7 =	simm.s32 @!p0 $0x108  }
0x21: {  	s3 =	sadd.s32 s3, s9;
	s6 =	sadd.s32 @!p0 $0x88, s6;
	s7 =	simm.s32 @p2 $0x1082  }
0x22: {  	[simem:s7], [sflag:s8] =	dma.local @!p0 [hbm:s6], $0xF7A  }
0x23: {  	s9 =	sor.u32 $0xD0000000, s2;
	s6 =	simm.s32 $0x108;
	_ =	swait.ge @!p0 [sflag:s8], $0x0  }
0x24: {  	s3 =	sadd.s32 $0x88, s3;
	s6 =	simm.s32 @!p1 $0x1082;
	[sflag:s4] =	ssyncset.s32 $0xFFFFF086  }
0x25: {  	[simem:s6], [sflag:s4] =	dma.local [hbm:s3], $0xF7A  }
0x26: {  	[smem:$0x3F9C] =	sst s1;
	(tag) =	ssettag s2;
	_ =	strace s9  }
0x27: {  	s1 =	sld [smem:$0x3FAC]  }
0x28: {  	s2 =	sld [smem:$0x3FAD]  }
0x29: {  	s4 =	sld [smem:$0x3FAF]  }
0x2a: {  	p0 =	seq.s32 s5, $0x0;
	s5 =	sld [smem:$0x3FB0]  }
0x2b: {  	s6 =	sld [smem:$0x3FB1]  }
0x2c: {  	s7 =	sld [smem:$0x3FB2]  }
0x2d: {  	s3 =	simm.s32 $0x108;
	s8 =	sld [smem:$0x3FB3]  }
0x2e: {  	s3 =	simm.s32 @!p0 $0x1082;
	s9 =	sld [smem:$0x3FB4]  }
0x2f: {  	lr =	sadd.s32 s0, s3;
	s0 =	sld [smem:$0x3FAB]  }
0x30: {  	s3 =	sld [smem:$0x3FAE]  }
0x31: {  	[smem:$0x3FB7] =	sst s10  }
0x32: {  	s10 =	sld [smem:$0x3FB5];
	_ =	sdelay $0x3  }
0x33: {  	p0 =	seq.s32 s10, $0x1;
	s10 =	sld [smem:$0x3FB7];
	_ =	sdelay $0x3  }
0x34: {  	[smem:$0x3FB7] =	sst s10  }
0x35: {  	s10 =	sld [smem:$0x3FB6];
	_ =	sdelay $0x3  }
0x36: {  	p1 =	seq.s32 s10, $0x1;
	s10 =	sld [smem:$0x3FB7];
	_ =	sdelay $0x3  }
0x37: {  	[smem:$0x3FB7] =	sst s10  }
0x38: {  	s10 =	sld [smem:$0x3FB8]  }
0x39: {  	_ = 	snop;
	(pc) =	sbr.ind lr, $3  }
0x3a: {  	_ = 	snop  }
0x3b: {  	_ = 	snop  }
0x3c: {  	p2 =	seq.s32 s10, $0x1;
	s10 =	sld [smem:$0x3FB7]  }
0x3d: {  	_ =	shalt  }
0x3e: {  	_ =	shalt  }
0x3f: {  	_ =	shalt  }
0x40: {  	_ =	shalt  }
0x41: {  	_ =	shalt  }
0x42: {  	_ =	shalt  }
0x43: {  	_ =	shalt  }
0x44: {  	_ =	shalt  }
0x45: {  	_ =	shalt  }
0x46: {  	_ =	shalt  }
0x47: {  	_ =	shalt  }
0x48: {  	_ =	shalt  }
0x49: {  	_ =	shalt  }
0x4a: {  	_ =	shalt  }
0x4b: {  	_ =	shalt  }
0x4c: {  	_ =	shalt  }
0x4d: {  	_ =	shalt  }
0x4e: {  	_ =	shalt  }
0x4f: {  	_ =	shalt  }
0x50: {  	_ =	shalt  }
0x51: {  	_ =	shalt  }
0x52: {  	_ =	shalt  }
0x53: {  	_ =	shalt  }
0x54: {  	_ =	shalt  }
0x55: {  	_ =	shalt  }
0x56: {  	_ =	shalt  }
0x57: {  	_ =	shalt  }
0x58: {  	_ =	shalt  }
0x59: {  	_ =	shalt  }
0x5a: {  	_ =	shalt  }
0x5b: {  	_ =	shalt  }
0x5c: {  	_ =	shalt  }
0x5d: {  	_ =	shalt  }
0x5e: {  	_ =	shalt  }
0x5f: {  	_ =	shalt  }
0x60: {  	_ =	shalt  }
0x61: {  	_ =	shalt  }
0x62: {  	_ =	shalt  }
0x63: {  	_ =	shalt  }
0x64: {  	_ =	shalt  }
0x65: {  	_ =	shalt  }
0x66: {  	_ =	shalt  }
0x67: {  	_ =	shalt  }
0x68: {  	_ =	shalt  }
0x69: {  	_ =	shalt  }
0x6a: {  	_ =	shalt  }
0x6b: {  	_ =	shalt  }
0x6c: {  	_ =	shalt  }
0x6d: {  	_ =	shalt  }
0x6e: {  	_ =	shalt  }
0x6f: {  	_ =	shalt  }
0x70: {  	_ =	shalt  }
0x71: {  	_ =	shalt  }
0x72: {  	_ =	shalt  }
0x73: {  	_ =	shalt  }
0x74: {  	_ =	shalt  }
0x75: {  	_ =	shalt  }
0x76: {  	_ =	shalt  }
0x77: {  	_ =	shalt  }
0x78: {  	_ =	shalt  }
0x79: {  	_ =	shalt  }
0x7a: {  	_ =	shalt  }
0x7b: {  	_ =	shalt  }
0x7c: {  	_ =	shalt  }
0x7d: {  	_ =	shalt  }
0x7e: {  	_ =	shalt  }
0x7f: {  	_ =	shalt  }
0x80: {  	_ =	shalt  }
0x81: {  	_ =	shalt  }
0x82: {  	_ =	shalt  }
0x83: {  	_ =	shalt  }
0x84: {  	_ =	shalt  }
0x85: {  	_ =	shalt  }
0x86: {  	_ =	shalt  }
0x87: {  	_ =	shalt  }
.Lfunc_end0:
.L_simem_size_0:
called_computation.1_lowered:
.L_overlay_start_0:
0x88: {  	s2 =	sld [smem:$0x3FD9]  }
0x89: {  	s3 =	sld [smem:$0x3FFE];
	_ =	sdelay $0x1  }
0x8a: {  	s1 =	srdreg.scid  }
0x8b: {  	s0 =	sand.u32 $0x1, s1  }
0x8c: {  	s17 =	sshll.u32 s0, $0xA;
	s2 =	sadd.s32 s3, s2  }
0x8d: {  	s2 =	sadd.s32 s2, s17  }
0x8e: {  	[smem:$0x3FC3] =	sst s2  }
0x8f: {  	_ = 	snop  }
0x90: {  	s2 =	sld [smem:$0x3FC9]  }
0x91: {  	s18 =	sld [smem:$0x3FC8]  }
0x92: {  	s4 =	sld [smem:$0x3FC7]  }
0x93: {  	s5 =	sld [smem:$0x3FD0];
	(tm) =	ssettm $0x1  }
0x94: {  	s6 =	sld [smem:$0x3FFB];
	_ =	sdelay $0x3  }
0x95: {  	_ =	strace s6  }
0x96: {  	s6 =	sld [smem:$0x3FFC];
	_ =	sdelay $0x3  }
0x97: {  	_ =	strace s6  }
0x98: {  	s6 =	sld [smem:$0x3FFD];
	_ =	sdelay $0x3  }
0x99: {  	_ =	strace s6  }
0x9a: {  	_ =	strace $0x8FFFFFFF  }
0x9b: {  	s19 =	sld [smem:$0x3FDB];
	_ =	sdelay $0x1  }
0x9c: {  	s7 =	simm.s32 $_scs_section_size  }
0x9d: {  	s8 =	simm.s32 $_size__tile_overlayer_lowered;
	s9 =	simm.s32 $_tile_overlayer_lowered  }
0x9e: {  	s22 =	simm.s32 $0x1BFF;
	s21 =	sshll.u32 s9, $0x1;
	s6 =	sadd.s32 s7, s19  }
0x9f: {  	s10 =	simm.s32 $0x0;
	s20 =	sshll.u32 s8, $0x1;
	s8 =	sadd.s32 s21, s6  }
0xa0: {  	[timem:s10], [sflag:s22] =	dma.local [hbm:s8], s20  }
0xa1: {  	_ =	swait.ge [sflag:s22], s20  }
0xa2: {  	s7 =	ssub.s32 $0x0, s20;
	[sflag:s22] =	ssyncset.done $0x0  }
0xa3: {  	[sflag:s22] =	ssyncadd.s32 s7;
	_ =	sdelay $0x1  }
0xa4: {  	s23 =	simm.s32 $0x1B8B  }
0xa5: {  	_ =	swait.ge [sflag:s23], $0x1  }
0xa6: {  	[sflag:s23] =	ssyncset.done $0x0  }
0xa7: {  	s25 =	simm.s32 $0x1B8E;
	s24 =	sld [smem:$0x3FFE];
	[sflag:s23] =	ssyncadd.s32 $0xFFFFFFFF  }
0xa8: {  	s26 =	simm.s32 $execute0_lowered;
	[smem:$0x3FD2] =	sst s25  }
0xa9: {  	s8 =	sshll.u32 s26, $0x1;
	_ =	strace $0x80000049;
	[dreg:$0x1] =	wrdreg $0xFFFFFFFF  }
0xaa: {  	s28 =	simm.s32 $_size_execute0_lowered;
	s6 =	sadd.s32 s6, s8;
	[dreg:$0x0] =	wrdreg $0x0  }
0xab: {  	s8 =	sshll.u32 s28, $0x1;
	[dreg:$0x2] =	wrdreg s6  }
0xac: {  	[dreg:$0x3] =	wrdreg s8  }
0xad: {  	[dreg:$0x4] =	wrdreg $0xC0  }
0xae: {  	_ =	task [dreg:s10], $0x5FFFF  }
0xaf: {  	[dreg:$0x1] =	wrdreg $0xFFFFFFFF  }
0xb0: {  	[dreg:$0x0] =	wrdreg $0x60  }
0xb1: {  	[dreg:$0x2] =	wrdreg s2  }
0xb2: {  	[dreg:$0x3] =	wrdreg s18  }
0xb3: {  	[dreg:$0x4] =	wrdreg s4  }
0xb4: {  	[dreg:$0x5] =	wrdreg s5  }
0xb5: {  	[dreg:$0x6] =	wrdreg s24  }
0xb6: {  	[dreg:$0x7] =	wrdreg $0x9  }
0xb7: {  	_ =	task.clear_ibuf [dreg:s10], $0x8FFFF;
	_ =	strace $0x90000049  }
0xb8: {  	s29 =	simm.s32 $0x9;
	_ =	strace $0x8000004B  }
0xb9: {  	_ =	swait.ge [sflag:s29], $0x1  }
0xba: {  	[sflag:s29] =	ssyncadd.s32 $0xFFFFFFFF  }
0xbb: {  	_ =	strace $0x9000004B  }
0xbc: {  	_ =	sfence  }
0xbd: {  	s30 =	sld [smem:$0x0];
	_ =	sdelay $0x2  }
0xbe: {  	s31 =	sshll.u32 s1, $0xD;
	s1 =	sshrl.u32 s1, $0x2  }
0xbf: {  	s3 =	sand.u32 $0x4000, s31;
	s1 =	sadd.s32 s1, s30  }
0xc0: {  	s0 =	sor.u32 s3, s0;
	s1 =	sshll.u32 s1, $0x11  }
0xc1: {  	s0 =	sor.u32 s1, s0  }
0xc2: {  	s0 =	sadd.s32 $0x8F2B, s0  }
0xc3: {  	[sflag:s0] =	ssyncadd.remote.s32 $0x1  }
0xc4: {  	_ =	sfence.sel $0xFFFF  }
0xc5: {  	[dreg:$0x0] =	wrdreg $0xFFFFFFFF;
	(pc) =	sbr.abs _section_cstart, $3  }
0xc6: {  	[dreg:$0x1] =	wrdreg $0xFFFFFFFF  }
0xc7: {  	_ =	task.clear_ibuf [dreg:s10], $0x2FFFF;
	_ =	strace $0x9FFFFFFF  }
0xc8: {  	(tm) =	ssettm $0x7FFFFFFF  }
0xc9: {  	_ =	shalt  }
tec
execute0_lowered:
.L_overlay_start_1:
0x0: {  	(tag) =	ssettag $0x1  }
0x1: {  	s3 =	rddreg [dreg:$0x0]  }
0x2: {  	s4 =	rddreg [dreg:$0x1]  }
0x3: {  	s5 =	rddreg [dreg:$0x2]  }
0x4: {  	s6 =	rddreg [dreg:$0x3]  }
0x5: {  	s7 =	rddreg [dreg:$0x4]  }
0x6: {  	s0 =	rddreg [dreg:$0x5];
	s2 =	simm.s32 $0x0;
	s8 =	srdreg.scid  }
0x7: {  	s1 =	stileid.u32;
	s12 =	simm.s32 $0x200;
	s13 =	simm.s32 $0x400  }
0x8: {  	s14 =	simm.s32 $0x600;
	s15 =	simm.s32 $0x800;
	s16 =	simm.s32 $0xA00  }
0x9: {  	s17 =	simm.s32 $0xC00;
	s18 =	simm.s32 $0x0;
	s8 =	sand.u32 $0x1, s8  }
0xa: {  	s9 =	sshll.u32 s1, $0x7;
	s10 =	sshll.u32 s8, $0x6;
	s8 =	ssub.s32 $0x2, s8  }
0xb: {  	[smem:$0x7FF] =	sst s2;
	s9 =	sor.u32 s10, s9;
	s31 =	sshrl.u32 s8, $0x1  }
0xc: {  	_ =	strace $0x8000004A;
	s11 =	sadd.s32 s9, s7;
	s10 =	ssub.s32 s8, s31  }
0xd: {  	s3 =	sadd.s32 s3, s9;
	s4 =	sadd.s32 s4, s9;
	s6 =	sadd.s32 s6, s9  }
0xe: {  	s5 =	sadd.s32 s5, s9;
	s7 =	sadd.s32 $0x800, s6;
	s8 =	sadd.s32 $0x1600, s11  }
0xf: {  	s9 =	sadd.s32 $0x1E00, s11;
	s10 =	smax.u32 s10, $0x1;
	s11 =	simm.s32 $0x1  }
.LBB2_1:
0x10: {  	[tilespmem:s2], [sflag:$0x1] =	stream.linear.gather [hbm4b:s3+s2], $0x200, $0x38;
	[tilespmem:$0xE00] =	vst v63  }
0x11: {  	_ =	swait.ge [sflag:s11], $0x200  }
0x12: {  	[sflag:s11] =	ssyncset.done $0x0  }
0x13: {  	[sflag:s11] =	ssyncadd.s32 $0xFFFFFE00  }
0x14: {  	[tilespmem:s12], [sflag:$0x1] =	stream.linear.gather [hbm4b:s4+s2], $0x200, $0x38;
	[tilespmem:$0xE00] =	vst v63  }
0x15: {  	_ =	swait.ge [sflag:s11], $0x200  }
0x16: {  	[sflag:s11] =	ssyncset.done $0x0  }
0x17: {  	[sflag:s11] =	ssyncadd.s32 $0xFFFFFE00  }
0x18: {  	[tilespmem:s13], [sflag:$0x1] =	stream.linear.gather [hbm4b:s5+s2], $0x200, $0x38;
	[tilespmem:$0xE00] =	vst v63  }
0x19: {  	_ =	swait.ge [sflag:s11], $0x200  }
0x1a: {  	[sflag:s11] =	ssyncset.done $0x0  }
0x1b: {  	[sflag:s11] =	ssyncadd.s32 $0xFFFFFE00  }
0x1c: {  	[tilespmem:s14], [sflag:$0x1] =	stream.linear.gather [hbm4b:s6+s2], $0x200, $0x38;
	[tilespmem:$0xE00] =	vst v63  }
0x1d: {  	_ =	swait.ge [sflag:s11], $0x200  }
0x1e: {  	[sflag:s11] =	ssyncset.done $0x0  }
0x1f: {  	[sflag:s11] =	ssyncadd.s32 $0xFFFFFE00  }
0x20: {  	[tilespmem:s15], [sflag:$0x1] =	stream.linear.gather [hbm4b:s7+s2], $0x200, $0x38;
	[tilespmem:$0xE00] =	vst v63  }
0x21: {  	_ =	swait.ge [sflag:s11], $0x200  }
0x22: {  	[sflag:s11] =	ssyncset.done $0x0  }
0x23: {  	s19 =	simm.s32 $0x0;
	[sflag:s11] =	ssyncadd.s32 $0xFFFFFE00  }
0x24: {  	v1 =	vld [tilespmem:s19+$0x600]  }
0x25: {  	v2 =	vld [tilespmem:s19+$0x800];
	_ =	sdelay $0x1  }
0x26: {  	v4 =	vld [tilespmem:s19+$0x400]  }
0x27: {  	v3 =	vld [tilespmem:s19+$0x0]  }
0x28: {  	s20 =	simm.s32 $0x10;
	v5 =	vld [tilespmem:s19+$0x200]  }
0x29: {  	v0 =	vld [tilespmem:s20+$0x600];
	v6 =	vadd.f32 v2, v1  }
0x2a: {  	v2 =	vld [tilespmem:s20+$0x800]  }
0x2b: {  	v1 =	vld [tilespmem:s20+$0x0];
	v6 =	vadd.f32 v6, v4  }
0x2c: {  	v7 =	vshll.u32 v3, $0x5;
	v4 =	vld [tilespmem:s20+$0x400]  }
0x2d: {  	s21 =	simm.s32 $0x80;
	v3 =	vld [tilespmem:s20+$0x200];
	v5 =	vadd.s32 v5, v7;
	[tilespmem:s19+$0xC00] =	vst v6  }
.LBB2_2:
0x2e: {  	[tilespmem:s19+$0xA00] =	vst v5;
	s19 =	smov.u32 s20;
	s20 =	sshra.s32 s21, $0x2;
	p0 =	sne.s32 s21, $0x7C0  }
.Ltmp0:
0x2f: {  	s21 =	sadd.s32 $0x40, s21;
	v5 =	vadd.f32 v2, v0;
	v0 =	vld [tilespmem:s20+$0x600];
	(pc) =	sbr.rel @p0 .LBB2_2-.Ltmp0, $4  }
0x30: {  	v2 =	vld [tilespmem:s20+$0x800];
	v6 =	vshll.u32 v1, $0x5  }
0x31: {  	v1 =	vld [tilespmem:s20+$0x0];
	v7 =	vadd.f32 v5, v4  }
0x32: {  	v4 =	vld [tilespmem:s20+$0x400];
	v5 =	vadd.s32 v3, v6  }
0x33: {  	v3 =	vld [tilespmem:s20+$0x200];
	[tilespmem:s19+$0xC00] =	vst v7  }
0x34: {  	_ = 	snop  }
0x35: {  	v0 =	vadd.f32 v2, v0;
	_ =	sdelay $0x1  }
0x36: {  	v0 =	vadd.f32 v0, v4  }
0x37: {  	[tilespmem:s19+$0xA00] =	vst v5;
	v1 =	vshll.u32 v1, $0x5  }
0x38: {  	v1 =	vadd.s32 v3, v1;
	[tilespmem:s20+$0xC00] =	vst v0  }
0x39: {  	[tilespmem:s20+$0xA00] =	vst v1  }
0x3a: {  	[hbm4b:s8+s2] =	stream.linear.scatter [tilespmem:s16], [sflag:$0x1], $0x200, $0x38;
	[tilespmem:$0xE00] =	vst v63  }
0x3b: {  	s18 =	sadd.s32 $0x1, s18;
	_ =	swait.ge [sflag:s11], $0x200  }
0x3c: {  	p0 =	sne.s32 s18, s10;
	[sflag:s11] =	ssyncset.done $0x0  }
.Ltmp1:
0x3d: {  	[sflag:s11] =	ssyncadd.s32 $0xFFFFFE00;
	(pc) =	sbr.rel @p0 .LBB2_1-.Ltmp1, $4  }
0x3e: {  	[hbm4b:s9+s2] =	stream.linear.scatter [tilespmem:s17], [sflag:$0x1], $0x200, $0x38;
	[tilespmem:$0xE00] =	vst v63  }
0x3f: {  	_ =	swait.ge [sflag:s11], $0x200  }
0x40: {  	[sflag:s11] =	ssyncset.done $0x0  }
0x41: {  	[sflag:s11] =	ssyncadd.s32 $0xFFFFFE00  }
0x42: {  	_ =	sfence.sel $0x180000  }
0x43: {  	[bflag:$0x0] =	sbarrier.arrive $0xFFFF  }
0x44: {  	p0 =	sne.s32 s1, $0x0;
	_ =	strace $0x9000004A  }
0x45: {  	s0 =	sadd.s32 @!p0 $0x100000, s0;
	[bflag:$0x2] =	sbarrier.arrive $0xFFFF  }
0x46: {  	[sflag:s0] =	ssyncadd.tile.s32 @!p0 $0x1;
	_ =	shalt  }
.Lfunc_end2:
_tile_overlayer_lowered:
.L_overlay_start_2:
0x47: {  	(tag) =	ssettag $0x2  }
0x48: {  	s0 =	rddreg [dreg:$0x0];
	s2 =	stileid.u32  }
0x49: {  	s1 =	rddreg [dreg:$0x1];
	p0 =	sne.s32 s2, $0x0  }
0x4a: {  	s3 =	rddreg [dreg:$0x2];
	[bflag:$0x3] =	sbarrier.arrive $0xFFFF;
	s2 =	simm.s32 @!p0 $0x1C01  }
0x4b: {  	[timem:s3], [sflag:s2] =	dma.local @!p0 [hbm:s0], s1  }
0x4c: {  	s0 =	simm.s32 @!p0 $0x1  }
0x4d: {  	_ =	swait.ge @!p0 [sflag:s0], s1  }
0x4e: {  	s1 =	ssub.s32 @!p0 $0x0, s1;
	[sflag:s0] =	ssyncset.done @!p0 $0x0  }
0x4f: {  	[sflag:s0] =	ssyncadd.s32 @!p0 s1  }
0x50: {  	[bflag:$0x3] =	sbarrier.arrive $0xFFFF  }
0x51: {  	_ =	shalt  }

</sc_bundles>
